<compile_context>
chip_gen: v7x
topology: tpu7x:2x2x1
jax: 0.10.2.dev20260603
libtpu: 0.0.44.dev20260713+nightly
codegen_flags: <defaults>
</compile_context>

<pallas_src>
import functools

import jax
import jax.numpy as jnp
from jax import lax
from jax.experimental import pallas as pl
from jax.experimental.pallas import tpu as pltpu
from jax.experimental.pallas import tpu_sc as plsc

N = 10000
NP = 10240
E = 320000
D = 128
NC = 2
NS = 16
NW = NC * NS
C = 32
CPT = 79
NROWS = E // 128
LAST_ROWS = NROWS - (NW - 1) * CPT

_mesh = plsc.VectorSubcoreMesh(core_axis_name="c", subcore_axis_name="s")


@functools.partial(
    pl.kernel,
    out_type=[
        jax.ShapeDtypeStruct((NC, NP, D), jnp.float32),
        jax.ShapeDtypeStruct((NW, 1, NP), jnp.float32),
    ],
    mesh=_mesh,
    compiler_params=pltpu.CompilerParams(needs_layout_passes=False),
    scratch_types=[
        pltpu.VMEM((CPT, 1, 4 * C), jnp.int32),
        pltpu.VMEM((CPT, 1, 4 * C), jnp.int32),
        pltpu.VMEM((C, D), jnp.float32),
        pltpu.VMEM((C, D), jnp.float32),
        pltpu.VMEM((C, D), jnp.float32),
        pltpu.VMEM((C, D), jnp.float32),
        pltpu.VMEM((NP,), jnp.float32),
        pltpu.VMEM_SHARED((NP, D), jnp.float32),
        pltpu.SemaphoreType.DMA,
        pltpu.SemaphoreType.DMA,
        pltpu.SemaphoreType.DMA,
        pltpu.SemaphoreType.DMA,
    ],
)
def _sc_aggregate(x_hbm, ei_hbm, psum, degs, src_v, dst_v, rb0, rb1,
                  rb2, rb3, deg_v, acc, gs0, gs1, gs2, gs3):
    c = lax.axis_index("c")
    s = lax.axis_index("s")
    wid = c * NS + s
    nrows = jnp.where(wid == NW - 1, LAST_ROWS, CPT)

    @pl.when(wid < NW - 1)
    def _stage_full():
        pltpu.sync_copy(ei_hbm.at[0, pl.ds(wid * CPT, CPT)], src_v)
        pltpu.sync_copy(ei_hbm.at[1, pl.ds(wid * CPT, CPT)], dst_v)

    @pl.when(wid == NW - 1)
    def _stage_tail():
        pltpu.sync_copy(ei_hbm.at[0, pl.ds((NW - 1) * CPT, LAST_ROWS)],
                        src_v.at[pl.ds(0, LAST_ROWS)])
        pltpu.sync_copy(ei_hbm.at[1, pl.ds((NW - 1) * CPT, LAST_ROWS)],
                        dst_v.at[pl.ds(0, LAST_ROWS)])

    zeros16 = jnp.zeros((16,), jnp.float32)

    def _zdeg(j, carry):
        for j2 in range(8):
            deg_v[pl.ds(j * 128 + j2 * 16, 16)] = zeros16
        return carry

    lax.fori_loop(0, NP // 128, _zdeg, 0)

    def _zrow(i, carry):
        for j in range(D // 16):
            rb0[i, pl.ds(j * 16, 16)] = zeros16
            rb1[i, pl.ds(j * 16, 16)] = zeros16
        return carry

    lax.fori_loop(0, C, _zrow, 0)
    zrows = NP // NS
    for r in range(zrows // (2 * C)):
        zbase = pl.multiple_of(s * zrows + r * 2 * C, 8)
        pltpu.sync_copy(rb0, acc.at[pl.ds(zbase, C)])
        pltpu.sync_copy(rb1, acc.at[pl.ds(zbase + C, C)])
    plsc.subcore_barrier()

    ones16 = jnp.ones((16,), jnp.float32)

    bufs = ((0, rb0, gs0), (C, rb1, gs1), (2 * C, rb2, gs2), (3 * C, rb3, gs3))
    for off, rb, gs in bufs:
        pltpu.async_copy(x_hbm.at[src_v.at[0, 0, pl.ds(off, C)]], rb, gs)

    def _pair(i, carry):
        for off, rb, gs in bufs:
            for k in range(C // 16):
                idx16 = dst_v[i, 0, pl.ds(off + k * 16, 16)]
                plsc.addupdate_scatter(deg_v, [idx16], ones16)
            pltpu.make_async_copy(
                x_hbm.at[src_v.at[i, 0, pl.ds(off, C)]], rb, gs).wait()
            pltpu.sync_copy(rb, acc.at[dst_v.at[i, 0, pl.ds(off, C)]],
                            add=True)

            @pl.when(i < nrows - 1)
            def _prefetch(off=off, rb=rb, gs=gs):
                pltpu.async_copy(
                    x_hbm.at[src_v.at[i + 1, 0, pl.ds(off, C)]], rb, gs)

        return carry

    lax.fori_loop(0, nrows, _pair, 0)
    pltpu.sync_copy(deg_v, degs.at[wid, 0])
    plsc.subcore_barrier()

    for r in range(zrows // (2 * C)):
        base = pl.multiple_of(s * zrows + r * 2 * C, 8)
        pltpu.sync_copy(acc.at[pl.ds(base, C)], rb0)
        pltpu.sync_copy(acc.at[pl.ds(base + C, C)], rb1)
        pltpu.sync_copy(rb0, psum.at[c, pl.ds(base, C)])
        pltpu.sync_copy(rb1, psum.at[c, pl.ds(base + C, C)])


BR = 1024


def _deg_body(dg_ref, o_ref):
    o_ref[...] = jnp.sum(dg_ref[...], axis=0)


def _deg_reduce(degs):
    return pl.pallas_call(
        _deg_body,
        out_shape=jax.ShapeDtypeStruct((NP // D, D), jnp.float32),
    )(degs)


def _tc_body(p_ref, dg_ref, x_ref, wl_ref, wr_ref, b_ref, o_ref):
    dn = (((1,), (1,)), ((), ()))
    summed = p_ref[0] + p_ref[1]
    mean = summed / jnp.maximum(dg_ref[...], 1.0)
    acc = lax.dot_general(mean, wl_ref[...], dn,
                          preferred_element_type=jnp.float32)
    acc = acc + lax.dot_general(x_ref[...], wr_ref[...], dn,
                                preferred_element_type=jnp.float32)
    o_ref[...] = jnp.maximum(acc + b_ref[...], 0.0)


def _tc_finish(psum, deg, x, W_l, b_l, W_r):
    return pl.pallas_call(
        _tc_body,
        grid=(NP // BR,),
        in_specs=[
            pl.BlockSpec((NC, BR, D), lambda i: (0, i, 0)),
            pl.BlockSpec((BR, 1), lambda i: (i, 0)),
            pl.BlockSpec((BR, D), lambda i: (i, 0)),
            pl.BlockSpec((D, D), lambda i: (0, 0)),
            pl.BlockSpec((D, D), lambda i: (0, 0)),
            pl.BlockSpec((1, D), lambda i: (0, 0)),
        ],
        out_specs=pl.BlockSpec((BR, D), lambda i: (i, 0)),
        out_shape=jax.ShapeDtypeStruct((N, D), jnp.float32),
    )(psum, deg, x, W_l, W_r, b_l.reshape(1, D))


def kernel(x, edge_index, batch, W_l, b_l, W_r):
    ei = edge_index.astype(jnp.int32).reshape(2, NROWS, 1, 4 * C)
    psum, degs = _sc_aggregate(x, ei)
    deg = _deg_reduce(degs.reshape(NW, NP // D, D)).reshape(NP, 1)
    return _tc_finish(psum, deg, x, W_l, b_l, W_r)

# --- scband reference (transcript-rebuilt; emitter-appended) ---
"""Pipeline reference for scband-graph-sageblock-17197049053738 (READ-ONLY COPY).

The authoritative reference and input builder live on the scoring server;
editing this copy changes nothing except your own understanding.
"""

import jax, jax.numpy as jnp
import numpy as np

N_NODES = 10000
N_EDGES = 320000
D_IN = 128
D_HID = 128


def setup_inputs(seed: int = 0) -> dict:
    key = jax.random.key(seed)
    k1, k2, k3, k4, k5 = jax.random.split(key, 5)
    x = jax.random.normal(k1, (N_NODES, D_IN), dtype=jnp.float32)
    edge_index = jax.random.randint(k2, (2, N_EDGES), 0, N_NODES, dtype=jnp.int64)
    batch = jnp.zeros((N_NODES,), dtype=jnp.int64)
    # SAGEConv parameters: lin_l applied to aggregated neighbors (has bias),
    # lin_r applied to root/self features (no bias). Glorot-ish init.
    scale = 1.0 / np.sqrt(D_IN)
    W_l = jax.random.uniform(k3, (D_HID, D_IN), dtype=jnp.float32, minval=-scale, maxval=scale)
    b_l = jax.random.uniform(k4, (D_HID,), dtype=jnp.float32, minval=-scale, maxval=scale)
    W_r = jax.random.uniform(k5, (D_HID, D_IN), dtype=jnp.float32, minval=-scale, maxval=scale)
    return {"x": x, "edge_index": edge_index, "batch": batch, "W_l": W_l, "b_l": b_l, "W_r": W_r}


def reference(x, edge_index, batch, W_l, b_l, W_r):
    # SAGEConv (mean aggregation):
    #   out_i = W_l @ mean_{j in N(i)} x_j + b_l + W_r @ x_i
    src = edge_index[0]
    dst = edge_index[1]
    msg = jnp.take(x, src, axis=0)                                  # gather  [E, D_IN]
    summed = jax.ops.segment_sum(msg, dst, num_segments=N_NODES)     # scatter-add [N, D_IN]
    deg = jax.ops.segment_sum(jnp.ones((msg.shape[0],), dtype=x.dtype), dst, num_segments=N_NODES)
    mean_agg = summed / jnp.clip(deg, 1.0)[:, None]
    out = mean_agg @ W_l.T + b_l + x @ W_r.T
    # graph_norm=False -> no GraphNorm; activation=ReLU; dropout p=0.0 -> identity
    out = jax.nn.relu(out)
    return out

if __name__ == "__main__":
    import jax
    _d = setup_inputs()
    print(jax.jit(kernel)(*tuple(_d.values())))

</pallas_src>

<mosaic_0001>
#map = affine_map<(d0, d1) -> (0, 0)>
#map1 = affine_map<(d0, d1) -> (0, 0, 0, 0)>
#map2 = affine_map<(d0, d1) -> (0, 0, 0)>
module attributes {stable_mosaic.version = 14 : i64} {
  func.func @_sc_aggregate(%arg0: i32, %arg1: i32, %arg2: memref<10000x128xf32, #tpu.memory_space<hbm>>, %arg3: memref<2x2500x1x128xi32, #tpu.memory_space<hbm>>, %arg4: memref<2x10240x128xf32, #tpu.memory_space<hbm>>, %arg5: memref<32x1x10240xf32, #tpu.memory_space<hbm>>, %arg6: memref<79x1x128xi32, #tpu.memory_space<vmem>>, %arg7: memref<79x1x128xi32, #tpu.memory_space<vmem>>, %arg8: memref<32x128xf32, #tpu.memory_space<vmem>>, %arg9: memref<32x128xf32, #tpu.memory_space<vmem>>, %arg10: memref<32x128xf32, #tpu.memory_space<vmem>>, %arg11: memref<32x128xf32, #tpu.memory_space<vmem>>, %arg12: memref<10240xf32, #tpu.memory_space<vmem>>, %arg13: memref<10240x128xf32, #tpu.memory_space<vmem_shared>>, %arg14: memref<!tpu.dma_semaphore, #tpu.memory_space<semaphore_mem>>, %arg15: memref<!tpu.dma_semaphore, #tpu.memory_space<semaphore_mem>>, %arg16: memref<!tpu.dma_semaphore, #tpu.memory_space<semaphore_mem>>, %arg17: memref<!tpu.dma_semaphore, #tpu.memory_space<semaphore_mem>>) attributes {dimension_semantics = [#tpu.dimension_semantics<core_parallel>, #tpu.dimension_semantics<subcore_parallel>], iteration_bounds = array<i64: 2, 16>, scalar_prefetch = 0 : i64, scratch_operands = 12 : i64, tpu.core_type = #tpu.core_type<sc_vector_subcore>, window_params = [{transform_indices = #map}, {transform_indices = #map1}, {transform_indices = #map2}, {transform_indices = #map2}]} {
    %mul3A = arith.constant 16 : i32
    %mul3A_0 = arith.muli %arg0, %mul3A : i32
    %add3A = arith.addi %mul3A_0, %arg1 : i32
    %eq3A = arith.constant 31 : i32
    %eq3A_1 = arith.cmpi eq, %add3A, %eq3A : i32
    %jit3A = arith.constant 51 : i32
    %jit3A_2 = arith.constant 79 : i32
    %select_n3A = arith.select %eq3A_1, %jit3A, %jit3A_2 : i32
    %lt3A = arith.constant 31 : i32
    %lt3A_3 = arith.cmpi slt, %add3A, %lt3A : i32
    %convert_element_type3A = arith.extui %lt3A_3 : i1 to i32
    %cond3A = arith.constant 0 : i32
    %cond3A_4 = arith.cmpi ne, %convert_element_type3A, %cond3A : i32
    scf.if %cond3A_4 {
      %mul3A_224 = arith.constant 79 : i32
      %mul3A_225 = arith.muli %add3A, %mul3A_224 : i32
      %run_scoped3A_226 = arith.constant 0 : i32
      "tpu.region"() ({
        %run_scoped3A_230 = tpu.sem_alloc : memref<!tpu.dma_semaphore, #tpu.memory_space<semaphore_mem>>
        %dma_start3A_231 = arith.constant 0 : i32
        %dma_start3A_232 = arith.constant 0 : i32
        %dma_start3A_233 = tpu.memref_slice %arg3[%run_scoped3A_226, %mul3A_225, %dma_start3A_231, %dma_start3A_232] : memref<2x2500x1x128xi32, #tpu.memory_space<hbm>> -> memref<1x79x1x128xi32, #tpu.memory_space<hbm>>
        %dma_start3A_234 = tpu.memref_squeeze %dma_start3A_233 : memref<1x79x1x128xi32, #tpu.memory_space<hbm>> -> memref<79x1x128xi32, #tpu.memory_space<hbm>>
        %dma_start3A_235 = arith.constant 0 : i32
        %dma_start3A_236 = arith.constant 0 : i32
        %dma_start3A_237 = tpu.memref_slice %arg3[%run_scoped3A_226, %mul3A_225, %dma_start3A_235, %dma_start3A_236] : memref<2x2500x1x128xi32, #tpu.memory_space<hbm>> -> memref<1x79x1x128xi32, #tpu.memory_space<hbm>>
        %dma_start3A_238 = tpu.memref_squeeze %dma_start3A_237 : memref<1x79x1x128xi32, #tpu.memory_space<hbm>> -> memref<79x1x128xi32, #tpu.memory_space<hbm>>
        tpu.enqueue_dma source(%dma_start3A_238 : memref<79x1x128xi32, #tpu.memory_space<hbm>>) target(%arg6 : memref<79x1x128xi32, #tpu.memory_space<vmem>>) target_semaphore(%run_scoped3A_230 : memref<!tpu.dma_semaphore, #tpu.memory_space<semaphore_mem>>)
        %dma_wait3A = arith.constant 0 : i32
        %dma_wait3A_239 = arith.constant 0 : i32
        %dma_wait3A_240 = tpu.memref_slice %arg3[%run_scoped3A_226, %mul3A_225, %dma_wait3A, %dma_wait3A_239] : memref<2x2500x1x128xi32, #tpu.memory_space<hbm>> -> memref<1x79x1x128xi32, #tpu.memory_space<hbm>>
        %dma_wait3A_241 = tpu.memref_squeeze %dma_wait3A_240 : memref<1x79x1x128xi32, #tpu.memory_space<hbm>> -> memref<79x1x128xi32, #tpu.memory_space<hbm>>
        %dma_wait3A_242 = arith.constant 0 : i32
        %dma_wait3A_243 = arith.constant 0 : i32
        %dma_wait3A_244 = tpu.memref_slice %arg3[%run_scoped3A_226, %mul3A_225, %dma_wait3A_242, %dma_wait3A_243] : memref<2x2500x1x128xi32, #tpu.memory_space<hbm>> -> memref<1x79x1x128xi32, #tpu.memory_space<hbm>>
        %dma_wait3A_245 = tpu.memref_squeeze %dma_wait3A_244 : memref<1x79x1x128xi32, #tpu.memory_space<hbm>> -> memref<79x1x128xi32, #tpu.memory_space<hbm>>
        tpu.wait_dma2 semaphore(%run_scoped3A_230 : memref<!tpu.dma_semaphore, #tpu.memory_space<semaphore_mem>>) src(%dma_wait3A_245 : memref<79x1x128xi32, #tpu.memory_space<hbm>>) dst(%arg6 : memref<79x1x128xi32, #tpu.memory_space<vmem>>)
        tpu.yield
      }) : () -> ()
      %mul3A_227 = arith.constant 79 : i32
      %mul3A_228 = arith.muli %add3A, %mul3A_227 : i32
      %run_scoped3A_229 = arith.constant 1 : i32
      "tpu.region"() ({
        %run_scoped3A_230 = tpu.sem_alloc : memref<!tpu.dma_semaphore, #tpu.memory_space<semaphore_mem>>
        %dma_start3A_231 = arith.constant 0 : i32
        %dma_start3A_232 = arith.constant 0 : i32
        %dma_start3A_233 = tpu.memref_slice %arg3[%run_scoped3A_229, %mul3A_228, %dma_start3A_231, %dma_start3A_232] : memref<2x2500x1x128xi32, #tpu.memory_space<hbm>> -> memref<1x79x1x128xi32, #tpu.memory_space<hbm>>
        %dma_start3A_234 = tpu.memref_squeeze %dma_start3A_233 : memref<1x79x1x128xi32, #tpu.memory_space<hbm>> -> memref<79x1x128xi32, #tpu.memory_space<hbm>>
        %dma_start3A_235 = arith.constant 0 : i32
        %dma_start3A_236 = arith.constant 0 : i32
        %dma_start3A_237 = tpu.memref_slice %arg3[%run_scoped3A_229, %mul3A_228, %dma_start3A_235, %dma_start3A_236] : memref<2x2500x1x128xi32, #tpu.memory_space<hbm>> -> memref<1x79x1x128xi32, #tpu.memory_space<hbm>>
        %dma_start3A_238 = tpu.memref_squeeze %dma_start3A_237 : memref<1x79x1x128xi32, #tpu.memory_space<hbm>> -> memref<79x1x128xi32, #tpu.memory_space<hbm>>
        tpu.enqueue_dma source(%dma_start3A_238 : memref<79x1x128xi32, #tpu.memory_space<hbm>>) target(%arg7 : memref<79x1x128xi32, #tpu.memory_space<vmem>>) target_semaphore(%run_scoped3A_230 : memref<!tpu.dma_semaphore, #tpu.memory_space<semaphore_mem>>)
        %dma_wait3A = arith.constant 0 : i32
        %dma_wait3A_239 = arith.constant 0 : i32
        %dma_wait3A_240 = tpu.memref_slice %arg3[%run_scoped3A_229, %mul3A_228, %dma_wait3A, %dma_wait3A_239] : memref<2x2500x1x128xi32, #tpu.memory_space<hbm>> -> memref<1x79x1x128xi32, #tpu.memory_space<hbm>>
        %dma_wait3A_241 = tpu.memref_squeeze %dma_wait3A_240 : memref<1x79x1x128xi32, #tpu.memory_space<hbm>> -> memref<79x1x128xi32, #tpu.memory_space<hbm>>
        %dma_wait3A_242 = arith.constant 0 : i32
        %dma_wait3A_243 = arith.constant 0 : i32
        %dma_wait3A_244 = tpu.memref_slice %arg3[%run_scoped3A_229, %mul3A_228, %dma_wait3A_242, %dma_wait3A_243] : memref<2x2500x1x128xi32, #tpu.memory_space<hbm>> -> memref<1x79x1x128xi32, #tpu.memory_space<hbm>>
        %dma_wait3A_245 = tpu.memref_squeeze %dma_wait3A_244 : memref<1x79x1x128xi32, #tpu.memory_space<hbm>> -> memref<79x1x128xi32, #tpu.memory_space<hbm>>
        tpu.wait_dma2 semaphore(%run_scoped3A_230 : memref<!tpu.dma_semaphore, #tpu.memory_space<semaphore_mem>>) src(%dma_wait3A_245 : memref<79x1x128xi32, #tpu.memory_space<hbm>>) dst(%arg7 : memref<79x1x128xi32, #tpu.memory_space<vmem>>)
        tpu.yield
      }) : () -> ()
    } else {
    }
    %eq3A_5 = arith.constant 31 : i32
    %eq3A_6 = arith.cmpi eq, %add3A, %eq3A_5 : i32
    %convert_element_type3A_7 = arith.extui %eq3A_6 : i1 to i32
    %cond3A_8 = arith.constant 0 : i32
    %cond3A_9 = arith.cmpi ne, %convert_element_type3A_7, %cond3A_8 : i32
    scf.if %cond3A_9 {
      %run_scoped3A_224 = arith.constant 0 : i32
      "tpu.region"() ({
        %run_scoped3A_226 = tpu.sem_alloc : memref<!tpu.dma_semaphore, #tpu.memory_space<semaphore_mem>>
        %dma_start3A_227 = arith.constant 0 : i32
        %dma_start3A_228 = arith.constant 0 : i32
        %dma_start3A_229 = arith.constant 0 : i32
        %dma_start3A_230 = tpu.memref_slice %arg6[%dma_start3A_227, %dma_start3A_228, %dma_start3A_229] : memref<79x1x128xi32, #tpu.memory_space<vmem>> -> memref<51x1x128xi32, #tpu.memory_space<vmem>>
        %dma_start3A_231 = arith.constant 2449 : i32
        %dma_start3A_232 = arith.constant 0 : i32
        %dma_start3A_233 = arith.constant 0 : i32
        %dma_start3A_234 = tpu.memref_slice %arg3[%run_scoped3A_224, %dma_start3A_231, %dma_start3A_232, %dma_start3A_233] : memref<2x2500x1x128xi32, #tpu.memory_space<hbm>> -> memref<1x51x1x128xi32, #tpu.memory_space<hbm>>
        %dma_start3A_235 = tpu.memref_squeeze %dma_start3A_234 : memref<1x51x1x128xi32, #tpu.memory_space<hbm>> -> memref<51x1x128xi32, #tpu.memory_space<hbm>>
        %dma_start3A_236 = arith.constant 0 : i32
        %dma_start3A_237 = arith.constant 0 : i32
        %dma_start3A_238 = arith.constant 0 : i32
        %dma_start3A_239 = tpu.memref_slice %arg6[%dma_start3A_236, %dma_start3A_237, %dma_start3A_238] : memref<79x1x128xi32, #tpu.memory_space<vmem>> -> memref<51x1x128xi32, #tpu.memory_space<vmem>>
        %dma_start3A_240 = arith.constant 2449 : i32
        %dma_start3A_241 = arith.constant 0 : i32
        %dma_start3A_242 = arith.constant 0 : i32
        %dma_start3A_243 = tpu.memref_slice %arg3[%run_scoped3A_224, %dma_start3A_240, %dma_start3A_241, %dma_start3A_242] : memref<2x2500x1x128xi32, #tpu.memory_space<hbm>> -> memref<1x51x1x128xi32, #tpu.memory_space<hbm>>
        %dma_start3A_244 = tpu.memref_squeeze %dma_start3A_243 : memref<1x51x1x128xi32, #tpu.memory_space<hbm>> -> memref<51x1x128xi32, #tpu.memory_space<hbm>>
        tpu.enqueue_dma source(%dma_start3A_244 : memref<51x1x128xi32, #tpu.memory_space<hbm>>) target(%dma_start3A_239 : memref<51x1x128xi32, #tpu.memory_space<vmem>>) target_semaphore(%run_scoped3A_226 : memref<!tpu.dma_semaphore, #tpu.memory_space<semaphore_mem>>)
        %dma_wait3A = arith.constant 0 : i32
        %dma_wait3A_245 = arith.constant 0 : i32
        %dma_wait3A_246 = arith.constant 0 : i32
        %dma_wait3A_247 = tpu.memref_slice %arg6[%dma_wait3A, %dma_wait3A_245, %dma_wait3A_246] : memref<79x1x128xi32, #tpu.memory_space<vmem>> -> memref<51x1x128xi32, #tpu.memory_space<vmem>>
        %dma_wait3A_248 = arith.constant 2449 : i32
        %dma_wait3A_249 = arith.constant 0 : i32
        %dma_wait3A_250 = arith.constant 0 : i32
        %dma_wait3A_251 = tpu.memref_slice %arg3[%run_scoped3A_224, %dma_wait3A_248, %dma_wait3A_249, %dma_wait3A_250] : memref<2x2500x1x128xi32, #tpu.memory_space<hbm>> -> memref<1x51x1x128xi32, #tpu.memory_space<hbm>>
        %dma_wait3A_252 = tpu.memref_squeeze %dma_wait3A_251 : memref<1x51x1x128xi32, #tpu.memory_space<hbm>> -> memref<51x1x128xi32, #tpu.memory_space<hbm>>
        %dma_wait3A_253 = arith.constant 0 : i32
        %dma_wait3A_254 = arith.constant 0 : i32
        %dma_wait3A_255 = arith.constant 0 : i32
        %dma_wait3A_256 = tpu.memref_slice %arg6[%dma_wait3A_253, %dma_wait3A_254, %dma_wait3A_255] : memref<79x1x128xi32, #tpu.memory_space<vmem>> -> memref<51x1x128xi32, #tpu.memory_space<vmem>>
        %dma_wait3A_257 = arith.constant 2449 : i32
        %dma_wait3A_258 = arith.constant 0 : i32
        %dma_wait3A_259 = arith.constant 0 : i32
        %dma_wait3A_260 = tpu.memref_slice %arg3[%run_scoped3A_224, %dma_wait3A_257, %dma_wait3A_258, %dma_wait3A_259] : memref<2x2500x1x128xi32, #tpu.memory_space<hbm>> -> memref<1x51x1x128xi32, #tpu.memory_space<hbm>>
        %dma_wait3A_261 = tpu.memref_squeeze %dma_wait3A_260 : memref<1x51x1x128xi32, #tpu.memory_space<hbm>> -> memref<51x1x128xi32, #tpu.memory_space<hbm>>
        tpu.wait_dma2 semaphore(%run_scoped3A_226 : memref<!tpu.dma_semaphore, #tpu.memory_space<semaphore_mem>>) src(%dma_wait3A_261 : memref<51x1x128xi32, #tpu.memory_space<hbm>>) dst(%dma_wait3A_256 : memref<51x1x128xi32, #tpu.memory_space<vmem>>)
        tpu.yield
      }) : () -> ()
      %run_scoped3A_225 = arith.constant 1 : i32
      "tpu.region"() ({
        %run_scoped3A_226 = tpu.sem_alloc : memref<!tpu.dma_semaphore, #tpu.memory_space<semaphore_mem>>
        %dma_start3A_227 = arith.constant 0 : i32
        %dma_start3A_228 = arith.constant 0 : i32
        %dma_start3A_229 = arith.constant 0 : i32
        %dma_start3A_230 = tpu.memref_slice %arg7[%dma_start3A_227, %dma_start3A_228, %dma_start3A_229] : memref<79x1x128xi32, #tpu.memory_space<vmem>> -> memref<51x1x128xi32, #tpu.memory_space<vmem>>
        %dma_start3A_231 = arith.constant 2449 : i32
        %dma_start3A_232 = arith.constant 0 : i32
        %dma_start3A_233 = arith.constant 0 : i32
        %dma_start3A_234 = tpu.memref_slice %arg3[%run_scoped3A_225, %dma_start3A_231, %dma_start3A_232, %dma_start3A_233] : memref<2x2500x1x128xi32, #tpu.memory_space<hbm>> -> memref<1x51x1x128xi32, #tpu.memory_space<hbm>>
        %dma_start3A_235 = tpu.memref_squeeze %dma_start3A_234 : memref<1x51x1x128xi32, #tpu.memory_space<hbm>> -> memref<51x1x128xi32, #tpu.memory_space<hbm>>
        %dma_start3A_236 = arith.constant 0 : i32
        %dma_start3A_237 = arith.constant 0 : i32
        %dma_start3A_238 = arith.constant 0 : i32
        %dma_start3A_239 = tpu.memref_slice %arg7[%dma_start3A_236, %dma_start3A_237, %dma_start3A_238] : memref<79x1x128xi32, #tpu.memory_space<vmem>> -> memref<51x1x128xi32, #tpu.memory_space<vmem>>
        %dma_start3A_240 = arith.constant 2449 : i32
        %dma_start3A_241 = arith.constant 0 : i32
        %dma_start3A_242 = arith.constant 0 : i32
        %dma_start3A_243 = tpu.memref_slice %arg3[%run_scoped3A_225, %dma_start3A_240, %dma_start3A_241, %dma_start3A_242] : memref<2x2500x1x128xi32, #tpu.memory_space<hbm>> -> memref<1x51x1x128xi32, #tpu.memory_space<hbm>>
        %dma_start3A_244 = tpu.memref_squeeze %dma_start3A_243 : memref<1x51x1x128xi32, #tpu.memory_space<hbm>> -> memref<51x1x128xi32, #tpu.memory_space<hbm>>
        tpu.enqueue_dma source(%dma_start3A_244 : memref<51x1x128xi32, #tpu.memory_space<hbm>>) target(%dma_start3A_239 : memref<51x1x128xi32, #tpu.memory_space<vmem>>) target_semaphore(%run_scoped3A_226 : memref<!tpu.dma_semaphore, #tpu.memory_space<semaphore_mem>>)
        %dma_wait3A = arith.constant 0 : i32
        %dma_wait3A_245 = arith.constant 0 : i32
        %dma_wait3A_246 = arith.constant 0 : i32
        %dma_wait3A_247 = tpu.memref_slice %arg7[%dma_wait3A, %dma_wait3A_245, %dma_wait3A_246] : memref<79x1x128xi32, #tpu.memory_space<vmem>> -> memref<51x1x128xi32, #tpu.memory_space<vmem>>
        %dma_wait3A_248 = arith.constant 2449 : i32
        %dma_wait3A_249 = arith.constant 0 : i32
        %dma_wait3A_250 = arith.constant 0 : i32
        %dma_wait3A_251 = tpu.memref_slice %arg3[%run_scoped3A_225, %dma_wait3A_248, %dma_wait3A_249, %dma_wait3A_250] : memref<2x2500x1x128xi32, #tpu.memory_space<hbm>> -> memref<1x51x1x128xi32, #tpu.memory_space<hbm>>
        %dma_wait3A_252 = tpu.memref_squeeze %dma_wait3A_251 : memref<1x51x1x128xi32, #tpu.memory_space<hbm>> -> memref<51x1x128xi32, #tpu.memory_space<hbm>>
        %dma_wait3A_253 = arith.constant 0 : i32
        %dma_wait3A_254 = arith.constant 0 : i32
        %dma_wait3A_255 = arith.constant 0 : i32
        %dma_wait3A_256 = tpu.memref_slice %arg7[%dma_wait3A_253, %dma_wait3A_254, %dma_wait3A_255] : memref<79x1x128xi32, #tpu.memory_space<vmem>> -> memref<51x1x128xi32, #tpu.memory_space<vmem>>
        %dma_wait3A_257 = arith.constant 2449 : i32
        %dma_wait3A_258 = arith.constant 0 : i32
        %dma_wait3A_259 = arith.constant 0 : i32
        %dma_wait3A_260 = tpu.memref_slice %arg3[%run_scoped3A_225, %dma_wait3A_257, %dma_wait3A_258, %dma_wait3A_259] : memref<2x2500x1x128xi32, #tpu.memory_space<hbm>> -> memref<1x51x1x128xi32, #tpu.memory_space<hbm>>
        %dma_wait3A_261 = tpu.memref_squeeze %dma_wait3A_260 : memref<1x51x1x128xi32, #tpu.memory_space<hbm>> -> memref<51x1x128xi32, #tpu.memory_space<hbm>>
        tpu.wait_dma2 semaphore(%run_scoped3A_226 : memref<!tpu.dma_semaphore, #tpu.memory_space<semaphore_mem>>) src(%dma_wait3A_261 : memref<51x1x128xi32, #tpu.memory_space<hbm>>) dst(%dma_wait3A_256 : memref<51x1x128xi32, #tpu.memory_space<vmem>>)
        tpu.yield
      }) : () -> ()
    } else {
    }
    %broadcast_in_dim3A = arith.constant 0.000000e+00 : f32
    %broadcast_in_dim3A_10 = vector.broadcast %broadcast_in_dim3A : f32 to vector<16xf32>
    %scan3A = arith.constant 0 : i32
    %scan3A_11 = arith.constant 0 : i32
    %scan3A_12 = arith.constant 80 : i32
    %scan3A_13 = arith.addi %scan3A_11, %scan3A_12 : i32
    %scan3A_14 = arith.constant 1 : i32
    scf.for %scan3A_224 = %scan3A_11 to %scan3A_13 step %scan3A_14  : i32 {
      %mul3A_225 = arith.constant 128 : i32
      %mul3A_226 = arith.muli %scan3A_224, %mul3A_225 : i32
      %add3A_227 = arith.constant 0 : i32
      %add3A_228 = arith.addi %mul3A_226, %add3A_227 : i32
      %swap3A = arith.index_cast %add3A_228 : i32 to index
      %swap3A_229 = tpu.vector_load %arg12[%swap3A] {strides = array<i32>} : memref<10240xf32, #tpu.memory_space<vmem>>, vector<16xf32>,
      tpu.vector_store %arg12[%swap3A], %broadcast_in_dim3A_10 {strides = array<i32>} : memref<10240xf32, #tpu.memory_space<vmem>>, vector<16xf32>,
      %mul3A_230 = arith.constant 128 : i32
      %mul3A_231 = arith.muli %scan3A_224, %mul3A_230 : i32
      %add3A_232 = arith.constant 16 : i32
      %add3A_233 = arith.addi %mul3A_231, %add3A_232 : i32
      %swap3A_234 = arith.index_cast %add3A_233 : i32 to index
      %swap3A_235 = tpu.vector_load %arg12[%swap3A_234] {strides = array<i32>} : memref<10240xf32, #tpu.memory_space<vmem>>, vector<16xf32>,
      tpu.vector_store %arg12[%swap3A_234], %broadcast_in_dim3A_10 {strides = array<i32>} : memref<10240xf32, #tpu.memory_space<vmem>>, vector<16xf32>,
      %mul3A_236 = arith.constant 128 : i32
      %mul3A_237 = arith.muli %scan3A_224, %mul3A_236 : i32
      %add3A_238 = arith.constant 32 : i32
      %add3A_239 = arith.addi %mul3A_237, %add3A_238 : i32
      %swap3A_240 = arith.index_cast %add3A_239 : i32 to index
      %swap3A_241 = tpu.vector_load %arg12[%swap3A_240] {strides = array<i32>} : memref<10240xf32, #tpu.memory_space<vmem>>, vector<16xf32>,
      tpu.vector_store %arg12[%swap3A_240], %broadcast_in_dim3A_10 {strides = array<i32>} : memref<10240xf32, #tpu.memory_space<vmem>>, vector<16xf32>,
      %mul3A_242 = arith.constant 128 : i32
      %mul3A_243 = arith.muli %scan3A_224, %mul3A_242 : i32
      %add3A_244 = arith.constant 48 : i32
      %add3A_245 = arith.addi %mul3A_243, %add3A_244 : i32
      %swap3A_246 = arith.index_cast %add3A_245 : i32 to index
      %swap3A_247 = tpu.vector_load %arg12[%swap3A_246] {strides = array<i32>} : memref<10240xf32, #tpu.memory_space<vmem>>, vector<16xf32>,
      tpu.vector_store %arg12[%swap3A_246], %broadcast_in_dim3A_10 {strides = array<i32>} : memref<10240xf32, #tpu.memory_space<vmem>>, vector<16xf32>,
      %mul3A_248 = arith.constant 128 : i32
      %mul3A_249 = arith.muli %scan3A_224, %mul3A_248 : i32
      %add3A_250 = arith.constant 64 : i32
      %add3A_251 = arith.addi %mul3A_249, %add3A_250 : i32
      %swap3A_252 = arith.index_cast %add3A_251 : i32 to index
      %swap3A_253 = tpu.vector_load %arg12[%swap3A_252] {strides = array<i32>} : memref<10240xf32, #tpu.memory_space<vmem>>, vector<16xf32>,
      tpu.vector_store %arg12[%swap3A_252], %broadcast_in_dim3A_10 {strides = array<i32>} : memref<10240xf32, #tpu.memory_space<vmem>>, vector<16xf32>,
      %mul3A_254 = arith.constant 128 : i32
      %mul3A_255 = arith.muli %scan3A_224, %mul3A_254 : i32
      %add3A_256 = arith.constant 80 : i32
      %add3A_257 = arith.addi %mul3A_255, %add3A_256 : i32
      %swap3A_258 = arith.index_cast %add3A_257 : i32 to index
      %swap3A_259 = tpu.vector_load %arg12[%swap3A_258] {strides = array<i32>} : memref<10240xf32, #tpu.memory_space<vmem>>, vector<16xf32>,
      tpu.vector_store %arg12[%swap3A_258], %broadcast_in_dim3A_10 {strides = array<i32>} : memref<10240xf32, #tpu.memory_space<vmem>>, vector<16xf32>,
      %mul3A_260 = arith.constant 128 : i32
      %mul3A_261 = arith.muli %scan3A_224, %mul3A_260 : i32
      %add3A_262 = arith.constant 96 : i32
      %add3A_263 = arith.addi %mul3A_261, %add3A_262 : i32
      %swap3A_264 = arith.index_cast %add3A_263 : i32 to index
      %swap3A_265 = tpu.vector_load %arg12[%swap3A_264] {strides = array<i32>} : memref<10240xf32, #tpu.memory_space<vmem>>, vector<16xf32>,
      tpu.vector_store %arg12[%swap3A_264], %broadcast_in_dim3A_10 {strides = array<i32>} : memref<10240xf32, #tpu.memory_space<vmem>>, vector<16xf32>,
      %mul3A_266 = arith.constant 128 : i32
      %mul3A_267 = arith.muli %scan3A_224, %mul3A_266 : i32
      %add3A_268 = arith.constant 112 : i32
      %add3A_269 = arith.addi %mul3A_267, %add3A_268 : i32
      %swap3A_270 = arith.index_cast %add3A_269 : i32 to index
      %swap3A_271 = tpu.vector_load %arg12[%swap3A_270] {strides = array<i32>} : memref<10240xf32, #tpu.memory_space<vmem>>, vector<16xf32>,
      tpu.vector_store %arg12[%swap3A_270], %broadcast_in_dim3A_10 {strides = array<i32>} : memref<10240xf32, #tpu.memory_space<vmem>>, vector<16xf32>,
    }
    %scan3A_15 = arith.constant 80 : i32
    %scan3A_16 = arith.constant 0 : i32
    %scan3A_17 = arith.constant 0 : i32
    %scan3A_18 = arith.constant 32 : i32
    %scan3A_19 = arith.addi %scan3A_17, %scan3A_18 : i32
    %scan3A_20 = arith.constant 1 : i32
    scf.for %scan3A_224 = %scan3A_17 to %scan3A_19 step %scan3A_20  : i32 {
      %swap3A = arith.index_cast %scan3A_224 : i32 to index
      %swap3A_225 = arith.constant 0 : index
      %swap3A_226 = tpu.vector_load %arg8[%swap3A, %swap3A_225] {strides = array<i32>} : memref<32x128xf32, #tpu.memory_space<vmem>>, vector<16xf32>,
      tpu.vector_store %arg8[%swap3A, %swap3A_225], %broadcast_in_dim3A_10 {strides = array<i32>} : memref<32x128xf32, #tpu.memory_space<vmem>>, vector<16xf32>,
      %swap3A_227 = arith.index_cast %scan3A_224 : i32 to index
      %swap3A_228 = arith.constant 0 : index
      %swap3A_229 = tpu.vector_load %arg9[%swap3A_227, %swap3A_228] {strides = array<i32>} : memref<32x128xf32, #tpu.memory_space<vmem>>, vector<16xf32>,
      tpu.vector_store %arg9[%swap3A_227, %swap3A_228], %broadcast_in_dim3A_10 {strides = array<i32>} : memref<32x128xf32, #tpu.memory_space<vmem>>, vector<16xf32>,
      %swap3A_230 = arith.index_cast %scan3A_224 : i32 to index
      %swap3A_231 = arith.constant 16 : index
      %swap3A_232 = tpu.vector_load %arg8[%swap3A_230, %swap3A_231] {strides = array<i32>} : memref<32x128xf32, #tpu.memory_space<vmem>>, vector<16xf32>,
      tpu.vector_store %arg8[%swap3A_230, %swap3A_231], %broadcast_in_dim3A_10 {strides = array<i32>} : memref<32x128xf32, #tpu.memory_space<vmem>>, vector<16xf32>,
      %swap3A_233 = arith.index_cast %scan3A_224 : i32 to index
      %swap3A_234 = arith.constant 16 : index
      %swap3A_235 = tpu.vector_load %arg9[%swap3A_233, %swap3A_234] {strides = array<i32>} : memref<32x128xf32, #tpu.memory_space<vmem>>, vector<16xf32>,
      tpu.vector_store %arg9[%swap3A_233, %swap3A_234], %broadcast_in_dim3A_10 {strides = array<i32>} : memref<32x128xf32, #tpu.memory_space<vmem>>, vector<16xf32>,
      %swap3A_236 = arith.index_cast %scan3A_224 : i32 to index
      %swap3A_237 = arith.constant 32 : index
      %swap3A_238 = tpu.vector_load %arg8[%swap3A_236, %swap3A_237] {strides = array<i32>} : memref<32x128xf32, #tpu.memory_space<vmem>>, vector<16xf32>,
      tpu.vector_store %arg8[%swap3A_236, %swap3A_237], %broadcast_in_dim3A_10 {strides = array<i32>} : memref<32x128xf32, #tpu.memory_space<vmem>>, vector<16xf32>,
      %swap3A_239 = arith.index_cast %scan3A_224 : i32 to index
      %swap3A_240 = arith.constant 32 : index
      %swap3A_241 = tpu.vector_load %arg9[%swap3A_239, %swap3A_240] {strides = array<i32>} : memref<32x128xf32, #tpu.memory_space<vmem>>, vector<16xf32>,
      tpu.vector_store %arg9[%swap3A_239, %swap3A_240], %broadcast_in_dim3A_10 {strides = array<i32>} : memref<32x128xf32, #tpu.memory_space<vmem>>, vector<16xf32>,
      %swap3A_242 = arith.index_cast %scan3A_224 : i32 to index
      %swap3A_243 = arith.constant 48 : index
      %swap3A_244 = tpu.vector_load %arg8[%swap3A_242, %swap3A_243] {strides = array<i32>} : memref<32x128xf32, #tpu.memory_space<vmem>>, vector<16xf32>,
      tpu.vector_store %arg8[%swap3A_242, %swap3A_243], %broadcast_in_dim3A_10 {strides = array<i32>} : memref<32x128xf32, #tpu.memory_space<vmem>>, vector<16xf32>,
      %swap3A_245 = arith.index_cast %scan3A_224 : i32 to index
      %swap3A_246 = arith.constant 48 : index
      %swap3A_247 = tpu.vector_load %arg9[%swap3A_245, %swap3A_246] {strides = array<i32>} : memref<32x128xf32, #tpu.memory_space<vmem>>, vector<16xf32>,
      tpu.vector_store %arg9[%swap3A_245, %swap3A_246], %broadcast_in_dim3A_10 {strides = array<i32>} : memref<32x128xf32, #tpu.memory_space<vmem>>, vector<16xf32>,
      %swap3A_248 = arith.index_cast %scan3A_224 : i32 to index
      %swap3A_249 = arith.constant 64 : index
      %swap3A_250 = tpu.vector_load %arg8[%swap3A_248, %swap3A_249] {strides = array<i32>} : memref<32x128xf32, #tpu.memory_space<vmem>>, vector<16xf32>,
      tpu.vector_store %arg8[%swap3A_248, %swap3A_249], %broadcast_in_dim3A_10 {strides = array<i32>} : memref<32x128xf32, #tpu.memory_space<vmem>>, vector<16xf32>,
      %swap3A_251 = arith.index_cast %scan3A_224 : i32 to index
      %swap3A_252 = arith.constant 64 : index
      %swap3A_253 = tpu.vector_load %arg9[%swap3A_251, %swap3A_252] {strides = array<i32>} : memref<32x128xf32, #tpu.memory_space<vmem>>, vector<16xf32>,
      tpu.vector_store %arg9[%swap3A_251, %swap3A_252], %broadcast_in_dim3A_10 {strides = array<i32>} : memref<32x128xf32, #tpu.memory_space<vmem>>, vector<16xf32>,
      %swap3A_254 = arith.index_cast %scan3A_224 : i32 to index
      %swap3A_255 = arith.constant 80 : index
      %swap3A_256 = tpu.vector_load %arg8[%swap3A_254, %swap3A_255] {strides = array<i32>} : memref<32x128xf32, #tpu.memory_space<vmem>>, vector<16xf32>,
      tpu.vector_store %arg8[%swap3A_254, %swap3A_255], %broadcast_in_dim3A_10 {strides = array<i32>} : memref<32x128xf32, #tpu.memory_space<vmem>>, vector<16xf32>,
      %swap3A_257 = arith.index_cast %scan3A_224 : i32 to index
      %swap3A_258 = arith.constant 80 : index
      %swap3A_259 = tpu.vector_load %arg9[%swap3A_257, %swap3A_258] {strides = array<i32>} : memref<32x128xf32, #tpu.memory_space<vmem>>, vector<16xf32>,
      tpu.vector_store %arg9[%swap3A_257, %swap3A_258], %broadcast_in_dim3A_10 {strides = array<i32>} : memref<32x128xf32, #tpu.memory_space<vmem>>, vector<16xf32>,
      %swap3A_260 = arith.index_cast %scan3A_224 : i32 to index
      %swap3A_261 = arith.constant 96 : index
      %swap3A_262 = tpu.vector_load %arg8[%swap3A_260, %swap3A_261] {strides = array<i32>} : memref<32x128xf32, #tpu.memory_space<vmem>>, vector<16xf32>,
      tpu.vector_store %arg8[%swap3A_260, %swap3A_261], %broadcast_in_dim3A_10 {strides = array<i32>} : memref<32x128xf32, #tpu.memory_space<vmem>>, vector<16xf32>,
      %swap3A_263 = arith.index_cast %scan3A_224 : i32 to index
      %swap3A_264 = arith.constant 96 : index
      %swap3A_265 = tpu.vector_load %arg9[%swap3A_263, %swap3A_264] {strides = array<i32>} : memref<32x128xf32, #tpu.memory_space<vmem>>, vector<16xf32>,
      tpu.vector_store %arg9[%swap3A_263, %swap3A_264], %broadcast_in_dim3A_10 {strides = array<i32>} : memref<32x128xf32, #tpu.memory_space<vmem>>, vector<16xf32>,
      %swap3A_266 = arith.index_cast %scan3A_224 : i32 to index
      %swap3A_267 = arith.constant 112 : index
      %swap3A_268 = tpu.vector_load %arg8[%swap3A_266, %swap3A_267] {strides = array<i32>} : memref<32x128xf32, #tpu.memory_space<vmem>>, vector<16xf32>,
      tpu.vector_store %arg8[%swap3A_266, %swap3A_267], %broadcast_in_dim3A_10 {strides = array<i32>} : memref<32x128xf32, #tpu.memory_space<vmem>>, vector<16xf32>,
      %swap3A_269 = arith.index_cast %scan3A_224 : i32 to index
      %swap3A_270 = arith.constant 112 : index
      %swap3A_271 = tpu.vector_load %arg9[%swap3A_269, %swap3A_270] {strides = array<i32>} : memref<32x128xf32, #tpu.memory_space<vmem>>, vector<16xf32>,
      tpu.vector_store %arg9[%swap3A_269, %swap3A_270], %broadcast_in_dim3A_10 {strides = array<i32>} : memref<32x128xf32, #tpu.memory_space<vmem>>, vector<16xf32>,
    }
    %scan3A_21 = arith.constant 32 : i32
    %mul3A_22 = arith.constant 640 : i32
    %mul3A_23 = arith.muli %arg1, %mul3A_22 : i32
    %add3A_24 = arith.constant 0 : i32
    %add3A_25 = arith.addi %mul3A_23, %add3A_24 : i32
    %multiple_of3A = tpu.assume_multiple %add3A_25, 8 : i32
    "tpu.region"() ({
      %run_scoped3A_224 = tpu.sem_alloc : memref<!tpu.dma_semaphore, #tpu.memory_space<semaphore_mem>>
      %dma_start3A_225 = arith.constant 0 : i32
      %dma_start3A_226 = tpu.memref_slice %arg13[%multiple_of3A, %dma_start3A_225] : memref<10240x128xf32, #tpu.memory_space<vmem_shared>> -> memref<32x128xf32, #tpu.memory_space<vmem_shared>>
      %dma_start3A_227 = arith.constant 0 : i32
      %dma_start3A_228 = tpu.memref_slice %arg13[%multiple_of3A, %dma_start3A_227] : memref<10240x128xf32, #tpu.memory_space<vmem_shared>> -> memref<32x128xf32, #tpu.memory_space<vmem_shared>>
      tpu.enqueue_dma source(%arg8 : memref<32x128xf32, #tpu.memory_space<vmem>>) target(%dma_start3A_228 : memref<32x128xf32, #tpu.memory_space<vmem_shared>>) target_semaphore(%run_scoped3A_224 : memref<!tpu.dma_semaphore, #tpu.memory_space<semaphore_mem>>)
      %dma_wait3A = arith.constant 0 : i32
      %dma_wait3A_229 = tpu.memref_slice %arg13[%multiple_of3A, %dma_wait3A] : memref<10240x128xf32, #tpu.memory_space<vmem_shared>> -> memref<32x128xf32, #tpu.memory_space<vmem_shared>>
      %dma_wait3A_230 = arith.constant 0 : i32
      %dma_wait3A_231 = tpu.memref_slice %arg13[%multiple_of3A, %dma_wait3A_230] : memref<10240x128xf32, #tpu.memory_space<vmem_shared>> -> memref<32x128xf32, #tpu.memory_space<vmem_shared>>
      tpu.wait_dma2 semaphore(%run_scoped3A_224 : memref<!tpu.dma_semaphore, #tpu.memory_space<semaphore_mem>>) src(%arg8 : memref<32x128xf32, #tpu.memory_space<vmem>>) dst(%dma_wait3A_231 : memref<32x128xf32, #tpu.memory_space<vmem_shared>>)
      tpu.yield
    }) : () -> ()
    %add3A_26 = arith.constant 32 : i32
    %add3A_27 = arith.addi %multiple_of3A, %add3A_26 : i32
    "tpu.region"() ({
      %run_scoped3A_224 = tpu.sem_alloc : memref<!tpu.dma_semaphore, #tpu.memory_space<semaphore_mem>>
      %dma_start3A_225 = arith.constant 0 : i32
      %dma_start3A_226 = tpu.memref_slice %arg13[%add3A_27, %dma_start3A_225] : memref<10240x128xf32, #tpu.memory_space<vmem_shared>> -> memref<32x128xf32, #tpu.memory_space<vmem_shared>>
      %dma_start3A_227 = arith.constant 0 : i32
      %dma_start3A_228 = tpu.memref_slice %arg13[%add3A_27, %dma_start3A_227] : memref<10240x128xf32, #tpu.memory_space<vmem_shared>> -> memref<32x128xf32, #tpu.memory_space<vmem_shared>>
      tpu.enqueue_dma source(%arg9 : memref<32x128xf32, #tpu.memory_space<vmem>>) target(%dma_start3A_228 : memref<32x128xf32, #tpu.memory_space<vmem_shared>>) target_semaphore(%run_scoped3A_224 : memref<!tpu.dma_semaphore, #tpu.memory_space<semaphore_mem>>)
      %dma_wait3A = arith.constant 0 : i32
      %dma_wait3A_229 = tpu.memref_slice %arg13[%add3A_27, %dma_wait3A] : memref<10240x128xf32, #tpu.memory_space<vmem_shared>> -> memref<32x128xf32, #tpu.memory_space<vmem_shared>>
      %dma_wait3A_230 = arith.constant 0 : i32
      %dma_wait3A_231 = tpu.memref_slice %arg13[%add3A_27, %dma_wait3A_230] : memref<10240x128xf32, #tpu.memory_space<vmem_shared>> -> memref<32x128xf32, #tpu.memory_space<vmem_shared>>
      tpu.wait_dma2 semaphore(%run_scoped3A_224 : memref<!tpu.dma_semaphore, #tpu.memory_space<semaphore_mem>>) src(%arg9 : memref<32x128xf32, #tpu.memory_space<vmem>>) dst(%dma_wait3A_231 : memref<32x128xf32, #tpu.memory_space<vmem_shared>>)
      tpu.yield
    }) : () -> ()
    %mul3A_28 = arith.constant 640 : i32
    %mul3A_29 = arith.muli %arg1, %mul3A_28 : i32
    %add3A_30 = arith.constant 64 : i32
    %add3A_31 = arith.addi %mul3A_29, %add3A_30 : i32
    %multiple_of3A_32 = tpu.assume_multiple %add3A_31, 8 : i32
    "tpu.region"() ({
      %run_scoped3A_224 = tpu.sem_alloc : memref<!tpu.dma_semaphore, #tpu.memory_space<semaphore_mem>>
      %dma_start3A_225 = arith.constant 0 : i32
      %dma_start3A_226 = tpu.memref_slice %arg13[%multiple_of3A_32, %dma_start3A_225] : memref<10240x128xf32, #tpu.memory_space<vmem_shared>> -> memref<32x128xf32, #tpu.memory_space<vmem_shared>>
      %dma_start3A_227 = arith.constant 0 : i32
      %dma_start3A_228 = tpu.memref_slice %arg13[%multiple_of3A_32, %dma_start3A_227] : memref<10240x128xf32, #tpu.memory_space<vmem_shared>> -> memref<32x128xf32, #tpu.memory_space<vmem_shared>>
      tpu.enqueue_dma source(%arg8 : memref<32x128xf32, #tpu.memory_space<vmem>>) target(%dma_start3A_228 : memref<32x128xf32, #tpu.memory_space<vmem_shared>>) target_semaphore(%run_scoped3A_224 : memref<!tpu.dma_semaphore, #tpu.memory_space<semaphore_mem>>)
      %dma_wait3A = arith.constant 0 : i32
      %dma_wait3A_229 = tpu.memref_slice %arg13[%multiple_of3A_32, %dma_wait3A] : memref<10240x128xf32, #tpu.memory_space<vmem_shared>> -> memref<32x128xf32, #tpu.memory_space<vmem_shared>>
      %dma_wait3A_230 = arith.constant 0 : i32
      %dma_wait3A_231 = tpu.memref_slice %arg13[%multiple_of3A_32, %dma_wait3A_230] : memref<10240x128xf32, #tpu.memory_space<vmem_shared>> -> memref<32x128xf32, #tpu.memory_space<vmem_shared>>
      tpu.wait_dma2 semaphore(%run_scoped3A_224 : memref<!tpu.dma_semaphore, #tpu.memory_space<semaphore_mem>>) src(%arg8 : memref<32x128xf32, #tpu.memory_space<vmem>>) dst(%dma_wait3A_231 : memref<32x128xf32, #tpu.memory_space<vmem_shared>>)
      tpu.yield
    }) : () -> ()
    %add3A_33 = arith.constant 32 : i32
    %add3A_34 = arith.addi %multiple_of3A_32, %add3A_33 : i32
    "tpu.region"() ({
      %run_scoped3A_224 = tpu.sem_alloc : memref<!tpu.dma_semaphore, #tpu.memory_space<semaphore_mem>>
      %dma_start3A_225 = arith.constant 0 : i32
      %dma_start3A_226 = tpu.memref_slice %arg13[%add3A_34, %dma_start3A_225] : memref<10240x128xf32, #tpu.memory_space<vmem_shared>> -> memref<32x128xf32, #tpu.memory_space<vmem_shared>>
      %dma_start3A_227 = arith.constant 0 : i32
      %dma_start3A_228 = tpu.memref_slice %arg13[%add3A_34, %dma_start3A_227] : memref<10240x128xf32, #tpu.memory_space<vmem_shared>> -> memref<32x128xf32, #tpu.memory_space<vmem_shared>>
      tpu.enqueue_dma source(%arg9 : memref<32x128xf32, #tpu.memory_space<vmem>>) target(%dma_start3A_228 : memref<32x128xf32, #tpu.memory_space<vmem_shared>>) target_semaphore(%run_scoped3A_224 : memref<!tpu.dma_semaphore, #tpu.memory_space<semaphore_mem>>)
      %dma_wait3A = arith.constant 0 : i32
      %dma_wait3A_229 = tpu.memref_slice %arg13[%add3A_34, %dma_wait3A] : memref<10240x128xf32, #tpu.memory_space<vmem_shared>> -> memref<32x128xf32, #tpu.memory_space<vmem_shared>>
      %dma_wait3A_230 = arith.constant 0 : i32
      %dma_wait3A_231 = tpu.memref_slice %arg13[%add3A_34, %dma_wait3A_230] : memref<10240x128xf32, #tpu.memory_space<vmem_shared>> -> memref<32x128xf32, #tpu.memory_space<vmem_shared>>
      tpu.wait_dma2 semaphore(%run_scoped3A_224 : memref<!tpu.dma_semaphore, #tpu.memory_space<semaphore_mem>>) src(%arg9 : memref<32x128xf32, #tpu.memory_space<vmem>>) dst(%dma_wait3A_231 : memref<32x128xf32, #tpu.memory_space<vmem_shared>>)
      tpu.yield
    }) : () -> ()
    %mul3A_35 = arith.constant 640 : i32
    %mul3A_36 = arith.muli %arg1, %mul3A_35 : i32
    %add3A_37 = arith.constant 128 : i32
    %add3A_38 = arith.addi %mul3A_36, %add3A_37 : i32
    %multiple_of3A_39 = tpu.assume_multiple %add3A_38, 8 : i32
    "tpu.region"() ({
      %run_scoped3A_224 = tpu.sem_alloc : memref<!tpu.dma_semaphore, #tpu.memory_space<semaphore_mem>>
      %dma_start3A_225 = arith.constant 0 : i32
      %dma_start3A_226 = tpu.memref_slice %arg13[%multiple_of3A_39, %dma_start3A_225] : memref<10240x128xf32, #tpu.memory_space<vmem_shared>> -> memref<32x128xf32, #tpu.memory_space<vmem_shared>>
      %dma_start3A_227 = arith.constant 0 : i32
      %dma_start3A_228 = tpu.memref_slice %arg13[%multiple_of3A_39, %dma_start3A_227] : memref<10240x128xf32, #tpu.memory_space<vmem_shared>> -> memref<32x128xf32, #tpu.memory_space<vmem_shared>>
      tpu.enqueue_dma source(%arg8 : memref<32x128xf32, #tpu.memory_space<vmem>>) target(%dma_start3A_228 : memref<32x128xf32, #tpu.memory_space<vmem_shared>>) target_semaphore(%run_scoped3A_224 : memref<!tpu.dma_semaphore, #tpu.memory_space<semaphore_mem>>)
      %dma_wait3A = arith.constant 0 : i32
      %dma_wait3A_229 = tpu.memref_slice %arg13[%multiple_of3A_39, %dma_wait3A] : memref<10240x128xf32, #tpu.memory_space<vmem_shared>> -> memref<32x128xf32, #tpu.memory_space<vmem_shared>>
      %dma_wait3A_230 = arith.constant 0 : i32
      %dma_wait3A_231 = tpu.memref_slice %arg13[%multiple_of3A_39, %dma_wait3A_230] : memref<10240x128xf32, #tpu.memory_space<vmem_shared>> -> memref<32x128xf32, #tpu.memory_space<vmem_shared>>
      tpu.wait_dma2 semaphore(%run_scoped3A_224 : memref<!tpu.dma_semaphore, #tpu.memory_space<semaphore_mem>>) src(%arg8 : memref<32x128xf32, #tpu.memory_space<vmem>>) dst(%dma_wait3A_231 : memref<32x128xf32, #tpu.memory_space<vmem_shared>>)
      tpu.yield
    }) : () -> ()
    %add3A_40 = arith.constant 32 : i32
    %add3A_41 = arith.addi %multiple_of3A_39, %add3A_40 : i32
    "tpu.region"() ({
      %run_scoped3A_224 = tpu.sem_alloc : memref<!tpu.dma_semaphore, #tpu.memory_space<semaphore_mem>>
      %dma_start3A_225 = arith.constant 0 : i32
      %dma_start3A_226 = tpu.memref_slice %arg13[%add3A_41, %dma_start3A_225] : memref<10240x128xf32, #tpu.memory_space<vmem_shared>> -> memref<32x128xf32, #tpu.memory_space<vmem_shared>>
      %dma_start3A_227 = arith.constant 0 : i32
      %dma_start3A_228 = tpu.memref_slice %arg13[%add3A_41, %dma_start3A_227] : memref<10240x128xf32, #tpu.memory_space<vmem_shared>> -> memref<32x128xf32, #tpu.memory_space<vmem_shared>>
      tpu.enqueue_dma source(%arg9 : memref<32x128xf32, #tpu.memory_space<vmem>>) target(%dma_start3A_228 : memref<32x128xf32, #tpu.memory_space<vmem_shared>>) target_semaphore(%run_scoped3A_224 : memref<!tpu.dma_semaphore, #tpu.memory_space<semaphore_mem>>)
      %dma_wait3A = arith.constant 0 : i32
      %dma_wait3A_229 = tpu.memref_slice %arg13[%add3A_41, %dma_wait3A] : memref<10240x128xf32, #tpu.memory_space<vmem_shared>> -> memref<32x128xf32, #tpu.memory_space<vmem_shared>>
      %dma_wait3A_230 = arith.constant 0 : i32
      %dma_wait3A_231 = tpu.memref_slice %arg13[%add3A_41, %dma_wait3A_230] : memref<10240x128xf32, #tpu.memory_space<vmem_shared>> -> memref<32x128xf32, #tpu.memory_space<vmem_shared>>
      tpu.wait_dma2 semaphore(%run_scoped3A_224 : memref<!tpu.dma_semaphore, #tpu.memory_space<semaphore_mem>>) src(%arg9 : memref<32x128xf32, #tpu.memory_space<vmem>>) dst(%dma_wait3A_231 : memref<32x128xf32, #tpu.memory_space<vmem_shared>>)
      tpu.yield
    }) : () -> ()
    %mul3A_42 = arith.constant 640 : i32
    %mul3A_43 = arith.muli %arg1, %mul3A_42 : i32
    %add3A_44 = arith.constant 192 : i32
    %add3A_45 = arith.addi %mul3A_43, %add3A_44 : i32
    %multiple_of3A_46 = tpu.assume_multiple %add3A_45, 8 : i32
    "tpu.region"() ({
      %run_scoped3A_224 = tpu.sem_alloc : memref<!tpu.dma_semaphore, #tpu.memory_space<semaphore_mem>>
      %dma_start3A_225 = arith.constant 0 : i32
      %dma_start3A_226 = tpu.memref_slice %arg13[%multiple_of3A_46, %dma_start3A_225] : memref<10240x128xf32, #tpu.memory_space<vmem_shared>> -> memref<32x128xf32, #tpu.memory_space<vmem_shared>>
      %dma_start3A_227 = arith.constant 0 : i32
      %dma_start3A_228 = tpu.memref_slice %arg13[%multiple_of3A_46, %dma_start3A_227] : memref<10240x128xf32, #tpu.memory_space<vmem_shared>> -> memref<32x128xf32, #tpu.memory_space<vmem_shared>>
      tpu.enqueue_dma source(%arg8 : memref<32x128xf32, #tpu.memory_space<vmem>>) target(%dma_start3A_228 : memref<32x128xf32, #tpu.memory_space<vmem_shared>>) target_semaphore(%run_scoped3A_224 : memref<!tpu.dma_semaphore, #tpu.memory_space<semaphore_mem>>)
      %dma_wait3A = arith.constant 0 : i32
      %dma_wait3A_229 = tpu.memref_slice %arg13[%multiple_of3A_46, %dma_wait3A] : memref<10240x128xf32, #tpu.memory_space<vmem_shared>> -> memref<32x128xf32, #tpu.memory_space<vmem_shared>>
      %dma_wait3A_230 = arith.constant 0 : i32
      %dma_wait3A_231 = tpu.memref_slice %arg13[%multiple_of3A_46, %dma_wait3A_230] : memref<10240x128xf32, #tpu.memory_space<vmem_shared>> -> memref<32x128xf32, #tpu.memory_space<vmem_shared>>
      tpu.wait_dma2 semaphore(%run_scoped3A_224 : memref<!tpu.dma_semaphore, #tpu.memory_space<semaphore_mem>>) src(%arg8 : memref<32x128xf32, #tpu.memory_space<vmem>>) dst(%dma_wait3A_231 : memref<32x128xf32, #tpu.memory_space<vmem_shared>>)
      tpu.yield
    }) : () -> ()
    %add3A_47 = arith.constant 32 : i32
    %add3A_48 = arith.addi %multiple_of3A_46, %add3A_47 : i32
    "tpu.region"() ({
      %run_scoped3A_224 = tpu.sem_alloc : memref<!tpu.dma_semaphore, #tpu.memory_space<semaphore_mem>>
      %dma_start3A_225 = arith.constant 0 : i32
      %dma_start3A_226 = tpu.memref_slice %arg13[%add3A_48, %dma_start3A_225] : memref<10240x128xf32, #tpu.memory_space<vmem_shared>> -> memref<32x128xf32, #tpu.memory_space<vmem_shared>>
      %dma_start3A_227 = arith.constant 0 : i32
      %dma_start3A_228 = tpu.memref_slice %arg13[%add3A_48, %dma_start3A_227] : memref<10240x128xf32, #tpu.memory_space<vmem_shared>> -> memref<32x128xf32, #tpu.memory_space<vmem_shared>>
      tpu.enqueue_dma source(%arg9 : memref<32x128xf32, #tpu.memory_space<vmem>>) target(%dma_start3A_228 : memref<32x128xf32, #tpu.memory_space<vmem_shared>>) target_semaphore(%run_scoped3A_224 : memref<!tpu.dma_semaphore, #tpu.memory_space<semaphore_mem>>)
      %dma_wait3A = arith.constant 0 : i32
      %dma_wait3A_229 = tpu.memref_slice %arg13[%add3A_48, %dma_wait3A] : memref<10240x128xf32, #tpu.memory_space<vmem_shared>> -> memref<32x128xf32, #tpu.memory_space<vmem_shared>>
      %dma_wait3A_230 = arith.constant 0 : i32
      %dma_wait3A_231 = tpu.memref_slice %arg13[%add3A_48, %dma_wait3A_230] : memref<10240x128xf32, #tpu.memory_space<vmem_shared>> -> memref<32x128xf32, #tpu.memory_space<vmem_shared>>
      tpu.wait_dma2 semaphore(%run_scoped3A_224 : memref<!tpu.dma_semaphore, #tpu.memory_space<semaphore_mem>>) src(%arg9 : memref<32x128xf32, #tpu.memory_space<vmem>>) dst(%dma_wait3A_231 : memref<32x128xf32, #tpu.memory_space<vmem_shared>>)
      tpu.yield
    }) : () -> ()
    %mul3A_49 = arith.constant 640 : i32
    %mul3A_50 = arith.muli %arg1, %mul3A_49 : i32
    %add3A_51 = arith.constant 256 : i32
    %add3A_52 = arith.addi %mul3A_50, %add3A_51 : i32
    %multiple_of3A_53 = tpu.assume_multiple %add3A_52, 8 : i32
    "tpu.region"() ({
      %run_scoped3A_224 = tpu.sem_alloc : memref<!tpu.dma_semaphore, #tpu.memory_space<semaphore_mem>>
      %dma_start3A_225 = arith.constant 0 : i32
      %dma_start3A_226 = tpu.memref_slice %arg13[%multiple_of3A_53, %dma_start3A_225] : memref<10240x128xf32, #tpu.memory_space<vmem_shared>> -> memref<32x128xf32, #tpu.memory_space<vmem_shared>>
      %dma_start3A_227 = arith.constant 0 : i32
      %dma_start3A_228 = tpu.memref_slice %arg13[%multiple_of3A_53, %dma_start3A_227] : memref<10240x128xf32, #tpu.memory_space<vmem_shared>> -> memref<32x128xf32, #tpu.memory_space<vmem_shared>>
      tpu.enqueue_dma source(%arg8 : memref<32x128xf32, #tpu.memory_space<vmem>>) target(%dma_start3A_228 : memref<32x128xf32, #tpu.memory_space<vmem_shared>>) target_semaphore(%run_scoped3A_224 : memref<!tpu.dma_semaphore, #tpu.memory_space<semaphore_mem>>)
      %dma_wait3A = arith.constant 0 : i32
      %dma_wait3A_229 = tpu.memref_slice %arg13[%multiple_of3A_53, %dma_wait3A] : memref<10240x128xf32, #tpu.memory_space<vmem_shared>> -> memref<32x128xf32, #tpu.memory_space<vmem_shared>>
      %dma_wait3A_230 = arith.constant 0 : i32
      %dma_wait3A_231 = tpu.memref_slice %arg13[%multiple_of3A_53, %dma_wait3A_230] : memref<10240x128xf32, #tpu.memory_space<vmem_shared>> -> memref<32x128xf32, #tpu.memory_space<vmem_shared>>
      tpu.wait_dma2 semaphore(%run_scoped3A_224 : memref<!tpu.dma_semaphore, #tpu.memory_space<semaphore_mem>>) src(%arg8 : memref<32x128xf32, #tpu.memory_space<vmem>>) dst(%dma_wait3A_231 : memref<32x128xf32, #tpu.memory_space<vmem_shared>>)
      tpu.yield
    }) : () -> ()
    %add3A_54 = arith.constant 32 : i32
    %add3A_55 = arith.addi %multiple_of3A_53, %add3A_54 : i32
    "tpu.region"() ({
      %run_scoped3A_224 = tpu.sem_alloc : memref<!tpu.dma_semaphore, #tpu.memory_space<semaphore_mem>>
      %dma_start3A_225 = arith.constant 0 : i32
      %dma_start3A_226 = tpu.memref_slice %arg13[%add3A_55, %dma_start3A_225] : memref<10240x128xf32, #tpu.memory_space<vmem_shared>> -> memref<32x128xf32, #tpu.memory_space<vmem_shared>>
      %dma_start3A_227 = arith.constant 0 : i32
      %dma_start3A_228 = tpu.memref_slice %arg13[%add3A_55, %dma_start3A_227] : memref<10240x128xf32, #tpu.memory_space<vmem_shared>> -> memref<32x128xf32, #tpu.memory_space<vmem_shared>>
      tpu.enqueue_dma source(%arg9 : memref<32x128xf32, #tpu.memory_space<vmem>>) target(%dma_start3A_228 : memref<32x128xf32, #tpu.memory_space<vmem_shared>>) target_semaphore(%run_scoped3A_224 : memref<!tpu.dma_semaphore, #tpu.memory_space<semaphore_mem>>)
      %dma_wait3A = arith.constant 0 : i32
      %dma_wait3A_229 = tpu.memref_slice %arg13[%add3A_55, %dma_wait3A] : memref<10240x128xf32, #tpu.memory_space<vmem_shared>> -> memref<32x128xf32, #tpu.memory_space<vmem_shared>>
      %dma_wait3A_230 = arith.constant 0 : i32
      %dma_wait3A_231 = tpu.memref_slice %arg13[%add3A_55, %dma_wait3A_230] : memref<10240x128xf32, #tpu.memory_space<vmem_shared>> -> memref<32x128xf32, #tpu.memory_space<vmem_shared>>
      tpu.wait_dma2 semaphore(%run_scoped3A_224 : memref<!tpu.dma_semaphore, #tpu.memory_space<semaphore_mem>>) src(%arg9 : memref<32x128xf32, #tpu.memory_space<vmem>>) dst(%dma_wait3A_231 : memref<32x128xf32, #tpu.memory_space<vmem_shared>>)
      tpu.yield
    }) : () -> ()
    %mul3A_56 = arith.constant 640 : i32
    %mul3A_57 = arith.muli %arg1, %mul3A_56 : i32
    %add3A_58 = arith.constant 320 : i32
    %add3A_59 = arith.addi %mul3A_57, %add3A_58 : i32
    %multiple_of3A_60 = tpu.assume_multiple %add3A_59, 8 : i32
    "tpu.region"() ({
      %run_scoped3A_224 = tpu.sem_alloc : memref<!tpu.dma_semaphore, #tpu.memory_space<semaphore_mem>>
      %dma_start3A_225 = arith.constant 0 : i32
      %dma_start3A_226 = tpu.memref_slice %arg13[%multiple_of3A_60, %dma_start3A_225] : memref<10240x128xf32, #tpu.memory_space<vmem_shared>> -> memref<32x128xf32, #tpu.memory_space<vmem_shared>>
      %dma_start3A_227 = arith.constant 0 : i32
      %dma_start3A_228 = tpu.memref_slice %arg13[%multiple_of3A_60, %dma_start3A_227] : memref<10240x128xf32, #tpu.memory_space<vmem_shared>> -> memref<32x128xf32, #tpu.memory_space<vmem_shared>>
      tpu.enqueue_dma source(%arg8 : memref<32x128xf32, #tpu.memory_space<vmem>>) target(%dma_start3A_228 : memref<32x128xf32, #tpu.memory_space<vmem_shared>>) target_semaphore(%run_scoped3A_224 : memref<!tpu.dma_semaphore, #tpu.memory_space<semaphore_mem>>)
      %dma_wait3A = arith.constant 0 : i32
      %dma_wait3A_229 = tpu.memref_slice %arg13[%multiple_of3A_60, %dma_wait3A] : memref<10240x128xf32, #tpu.memory_space<vmem_shared>> -> memref<32x128xf32, #tpu.memory_space<vmem_shared>>
      %dma_wait3A_230 = arith.constant 0 : i32
      %dma_wait3A_231 = tpu.memref_slice %arg13[%multiple_of3A_60, %dma_wait3A_230] : memref<10240x128xf32, #tpu.memory_space<vmem_shared>> -> memref<32x128xf32, #tpu.memory_space<vmem_shared>>
      tpu.wait_dma2 semaphore(%run_scoped3A_224 : memref<!tpu.dma_semaphore, #tpu.memory_space<semaphore_mem>>) src(%arg8 : memref<32x128xf32, #tpu.memory_space<vmem>>) dst(%dma_wait3A_231 : memref<32x128xf32, #tpu.memory_space<vmem_shared>>)
      tpu.yield
    }) : () -> ()
    %add3A_61 = arith.constant 32 : i32
    %add3A_62 = arith.addi %multiple_of3A_60, %add3A_61 : i32
    "tpu.region"() ({
      %run_scoped3A_224 = tpu.sem_alloc : memref<!tpu.dma_semaphore, #tpu.memory_space<semaphore_mem>>
      %dma_start3A_225 = arith.constant 0 : i32
      %dma_start3A_226 = tpu.memref_slice %arg13[%add3A_62, %dma_start3A_225] : memref<10240x128xf32, #tpu.memory_space<vmem_shared>> -> memref<32x128xf32, #tpu.memory_space<vmem_shared>>
      %dma_start3A_227 = arith.constant 0 : i32
      %dma_start3A_228 = tpu.memref_slice %arg13[%add3A_62, %dma_start3A_227] : memref<10240x128xf32, #tpu.memory_space<vmem_shared>> -> memref<32x128xf32, #tpu.memory_space<vmem_shared>>
      tpu.enqueue_dma source(%arg9 : memref<32x128xf32, #tpu.memory_space<vmem>>) target(%dma_start3A_228 : memref<32x128xf32, #tpu.memory_space<vmem_shared>>) target_semaphore(%run_scoped3A_224 : memref<!tpu.dma_semaphore, #tpu.memory_space<semaphore_mem>>)
      %dma_wait3A = arith.constant 0 : i32
      %dma_wait3A_229 = tpu.memref_slice %arg13[%add3A_62, %dma_wait3A] : memref<10240x128xf32, #tpu.memory_space<vmem_shared>> -> memref<32x128xf32, #tpu.memory_space<vmem_shared>>
      %dma_wait3A_230 = arith.constant 0 : i32
      %dma_wait3A_231 = tpu.memref_slice %arg13[%add3A_62, %dma_wait3A_230] : memref<10240x128xf32, #tpu.memory_space<vmem_shared>> -> memref<32x128xf32, #tpu.memory_space<vmem_shared>>
      tpu.wait_dma2 semaphore(%run_scoped3A_224 : memref<!tpu.dma_semaphore, #tpu.memory_space<semaphore_mem>>) src(%arg9 : memref<32x128xf32, #tpu.memory_space<vmem>>) dst(%dma_wait3A_231 : memref<32x128xf32, #tpu.memory_space<vmem_shared>>)
      tpu.yield
    }) : () -> ()
    %mul3A_63 = arith.constant 640 : i32
    %mul3A_64 = arith.muli %arg1, %mul3A_63 : i32
    %add3A_65 = arith.constant 384 : i32
    %add3A_66 = arith.addi %mul3A_64, %add3A_65 : i32
    %multiple_of3A_67 = tpu.assume_multiple %add3A_66, 8 : i32
    "tpu.region"() ({
      %run_scoped3A_224 = tpu.sem_alloc : memref<!tpu.dma_semaphore, #tpu.memory_space<semaphore_mem>>
      %dma_start3A_225 = arith.constant 0 : i32
      %dma_start3A_226 = tpu.memref_slice %arg13[%multiple_of3A_67, %dma_start3A_225] : memref<10240x128xf32, #tpu.memory_space<vmem_shared>> -> memref<32x128xf32, #tpu.memory_space<vmem_shared>>
      %dma_start3A_227 = arith.constant 0 : i32
      %dma_start3A_228 = tpu.memref_slice %arg13[%multiple_of3A_67, %dma_start3A_227] : memref<10240x128xf32, #tpu.memory_space<vmem_shared>> -> memref<32x128xf32, #tpu.memory_space<vmem_shared>>
      tpu.enqueue_dma source(%arg8 : memref<32x128xf32, #tpu.memory_space<vmem>>) target(%dma_start3A_228 : memref<32x128xf32, #tpu.memory_space<vmem_shared>>) target_semaphore(%run_scoped3A_224 : memref<!tpu.dma_semaphore, #tpu.memory_space<semaphore_mem>>)
      %dma_wait3A = arith.constant 0 : i32
      %dma_wait3A_229 = tpu.memref_slice %arg13[%multiple_of3A_67, %dma_wait3A] : memref<10240x128xf32, #tpu.memory_space<vmem_shared>> -> memref<32x128xf32, #tpu.memory_space<vmem_shared>>
      %dma_wait3A_230 = arith.constant 0 : i32
      %dma_wait3A_231 = tpu.memref_slice %arg13[%multiple_of3A_67, %dma_wait3A_230] : memref<10240x128xf32, #tpu.memory_space<vmem_shared>> -> memref<32x128xf32, #tpu.memory_space<vmem_shared>>
      tpu.wait_dma2 semaphore(%run_scoped3A_224 : memref<!tpu.dma_semaphore, #tpu.memory_space<semaphore_mem>>) src(%arg8 : memref<32x128xf32, #tpu.memory_space<vmem>>) dst(%dma_wait3A_231 : memref<32x128xf32, #tpu.memory_space<vmem_shared>>)
      tpu.yield
    }) : () -> ()
    %add3A_68 = arith.constant 32 : i32
    %add3A_69 = arith.addi %multiple_of3A_67, %add3A_68 : i32
    "tpu.region"() ({
      %run_scoped3A_224 = tpu.sem_alloc : memref<!tpu.dma_semaphore, #tpu.memory_space<semaphore_mem>>
      %dma_start3A_225 = arith.constant 0 : i32
      %dma_start3A_226 = tpu.memref_slice %arg13[%add3A_69, %dma_start3A_225] : memref<10240x128xf32, #tpu.memory_space<vmem_shared>> -> memref<32x128xf32, #tpu.memory_space<vmem_shared>>
      %dma_start3A_227 = arith.constant 0 : i32
      %dma_start3A_228 = tpu.memref_slice %arg13[%add3A_69, %dma_start3A_227] : memref<10240x128xf32, #tpu.memory_space<vmem_shared>> -> memref<32x128xf32, #tpu.memory_space<vmem_shared>>
      tpu.enqueue_dma source(%arg9 : memref<32x128xf32, #tpu.memory_space<vmem>>) target(%dma_start3A_228 : memref<32x128xf32, #tpu.memory_space<vmem_shared>>) target_semaphore(%run_scoped3A_224 : memref<!tpu.dma_semaphore, #tpu.memory_space<semaphore_mem>>)
      %dma_wait3A = arith.constant 0 : i32
      %dma_wait3A_229 = tpu.memref_slice %arg13[%add3A_69, %dma_wait3A] : memref<10240x128xf32, #tpu.memory_space<vmem_shared>> -> memref<32x128xf32, #tpu.memory_space<vmem_shared>>
      %dma_wait3A_230 = arith.constant 0 : i32
      %dma_wait3A_231 = tpu.memref_slice %arg13[%add3A_69, %dma_wait3A_230] : memref<10240x128xf32, #tpu.memory_space<vmem_shared>> -> memref<32x128xf32, #tpu.memory_space<vmem_shared>>
      tpu.wait_dma2 semaphore(%run_scoped3A_224 : memref<!tpu.dma_semaphore, #tpu.memory_space<semaphore_mem>>) src(%arg9 : memref<32x128xf32, #tpu.memory_space<vmem>>) dst(%dma_wait3A_231 : memref<32x128xf32, #tpu.memory_space<vmem_shared>>)
      tpu.yield
    }) : () -> ()
    %mul3A_70 = arith.constant 640 : i32
    %mul3A_71 = arith.muli %arg1, %mul3A_70 : i32
    %add3A_72 = arith.constant 448 : i32
    %add3A_73 = arith.addi %mul3A_71, %add3A_72 : i32
    %multiple_of3A_74 = tpu.assume_multiple %add3A_73, 8 : i32
    "tpu.region"() ({
      %run_scoped3A_224 = tpu.sem_alloc : memref<!tpu.dma_semaphore, #tpu.memory_space<semaphore_mem>>
      %dma_start3A_225 = arith.constant 0 : i32
      %dma_start3A_226 = tpu.memref_slice %arg13[%multiple_of3A_74, %dma_start3A_225] : memref<10240x128xf32, #tpu.memory_space<vmem_shared>> -> memref<32x128xf32, #tpu.memory_space<vmem_shared>>
      %dma_start3A_227 = arith.constant 0 : i32
      %dma_start3A_228 = tpu.memref_slice %arg13[%multiple_of3A_74, %dma_start3A_227] : memref<10240x128xf32, #tpu.memory_space<vmem_shared>> -> memref<32x128xf32, #tpu.memory_space<vmem_shared>>
      tpu.enqueue_dma source(%arg8 : memref<32x128xf32, #tpu.memory_space<vmem>>) target(%dma_start3A_228 : memref<32x128xf32, #tpu.memory_space<vmem_shared>>) target_semaphore(%run_scoped3A_224 : memref<!tpu.dma_semaphore, #tpu.memory_space<semaphore_mem>>)
      %dma_wait3A = arith.constant 0 : i32
      %dma_wait3A_229 = tpu.memref_slice %arg13[%multiple_of3A_74, %dma_wait3A] : memref<10240x128xf32, #tpu.memory_space<vmem_shared>> -> memref<32x128xf32, #tpu.memory_space<vmem_shared>>
      %dma_wait3A_230 = arith.constant 0 : i32
      %dma_wait3A_231 = tpu.memref_slice %arg13[%multiple_of3A_74, %dma_wait3A_230] : memref<10240x128xf32, #tpu.memory_space<vmem_shared>> -> memref<32x128xf32, #tpu.memory_space<vmem_shared>>
      tpu.wait_dma2 semaphore(%run_scoped3A_224 : memref<!tpu.dma_semaphore, #tpu.memory_space<semaphore_mem>>) src(%arg8 : memref<32x128xf32, #tpu.memory_space<vmem>>) dst(%dma_wait3A_231 : memref<32x128xf32, #tpu.memory_space<vmem_shared>>)
      tpu.yield
    }) : () -> ()
    %add3A_75 = arith.constant 32 : i32
    %add3A_76 = arith.addi %multiple_of3A_74, %add3A_75 : i32
    "tpu.region"() ({
      %run_scoped3A_224 = tpu.sem_alloc : memref<!tpu.dma_semaphore, #tpu.memory_space<semaphore_mem>>
      %dma_start3A_225 = arith.constant 0 : i32
      %dma_start3A_226 = tpu.memref_slice %arg13[%add3A_76, %dma_start3A_225] : memref<10240x128xf32, #tpu.memory_space<vmem_shared>> -> memref<32x128xf32, #tpu.memory_space<vmem_shared>>
      %dma_start3A_227 = arith.constant 0 : i32
      %dma_start3A_228 = tpu.memref_slice %arg13[%add3A_76, %dma_start3A_227] : memref<10240x128xf32, #tpu.memory_space<vmem_shared>> -> memref<32x128xf32, #tpu.memory_space<vmem_shared>>
      tpu.enqueue_dma source(%arg9 : memref<32x128xf32, #tpu.memory_space<vmem>>) target(%dma_start3A_228 : memref<32x128xf32, #tpu.memory_space<vmem_shared>>) target_semaphore(%run_scoped3A_224 : memref<!tpu.dma_semaphore, #tpu.memory_space<semaphore_mem>>)
      %dma_wait3A = arith.constant 0 : i32
      %dma_wait3A_229 = tpu.memref_slice %arg13[%add3A_76, %dma_wait3A] : memref<10240x128xf32, #tpu.memory_space<vmem_shared>> -> memref<32x128xf32, #tpu.memory_space<vmem_shared>>
      %dma_wait3A_230 = arith.constant 0 : i32
      %dma_wait3A_231 = tpu.memref_slice %arg13[%add3A_76, %dma_wait3A_230] : memref<10240x128xf32, #tpu.memory_space<vmem_shared>> -> memref<32x128xf32, #tpu.memory_space<vmem_shared>>
      tpu.wait_dma2 semaphore(%run_scoped3A_224 : memref<!tpu.dma_semaphore, #tpu.memory_space<semaphore_mem>>) src(%arg9 : memref<32x128xf32, #tpu.memory_space<vmem>>) dst(%dma_wait3A_231 : memref<32x128xf32, #tpu.memory_space<vmem_shared>>)
      tpu.yield
    }) : () -> ()
    %mul3A_77 = arith.constant 640 : i32
    %mul3A_78 = arith.muli %arg1, %mul3A_77 : i32
    %add3A_79 = arith.constant 512 : i32
    %add3A_80 = arith.addi %mul3A_78, %add3A_79 : i32
    %multiple_of3A_81 = tpu.assume_multiple %add3A_80, 8 : i32
    "tpu.region"() ({
      %run_scoped3A_224 = tpu.sem_alloc : memref<!tpu.dma_semaphore, #tpu.memory_space<semaphore_mem>>
      %dma_start3A_225 = arith.constant 0 : i32
      %dma_start3A_226 = tpu.memref_slice %arg13[%multiple_of3A_81, %dma_start3A_225] : memref<10240x128xf32, #tpu.memory_space<vmem_shared>> -> memref<32x128xf32, #tpu.memory_space<vmem_shared>>
      %dma_start3A_227 = arith.constant 0 : i32
      %dma_start3A_228 = tpu.memref_slice %arg13[%multiple_of3A_81, %dma_start3A_227] : memref<10240x128xf32, #tpu.memory_space<vmem_shared>> -> memref<32x128xf32, #tpu.memory_space<vmem_shared>>
      tpu.enqueue_dma source(%arg8 : memref<32x128xf32, #tpu.memory_space<vmem>>) target(%dma_start3A_228 : memref<32x128xf32, #tpu.memory_space<vmem_shared>>) target_semaphore(%run_scoped3A_224 : memref<!tpu.dma_semaphore, #tpu.memory_space<semaphore_mem>>)
      %dma_wait3A = arith.constant 0 : i32
      %dma_wait3A_229 = tpu.memref_slice %arg13[%multiple_of3A_81, %dma_wait3A] : memref<10240x128xf32, #tpu.memory_space<vmem_shared>> -> memref<32x128xf32, #tpu.memory_space<vmem_shared>>
      %dma_wait3A_230 = arith.constant 0 : i32
      %dma_wait3A_231 = tpu.memref_slice %arg13[%multiple_of3A_81, %dma_wait3A_230] : memref<10240x128xf32, #tpu.memory_space<vmem_shared>> -> memref<32x128xf32, #tpu.memory_space<vmem_shared>>
      tpu.wait_dma2 semaphore(%run_scoped3A_224 : memref<!tpu.dma_semaphore, #tpu.memory_space<semaphore_mem>>) src(%arg8 : memref<32x128xf32, #tpu.memory_space<vmem>>) dst(%dma_wait3A_231 : memref<32x128xf32, #tpu.memory_space<vmem_shared>>)
      tpu.yield
    }) : () -> ()
    %add3A_82 = arith.constant 32 : i32
    %add3A_83 = arith.addi %multiple_of3A_81, %add3A_82 : i32
    "tpu.region"() ({
      %run_scoped3A_224 = tpu.sem_alloc : memref<!tpu.dma_semaphore, #tpu.memory_space<semaphore_mem>>
      %dma_start3A_225 = arith.constant 0 : i32
      %dma_start3A_226 = tpu.memref_slice %arg13[%add3A_83, %dma_start3A_225] : memref<10240x128xf32, #tpu.memory_space<vmem_shared>> -> memref<32x128xf32, #tpu.memory_space<vmem_shared>>
      %dma_start3A_227 = arith.constant 0 : i32
      %dma_start3A_228 = tpu.memref_slice %arg13[%add3A_83, %dma_start3A_227] : memref<10240x128xf32, #tpu.memory_space<vmem_shared>> -> memref<32x128xf32, #tpu.memory_space<vmem_shared>>
      tpu.enqueue_dma source(%arg9 : memref<32x128xf32, #tpu.memory_space<vmem>>) target(%dma_start3A_228 : memref<32x128xf32, #tpu.memory_space<vmem_shared>>) target_semaphore(%run_scoped3A_224 : memref<!tpu.dma_semaphore, #tpu.memory_space<semaphore_mem>>)
      %dma_wait3A = arith.constant 0 : i32
      %dma_wait3A_229 = tpu.memref_slice %arg13[%add3A_83, %dma_wait3A] : memref<10240x128xf32, #tpu.memory_space<vmem_shared>> -> memref<32x128xf32, #tpu.memory_space<vmem_shared>>
      %dma_wait3A_230 = arith.constant 0 : i32
      %dma_wait3A_231 = tpu.memref_slice %arg13[%add3A_83, %dma_wait3A_230] : memref<10240x128xf32, #tpu.memory_space<vmem_shared>> -> memref<32x128xf32, #tpu.memory_space<vmem_shared>>
      tpu.wait_dma2 semaphore(%run_scoped3A_224 : memref<!tpu.dma_semaphore, #tpu.memory_space<semaphore_mem>>) src(%arg9 : memref<32x128xf32, #tpu.memory_space<vmem>>) dst(%dma_wait3A_231 : memref<32x128xf32, #tpu.memory_space<vmem_shared>>)
      tpu.yield
    }) : () -> ()
    %mul3A_84 = arith.constant 640 : i32
    %mul3A_85 = arith.muli %arg1, %mul3A_84 : i32
    %add3A_86 = arith.constant 576 : i32
    %add3A_87 = arith.addi %mul3A_85, %add3A_86 : i32
    %multiple_of3A_88 = tpu.assume_multiple %add3A_87, 8 : i32
    "tpu.region"() ({
      %run_scoped3A_224 = tpu.sem_alloc : memref<!tpu.dma_semaphore, #tpu.memory_space<semaphore_mem>>
      %dma_start3A_225 = arith.constant 0 : i32
      %dma_start3A_226 = tpu.memref_slice %arg13[%multiple_of3A_88, %dma_start3A_225] : memref<10240x128xf32, #tpu.memory_space<vmem_shared>> -> memref<32x128xf32, #tpu.memory_space<vmem_shared>>
      %dma_start3A_227 = arith.constant 0 : i32
      %dma_start3A_228 = tpu.memref_slice %arg13[%multiple_of3A_88, %dma_start3A_227] : memref<10240x128xf32, #tpu.memory_space<vmem_shared>> -> memref<32x128xf32, #tpu.memory_space<vmem_shared>>
      tpu.enqueue_dma source(%arg8 : memref<32x128xf32, #tpu.memory_space<vmem>>) target(%dma_start3A_228 : memref<32x128xf32, #tpu.memory_space<vmem_shared>>) target_semaphore(%run_scoped3A_224 : memref<!tpu.dma_semaphore, #tpu.memory_space<semaphore_mem>>)
      %dma_wait3A = arith.constant 0 : i32
      %dma_wait3A_229 = tpu.memref_slice %arg13[%multiple_of3A_88, %dma_wait3A] : memref<10240x128xf32, #tpu.memory_space<vmem_shared>> -> memref<32x128xf32, #tpu.memory_space<vmem_shared>>
      %dma_wait3A_230 = arith.constant 0 : i32
      %dma_wait3A_231 = tpu.memref_slice %arg13[%multiple_of3A_88, %dma_wait3A_230] : memref<10240x128xf32, #tpu.memory_space<vmem_shared>> -> memref<32x128xf32, #tpu.memory_space<vmem_shared>>
      tpu.wait_dma2 semaphore(%run_scoped3A_224 : memref<!tpu.dma_semaphore, #tpu.memory_space<semaphore_mem>>) src(%arg8 : memref<32x128xf32, #tpu.memory_space<vmem>>) dst(%dma_wait3A_231 : memref<32x128xf32, #tpu.memory_space<vmem_shared>>)
      tpu.yield
    }) : () -> ()
    %add3A_89 = arith.constant 32 : i32
    %add3A_90 = arith.addi %multiple_of3A_88, %add3A_89 : i32
    "tpu.region"() ({
      %run_scoped3A_224 = tpu.sem_alloc : memref<!tpu.dma_semaphore, #tpu.memory_space<semaphore_mem>>
      %dma_start3A_225 = arith.constant 0 : i32
      %dma_start3A_226 = tpu.memref_slice %arg13[%add3A_90, %dma_start3A_225] : memref<10240x128xf32, #tpu.memory_space<vmem_shared>> -> memref<32x128xf32, #tpu.memory_space<vmem_shared>>
      %dma_start3A_227 = arith.constant 0 : i32
      %dma_start3A_228 = tpu.memref_slice %arg13[%add3A_90, %dma_start3A_227] : memref<10240x128xf32, #tpu.memory_space<vmem_shared>> -> memref<32x128xf32, #tpu.memory_space<vmem_shared>>
      tpu.enqueue_dma source(%arg9 : memref<32x128xf32, #tpu.memory_space<vmem>>) target(%dma_start3A_228 : memref<32x128xf32, #tpu.memory_space<vmem_shared>>) target_semaphore(%run_scoped3A_224 : memref<!tpu.dma_semaphore, #tpu.memory_space<semaphore_mem>>)
      %dma_wait3A = arith.constant 0 : i32
      %dma_wait3A_229 = tpu.memref_slice %arg13[%add3A_90, %dma_wait3A] : memref<10240x128xf32, #tpu.memory_space<vmem_shared>> -> memref<32x128xf32, #tpu.memory_space<vmem_shared>>
      %dma_wait3A_230 = arith.constant 0 : i32
      %dma_wait3A_231 = tpu.memref_slice %arg13[%add3A_90, %dma_wait3A_230] : memref<10240x128xf32, #tpu.memory_space<vmem_shared>> -> memref<32x128xf32, #tpu.memory_space<vmem_shared>>
      tpu.wait_dma2 semaphore(%run_scoped3A_224 : memref<!tpu.dma_semaphore, #tpu.memory_space<semaphore_mem>>) src(%arg9 : memref<32x128xf32, #tpu.memory_space<vmem>>) dst(%dma_wait3A_231 : memref<32x128xf32, #tpu.memory_space<vmem_shared>>)
      tpu.yield
    }) : () -> ()
    %barrier3A = arith.constant 0 : index
    tpu.barrier barrier_id(%barrier3A)
    %broadcast_in_dim3A_91 = arith.constant 1.000000e+00 : f32
    %broadcast_in_dim3A_92 = vector.broadcast %broadcast_in_dim3A_91 : f32 to vector<16xf32>
    %dma_start3A = arith.constant 0 : i32
    %dma_start3A_93 = arith.constant 0 : i32
    %dma_start3A_94 = arith.constant 0 : i32
    %dma_start3A_95 = tpu.memref_slice %arg6[%dma_start3A, %dma_start3A_93, %dma_start3A_94] : memref<79x1x128xi32, #tpu.memory_space<vmem>> -> memref<1x1x32xi32, #tpu.memory_space<vmem>>
    %dma_start3A_96 = tpu.memref_squeeze %dma_start3A_95 : memref<1x1x32xi32, #tpu.memory_space<vmem>> -> memref<32xi32, #tpu.memory_space<vmem>>
    %dma_start3A_97 = arith.constant 0 : i32
    %dma_start3A_98 = arith.constant 0 : i32
    %dma_start3A_99 = tpu.memref_slice %arg2[%dma_start3A_97, %dma_start3A_98] : memref<10000x128xf32, #tpu.memory_space<hbm>> -> memref<10000x128xf32, #tpu.memory_space<hbm>>
    tpu.enqueue_indirect_dma source(%dma_start3A_99 : memref<10000x128xf32, #tpu.memory_space<hbm>>) target(%arg8 : memref<32x128xf32, #tpu.memory_space<vmem>>) offsets(%dma_start3A_96 : memref<32xi32, #tpu.memory_space<vmem>>) semaphore(%arg14 : memref<!tpu.dma_semaphore, #tpu.memory_space<semaphore_mem>>)
    %dma_start3A_100 = arith.constant 0 : i32
    %dma_start3A_101 = arith.constant 0 : i32
    %dma_start3A_102 = arith.constant 32 : i32
    %dma_start3A_103 = tpu.memref_slice %arg6[%dma_start3A_100, %dma_start3A_101, %dma_start3A_102] : memref<79x1x128xi32, #tpu.memory_space<vmem>> -> memref<1x1x32xi32, #tpu.memory_space<vmem>>
    %dma_start3A_104 = tpu.memref_squeeze %dma_start3A_103 : memref<1x1x32xi32, #tpu.memory_space<vmem>> -> memref<32xi32, #tpu.memory_space<vmem>>
    %dma_start3A_105 = arith.constant 0 : i32
    %dma_start3A_106 = arith.constant 0 : i32
    %dma_start3A_107 = tpu.memref_slice %arg2[%dma_start3A_105, %dma_start3A_106] : memref<10000x128xf32, #tpu.memory_space<hbm>> -> memref<10000x128xf32, #tpu.memory_space<hbm>>
    tpu.enqueue_indirect_dma source(%dma_start3A_107 : memref<10000x128xf32, #tpu.memory_space<hbm>>) target(%arg9 : memref<32x128xf32, #tpu.memory_space<vmem>>) offsets(%dma_start3A_104 : memref<32xi32, #tpu.memory_space<vmem>>) semaphore(%arg15 : memref<!tpu.dma_semaphore, #tpu.memory_space<semaphore_mem>>)
    %dma_start3A_108 = arith.constant 0 : i32
    %dma_start3A_109 = arith.constant 0 : i32
    %dma_start3A_110 = arith.constant 64 : i32
    %dma_start3A_111 = tpu.memref_slice %arg6[%dma_start3A_108, %dma_start3A_109, %dma_start3A_110] : memref<79x1x128xi32, #tpu.memory_space<vmem>> -> memref<1x1x32xi32, #tpu.memory_space<vmem>>
    %dma_start3A_112 = tpu.memref_squeeze %dma_start3A_111 : memref<1x1x32xi32, #tpu.memory_space<vmem>> -> memref<32xi32, #tpu.memory_space<vmem>>
    %dma_start3A_113 = arith.constant 0 : i32
    %dma_start3A_114 = arith.constant 0 : i32
    %dma_start3A_115 = tpu.memref_slice %arg2[%dma_start3A_113, %dma_start3A_114] : memref<10000x128xf32, #tpu.memory_space<hbm>> -> memref<10000x128xf32, #tpu.memory_space<hbm>>
    tpu.enqueue_indirect_dma source(%dma_start3A_115 : memref<10000x128xf32, #tpu.memory_space<hbm>>) target(%arg10 : memref<32x128xf32, #tpu.memory_space<vmem>>) offsets(%dma_start3A_112 : memref<32xi32, #tpu.memory_space<vmem>>) semaphore(%arg16 : memref<!tpu.dma_semaphore, #tpu.memory_space<semaphore_mem>>)
    %dma_start3A_116 = arith.constant 0 : i32
    %dma_start3A_117 = arith.constant 0 : i32
    %dma_start3A_118 = arith.constant 96 : i32
    %dma_start3A_119 = tpu.memref_slice %arg6[%dma_start3A_116, %dma_start3A_117, %dma_start3A_118] : memref<79x1x128xi32, #tpu.memory_space<vmem>> -> memref<1x1x32xi32, #tpu.memory_space<vmem>>
    %dma_start3A_120 = tpu.memref_squeeze %dma_start3A_119 : memref<1x1x32xi32, #tpu.memory_space<vmem>> -> memref<32xi32, #tpu.memory_space<vmem>>
    %dma_start3A_121 = arith.constant 0 : i32
    %dma_start3A_122 = arith.constant 0 : i32
    %dma_start3A_123 = tpu.memref_slice %arg2[%dma_start3A_121, %dma_start3A_122] : memref<10000x128xf32, #tpu.memory_space<hbm>> -> memref<10000x128xf32, #tpu.memory_space<hbm>>
    tpu.enqueue_indirect_dma source(%dma_start3A_123 : memref<10000x128xf32, #tpu.memory_space<hbm>>) target(%arg11 : memref<32x128xf32, #tpu.memory_space<vmem>>) offsets(%dma_start3A_120 : memref<32xi32, #tpu.memory_space<vmem>>) semaphore(%arg17 : memref<!tpu.dma_semaphore, #tpu.memory_space<semaphore_mem>>)
    %while3A = arith.constant 0 : i32
    %while3A_124 = arith.constant 0 : i32
    %while3A_125 = arith.subi %select_n3A, %while3A_124 : i32
    %while3A_126 = arith.addi %while3A_124, %while3A_125 : i32
    %while3A_127 = arith.constant 1 : i32
    %while3A_128 = arith.divsi %while3A_125, %while3A_127 : i32
    %while3A_129 = arith.muli %while3A_128, %while3A_127 : i32
    %while3A_130 = arith.addi %while3A_124, %while3A_129 : i32
    %while3A_131 = arith.constant 1 : i32
    scf.for %while3A_224 = %while3A_124 to %while3A_130 step %while3A_131  : i32 {
      %get3A = arith.constant 0 : i32
      %get3A_225 = arith.index_cast %while3A_224 : i32 to index
      %get3A_226 = arith.index_cast %get3A : i32 to index
      %get3A_227 = arith.constant 0 : index
      %get3A_228 = tpu.vector_load %arg7[%get3A_225, %get3A_226, %get3A_227] {strides = array<i32>} : memref<79x1x128xi32, #tpu.memory_space<vmem>>, vector<16xi32>,
      tpu.vector_store_idx %arg12[%get3A_228], %broadcast_in_dim3A_92 {add = true} : memref<10240xf32, #tpu.memory_space<vmem>>[vector<16xi32>], vector<16xf32>,
      %get3A_229 = arith.constant 0 : i32
      %get3A_230 = arith.index_cast %while3A_224 : i32 to index
      %get3A_231 = arith.index_cast %get3A_229 : i32 to index
      %get3A_232 = arith.constant 16 : index
      %get3A_233 = tpu.vector_load %arg7[%get3A_230, %get3A_231, %get3A_232] {strides = array<i32>} : memref<79x1x128xi32, #tpu.memory_space<vmem>>, vector<16xi32>,
      tpu.vector_store_idx %arg12[%get3A_233], %broadcast_in_dim3A_92 {add = true} : memref<10240xf32, #tpu.memory_space<vmem>>[vector<16xi32>], vector<16xf32>,
      %dma_wait3A = arith.constant 0 : i32
      %dma_wait3A_234 = arith.constant 0 : i32
      %dma_wait3A_235 = tpu.memref_slice %arg6[%while3A_224, %dma_wait3A, %dma_wait3A_234] : memref<79x1x128xi32, #tpu.memory_space<vmem>> -> memref<1x1x32xi32, #tpu.memory_space<vmem>>
      %dma_wait3A_236 = tpu.memref_squeeze %dma_wait3A_235 : memref<1x1x32xi32, #tpu.memory_space<vmem>> -> memref<32xi32, #tpu.memory_space<vmem>>
      %dma_wait3A_237 = arith.constant 0 : i32
      %dma_wait3A_238 = arith.constant 0 : i32
      %dma_wait3A_239 = tpu.memref_slice %arg2[%dma_wait3A_237, %dma_wait3A_238] : memref<10000x128xf32, #tpu.memory_space<hbm>> -> memref<10000x128xf32, #tpu.memory_space<hbm>>
      tpu.wait_indirect_dma semaphore(%arg14 : memref<!tpu.dma_semaphore, #tpu.memory_space<semaphore_mem>>) src(%dma_wait3A_239 : memref<10000x128xf32, #tpu.memory_space<hbm>>) dst(%arg8 : memref<32x128xf32, #tpu.memory_space<vmem>>)
      %run_scoped3A_240 = arith.constant 0 : i32
      "tpu.region"() ({
        %run_scoped3A_318 = tpu.sem_alloc : memref<!tpu.dma_semaphore, #tpu.memory_space<semaphore_mem>>
        %dma_start3A_319 = arith.constant 0 : i32
        %dma_start3A_320 = tpu.memref_slice %arg7[%while3A_224, %run_scoped3A_240, %dma_start3A_319] : memref<79x1x128xi32, #tpu.memory_space<vmem>> -> memref<1x1x32xi32, #tpu.memory_space<vmem>>
        %dma_start3A_321 = tpu.memref_squeeze %dma_start3A_320 : memref<1x1x32xi32, #tpu.memory_space<vmem>> -> memref<32xi32, #tpu.memory_space<vmem>>
        %dma_start3A_322 = arith.constant 0 : i32
        %dma_start3A_323 = arith.constant 0 : i32
        %dma_start3A_324 = tpu.memref_slice %arg13[%dma_start3A_322, %dma_start3A_323] : memref<10240x128xf32, #tpu.memory_space<vmem_shared>> -> memref<10240x128xf32, #tpu.memory_space<vmem_shared>>
        tpu.enqueue_indirect_dma source(%arg8 : memref<32x128xf32, #tpu.memory_space<vmem>>) target(%dma_start3A_324 : memref<10240x128xf32, #tpu.memory_space<vmem_shared>>) offsets(%dma_start3A_321 : memref<32xi32, #tpu.memory_space<vmem>>) semaphore(%run_scoped3A_318 : memref<!tpu.dma_semaphore, #tpu.memory_space<semaphore_mem>>) {add = true}
        %dma_wait3A_325 = arith.constant 0 : i32
        %dma_wait3A_326 = tpu.memref_slice %arg7[%while3A_224, %run_scoped3A_240, %dma_wait3A_325] : memref<79x1x128xi32, #tpu.memory_space<vmem>> -> memref<1x1x32xi32, #tpu.memory_space<vmem>>
        %dma_wait3A_327 = tpu.memref_squeeze %dma_wait3A_326 : memref<1x1x32xi32, #tpu.memory_space<vmem>> -> memref<32xi32, #tpu.memory_space<vmem>>
        %dma_wait3A_328 = arith.constant 0 : i32
        %dma_wait3A_329 = arith.constant 0 : i32
        %dma_wait3A_330 = tpu.memref_slice %arg13[%dma_wait3A_328, %dma_wait3A_329] : memref<10240x128xf32, #tpu.memory_space<vmem_shared>> -> memref<10240x128xf32, #tpu.memory_space<vmem_shared>>
        tpu.wait_indirect_dma semaphore(%run_scoped3A_318 : memref<!tpu.dma_semaphore, #tpu.memory_space<semaphore_mem>>) src(%arg8 : memref<32x128xf32, #tpu.memory_space<vmem>>) dst(%dma_wait3A_330 : memref<10240x128xf32, #tpu.memory_space<vmem_shared>>)
        tpu.yield
      }) : () -> ()
      %sub3A = arith.constant 1 : i32
      %sub3A_241 = arith.subi %select_n3A, %sub3A : i32
      %lt3A_242 = arith.cmpi slt, %while3A_224, %sub3A_241 : i32
      %convert_element_type3A_243 = arith.extui %lt3A_242 : i1 to i32
      %cond3A_244 = arith.constant 0 : i32
      %cond3A_245 = arith.cmpi ne, %convert_element_type3A_243, %cond3A_244 : i32
      scf.if %cond3A_245 {
        %add3A_318 = arith.constant 1 : i32
        %add3A_319 = arith.addi %while3A_224, %add3A_318 : i32
        %dma_start3A_320 = arith.constant 0 : i32
        %dma_start3A_321 = arith.constant 0 : i32
        %dma_start3A_322 = tpu.memref_slice %arg6[%add3A_319, %dma_start3A_320, %dma_start3A_321] : memref<79x1x128xi32, #tpu.memory_space<vmem>> -> memref<1x1x32xi32, #tpu.memory_space<vmem>>
        %dma_start3A_323 = tpu.memref_squeeze %dma_start3A_322 : memref<1x1x32xi32, #tpu.memory_space<vmem>> -> memref<32xi32, #tpu.memory_space<vmem>>
        %dma_start3A_324 = arith.constant 0 : i32
        %dma_start3A_325 = arith.constant 0 : i32
        %dma_start3A_326 = tpu.memref_slice %arg2[%dma_start3A_324, %dma_start3A_325] : memref<10000x128xf32, #tpu.memory_space<hbm>> -> memref<10000x128xf32, #tpu.memory_space<hbm>>
        tpu.enqueue_indirect_dma source(%dma_start3A_326 : memref<10000x128xf32, #tpu.memory_space<hbm>>) target(%arg8 : memref<32x128xf32, #tpu.memory_space<vmem>>) offsets(%dma_start3A_323 : memref<32xi32, #tpu.memory_space<vmem>>) semaphore(%arg14 : memref<!tpu.dma_semaphore, #tpu.memory_space<semaphore_mem>>)
      } else {
      }
      %get3A_246 = arith.constant 0 : i32
      %get3A_247 = arith.index_cast %while3A_224 : i32 to index
      %get3A_248 = arith.index_cast %get3A_246 : i32 to index
      %get3A_249 = arith.constant 32 : index
      %get3A_250 = tpu.vector_load %arg7[%get3A_247, %get3A_248, %get3A_249] {strides = array<i32>} : memref<79x1x128xi32, #tpu.memory_space<vmem>>, vector<16xi32>,
      tpu.vector_store_idx %arg12[%get3A_250], %broadcast_in_dim3A_92 {add = true} : memref<10240xf32, #tpu.memory_space<vmem>>[vector<16xi32>], vector<16xf32>,
      %get3A_251 = arith.constant 0 : i32
      %get3A_252 = arith.index_cast %while3A_224 : i32 to index
      %get3A_253 = arith.index_cast %get3A_251 : i32 to index
      %get3A_254 = arith.constant 48 : index
      %get3A_255 = tpu.vector_load %arg7[%get3A_252, %get3A_253, %get3A_254] {strides = array<i32>} : memref<79x1x128xi32, #tpu.memory_space<vmem>>, vector<16xi32>,
      tpu.vector_store_idx %arg12[%get3A_255], %broadcast_in_dim3A_92 {add = true} : memref<10240xf32, #tpu.memory_space<vmem>>[vector<16xi32>], vector<16xf32>,
      %dma_wait3A_256 = arith.constant 0 : i32
      %dma_wait3A_257 = arith.constant 32 : i32
      %dma_wait3A_258 = tpu.memref_slice %arg6[%while3A_224, %dma_wait3A_256, %dma_wait3A_257] : memref<79x1x128xi32, #tpu.memory_space<vmem>> -> memref<1x1x32xi32, #tpu.memory_space<vmem>>
      %dma_wait3A_259 = tpu.memref_squeeze %dma_wait3A_258 : memref<1x1x32xi32, #tpu.memory_space<vmem>> -> memref<32xi32, #tpu.memory_space<vmem>>
      %dma_wait3A_260 = arith.constant 0 : i32
      %dma_wait3A_261 = arith.constant 0 : i32
      %dma_wait3A_262 = tpu.memref_slice %arg2[%dma_wait3A_260, %dma_wait3A_261] : memref<10000x128xf32, #tpu.memory_space<hbm>> -> memref<10000x128xf32, #tpu.memory_space<hbm>>
      tpu.wait_indirect_dma semaphore(%arg15 : memref<!tpu.dma_semaphore, #tpu.memory_space<semaphore_mem>>) src(%dma_wait3A_262 : memref<10000x128xf32, #tpu.memory_space<hbm>>) dst(%arg9 : memref<32x128xf32, #tpu.memory_space<vmem>>)
      %run_scoped3A_263 = arith.constant 0 : i32
      "tpu.region"() ({
        %run_scoped3A_318 = tpu.sem_alloc : memref<!tpu.dma_semaphore, #tpu.memory_space<semaphore_mem>>
        %dma_start3A_319 = arith.constant 32 : i32
        %dma_start3A_320 = tpu.memref_slice %arg7[%while3A_224, %run_scoped3A_263, %dma_start3A_319] : memref<79x1x128xi32, #tpu.memory_space<vmem>> -> memref<1x1x32xi32, #tpu.memory_space<vmem>>
        %dma_start3A_321 = tpu.memref_squeeze %dma_start3A_320 : memref<1x1x32xi32, #tpu.memory_space<vmem>> -> memref<32xi32, #tpu.memory_space<vmem>>
        %dma_start3A_322 = arith.constant 0 : i32
        %dma_start3A_323 = arith.constant 0 : i32
        %dma_start3A_324 = tpu.memref_slice %arg13[%dma_start3A_322, %dma_start3A_323] : memref<10240x128xf32, #tpu.memory_space<vmem_shared>> -> memref<10240x128xf32, #tpu.memory_space<vmem_shared>>
        tpu.enqueue_indirect_dma source(%arg9 : memref<32x128xf32, #tpu.memory_space<vmem>>) target(%dma_start3A_324 : memref<10240x128xf32, #tpu.memory_space<vmem_shared>>) offsets(%dma_start3A_321 : memref<32xi32, #tpu.memory_space<vmem>>) semaphore(%run_scoped3A_318 : memref<!tpu.dma_semaphore, #tpu.memory_space<semaphore_mem>>) {add = true}
        %dma_wait3A_325 = arith.constant 32 : i32
        %dma_wait3A_326 = tpu.memref_slice %arg7[%while3A_224, %run_scoped3A_263, %dma_wait3A_325] : memref<79x1x128xi32, #tpu.memory_space<vmem>> -> memref<1x1x32xi32, #tpu.memory_space<vmem>>
        %dma_wait3A_327 = tpu.memref_squeeze %dma_wait3A_326 : memref<1x1x32xi32, #tpu.memory_space<vmem>> -> memref<32xi32, #tpu.memory_space<vmem>>
        %dma_wait3A_328 = arith.constant 0 : i32
        %dma_wait3A_329 = arith.constant 0 : i32
        %dma_wait3A_330 = tpu.memref_slice %arg13[%dma_wait3A_328, %dma_wait3A_329] : memref<10240x128xf32, #tpu.memory_space<vmem_shared>> -> memref<10240x128xf32, #tpu.memory_space<vmem_shared>>
        tpu.wait_indirect_dma semaphore(%run_scoped3A_318 : memref<!tpu.dma_semaphore, #tpu.memory_space<semaphore_mem>>) src(%arg9 : memref<32x128xf32, #tpu.memory_space<vmem>>) dst(%dma_wait3A_330 : memref<10240x128xf32, #tpu.memory_space<vmem_shared>>)
        tpu.yield
      }) : () -> ()
      %sub3A_264 = arith.constant 1 : i32
      %sub3A_265 = arith.subi %select_n3A, %sub3A_264 : i32
      %lt3A_266 = arith.cmpi slt, %while3A_224, %sub3A_265 : i32
      %convert_element_type3A_267 = arith.extui %lt3A_266 : i1 to i32
      %cond3A_268 = arith.constant 0 : i32
      %cond3A_269 = arith.cmpi ne, %convert_element_type3A_267, %cond3A_268 : i32
      scf.if %cond3A_269 {
        %add3A_318 = arith.constant 1 : i32
        %add3A_319 = arith.addi %while3A_224, %add3A_318 : i32
        %dma_start3A_320 = arith.constant 0 : i32
        %dma_start3A_321 = arith.constant 32 : i32
        %dma_start3A_322 = tpu.memref_slice %arg6[%add3A_319, %dma_start3A_320, %dma_start3A_321] : memref<79x1x128xi32, #tpu.memory_space<vmem>> -> memref<1x1x32xi32, #tpu.memory_space<vmem>>
        %dma_start3A_323 = tpu.memref_squeeze %dma_start3A_322 : memref<1x1x32xi32, #tpu.memory_space<vmem>> -> memref<32xi32, #tpu.memory_space<vmem>>
        %dma_start3A_324 = arith.constant 0 : i32
        %dma_start3A_325 = arith.constant 0 : i32
        %dma_start3A_326 = tpu.memref_slice %arg2[%dma_start3A_324, %dma_start3A_325] : memref<10000x128xf32, #tpu.memory_space<hbm>> -> memref<10000x128xf32, #tpu.memory_space<hbm>>
        tpu.enqueue_indirect_dma source(%dma_start3A_326 : memref<10000x128xf32, #tpu.memory_space<hbm>>) target(%arg9 : memref<32x128xf32, #tpu.memory_space<vmem>>) offsets(%dma_start3A_323 : memref<32xi32, #tpu.memory_space<vmem>>) semaphore(%arg15 : memref<!tpu.dma_semaphore, #tpu.memory_space<semaphore_mem>>)
      } else {
      }
      %get3A_270 = arith.constant 0 : i32
      %get3A_271 = arith.index_cast %while3A_224 : i32 to index
      %get3A_272 = arith.index_cast %get3A_270 : i32 to index
      %get3A_273 = arith.constant 64 : index
      %get3A_274 = tpu.vector_load %arg7[%get3A_271, %get3A_272, %get3A_273] {strides = array<i32>} : memref<79x1x128xi32, #tpu.memory_space<vmem>>, vector<16xi32>,
      tpu.vector_store_idx %arg12[%get3A_274], %broadcast_in_dim3A_92 {add = true} : memref<10240xf32, #tpu.memory_space<vmem>>[vector<16xi32>], vector<16xf32>,
      %get3A_275 = arith.constant 0 : i32
      %get3A_276 = arith.index_cast %while3A_224 : i32 to index
      %get3A_277 = arith.index_cast %get3A_275 : i32 to index
      %get3A_278 = arith.constant 80 : index
      %get3A_279 = tpu.vector_load %arg7[%get3A_276, %get3A_277, %get3A_278] {strides = array<i32>} : memref<79x1x128xi32, #tpu.memory_space<vmem>>, vector<16xi32>,
      tpu.vector_store_idx %arg12[%get3A_279], %broadcast_in_dim3A_92 {add = true} : memref<10240xf32, #tpu.memory_space<vmem>>[vector<16xi32>], vector<16xf32>,
      %dma_wait3A_280 = arith.constant 0 : i32
      %dma_wait3A_281 = arith.constant 64 : i32
      %dma_wait3A_282 = tpu.memref_slice %arg6[%while3A_224, %dma_wait3A_280, %dma_wait3A_281] : memref<79x1x128xi32, #tpu.memory_space<vmem>> -> memref<1x1x32xi32, #tpu.memory_space<vmem>>
      %dma_wait3A_283 = tpu.memref_squeeze %dma_wait3A_282 : memref<1x1x32xi32, #tpu.memory_space<vmem>> -> memref<32xi32, #tpu.memory_space<vmem>>
      %dma_wait3A_284 = arith.constant 0 : i32
      %dma_wait3A_285 = arith.constant 0 : i32
      %dma_wait3A_286 = tpu.memref_slice %arg2[%dma_wait3A_284, %dma_wait3A_285] : memref<10000x128xf32, #tpu.memory_space<hbm>> -> memref<10000x128xf32, #tpu.memory_space<hbm>>
      tpu.wait_indirect_dma semaphore(%arg16 : memref<!tpu.dma_semaphore, #tpu.memory_space<semaphore_mem>>) src(%dma_wait3A_286 : memref<10000x128xf32, #tpu.memory_space<hbm>>) dst(%arg10 : memref<32x128xf32, #tpu.memory_space<vmem>>)
      %run_scoped3A_287 = arith.constant 0 : i32
      "tpu.region"() ({
        %run_scoped3A_318 = tpu.sem_alloc : memref<!tpu.dma_semaphore, #tpu.memory_space<semaphore_mem>>
        %dma_start3A_319 = arith.constant 64 : i32
        %dma_start3A_320 = tpu.memref_slice %arg7[%while3A_224, %run_scoped3A_287, %dma_start3A_319] : memref<79x1x128xi32, #tpu.memory_space<vmem>> -> memref<1x1x32xi32, #tpu.memory_space<vmem>>
        %dma_start3A_321 = tpu.memref_squeeze %dma_start3A_320 : memref<1x1x32xi32, #tpu.memory_space<vmem>> -> memref<32xi32, #tpu.memory_space<vmem>>
        %dma_start3A_322 = arith.constant 0 : i32
        %dma_start3A_323 = arith.constant 0 : i32
        %dma_start3A_324 = tpu.memref_slice %arg13[%dma_start3A_322, %dma_start3A_323] : memref<10240x128xf32, #tpu.memory_space<vmem_shared>> -> memref<10240x128xf32, #tpu.memory_space<vmem_shared>>
        tpu.enqueue_indirect_dma source(%arg10 : memref<32x128xf32, #tpu.memory_space<vmem>>) target(%dma_start3A_324 : memref<10240x128xf32, #tpu.memory_space<vmem_shared>>) offsets(%dma_start3A_321 : memref<32xi32, #tpu.memory_space<vmem>>) semaphore(%run_scoped3A_318 : memref<!tpu.dma_semaphore, #tpu.memory_space<semaphore_mem>>) {add = true}
        %dma_wait3A_325 = arith.constant 64 : i32
        %dma_wait3A_326 = tpu.memref_slice %arg7[%while3A_224, %run_scoped3A_287, %dma_wait3A_325] : memref<79x1x128xi32, #tpu.memory_space<vmem>> -> memref<1x1x32xi32, #tpu.memory_space<vmem>>
        %dma_wait3A_327 = tpu.memref_squeeze %dma_wait3A_326 : memref<1x1x32xi32, #tpu.memory_space<vmem>> -> memref<32xi32, #tpu.memory_space<vmem>>
        %dma_wait3A_328 = arith.constant 0 : i32
        %dma_wait3A_329 = arith.constant 0 : i32
        %dma_wait3A_330 = tpu.memref_slice %arg13[%dma_wait3A_328, %dma_wait3A_329] : memref<10240x128xf32, #tpu.memory_space<vmem_shared>> -> memref<10240x128xf32, #tpu.memory_space<vmem_shared>>
        tpu.wait_indirect_dma semaphore(%run_scoped3A_318 : memref<!tpu.dma_semaphore, #tpu.memory_space<semaphore_mem>>) src(%arg10 : memref<32x128xf32, #tpu.memory_space<vmem>>) dst(%dma_wait3A_330 : memref<10240x128xf32, #tpu.memory_space<vmem_shared>>)
        tpu.yield
      }) : () -> ()
      %sub3A_288 = arith.constant 1 : i32
      %sub3A_289 = arith.subi %select_n3A, %sub3A_288 : i32
      %lt3A_290 = arith.cmpi slt, %while3A_224, %sub3A_289 : i32
      %convert_element_type3A_291 = arith.extui %lt3A_290 : i1 to i32
      %cond3A_292 = arith.constant 0 : i32
      %cond3A_293 = arith.cmpi ne, %convert_element_type3A_291, %cond3A_292 : i32
      scf.if %cond3A_293 {
        %add3A_318 = arith.constant 1 : i32
        %add3A_319 = arith.addi %while3A_224, %add3A_318 : i32
        %dma_start3A_320 = arith.constant 0 : i32
        %dma_start3A_321 = arith.constant 64 : i32
        %dma_start3A_322 = tpu.memref_slice %arg6[%add3A_319, %dma_start3A_320, %dma_start3A_321] : memref<79x1x128xi32, #tpu.memory_space<vmem>> -> memref<1x1x32xi32, #tpu.memory_space<vmem>>
        %dma_start3A_323 = tpu.memref_squeeze %dma_start3A_322 : memref<1x1x32xi32, #tpu.memory_space<vmem>> -> memref<32xi32, #tpu.memory_space<vmem>>
        %dma_start3A_324 = arith.constant 0 : i32
        %dma_start3A_325 = arith.constant 0 : i32
        %dma_start3A_326 = tpu.memref_slice %arg2[%dma_start3A_324, %dma_start3A_325] : memref<10000x128xf32, #tpu.memory_space<hbm>> -> memref<10000x128xf32, #tpu.memory_space<hbm>>
        tpu.enqueue_indirect_dma source(%dma_start3A_326 : memref<10000x128xf32, #tpu.memory_space<hbm>>) target(%arg10 : memref<32x128xf32, #tpu.memory_space<vmem>>) offsets(%dma_start3A_323 : memref<32xi32, #tpu.memory_space<vmem>>) semaphore(%arg16 : memref<!tpu.dma_semaphore, #tpu.memory_space<semaphore_mem>>)
      } else {
      }
      %get3A_294 = arith.constant 0 : i32
      %get3A_295 = arith.index_cast %while3A_224 : i32 to index
      %get3A_296 = arith.index_cast %get3A_294 : i32 to index
      %get3A_297 = arith.constant 96 : index
      %get3A_298 = tpu.vector_load %arg7[%get3A_295, %get3A_296, %get3A_297] {strides = array<i32>} : memref<79x1x128xi32, #tpu.memory_space<vmem>>, vector<16xi32>,
      tpu.vector_store_idx %arg12[%get3A_298], %broadcast_in_dim3A_92 {add = true} : memref<10240xf32, #tpu.memory_space<vmem>>[vector<16xi32>], vector<16xf32>,
      %get3A_299 = arith.constant 0 : i32
      %get3A_300 = arith.index_cast %while3A_224 : i32 to index
      %get3A_301 = arith.index_cast %get3A_299 : i32 to index
      %get3A_302 = arith.constant 112 : index
      %get3A_303 = tpu.vector_load %arg7[%get3A_300, %get3A_301, %get3A_302] {strides = array<i32>} : memref<79x1x128xi32, #tpu.memory_space<vmem>>, vector<16xi32>,
      tpu.vector_store_idx %arg12[%get3A_303], %broadcast_in_dim3A_92 {add = true} : memref<10240xf32, #tpu.memory_space<vmem>>[vector<16xi32>], vector<16xf32>,
      %dma_wait3A_304 = arith.constant 0 : i32
      %dma_wait3A_305 = arith.constant 96 : i32
      %dma_wait3A_306 = tpu.memref_slice %arg6[%while3A_224, %dma_wait3A_304, %dma_wait3A_305] : memref<79x1x128xi32, #tpu.memory_space<vmem>> -> memref<1x1x32xi32, #tpu.memory_space<vmem>>
      %dma_wait3A_307 = tpu.memref_squeeze %dma_wait3A_306 : memref<1x1x32xi32, #tpu.memory_space<vmem>> -> memref<32xi32, #tpu.memory_space<vmem>>
      %dma_wait3A_308 = arith.constant 0 : i32
      %dma_wait3A_309 = arith.constant 0 : i32
      %dma_wait3A_310 = tpu.memref_slice %arg2[%dma_wait3A_308, %dma_wait3A_309] : memref<10000x128xf32, #tpu.memory_space<hbm>> -> memref<10000x128xf32, #tpu.memory_space<hbm>>
      tpu.wait_indirect_dma semaphore(%arg17 : memref<!tpu.dma_semaphore, #tpu.memory_space<semaphore_mem>>) src(%dma_wait3A_310 : memref<10000x128xf32, #tpu.memory_space<hbm>>) dst(%arg11 : memref<32x128xf32, #tpu.memory_space<vmem>>)
      %run_scoped3A_311 = arith.constant 0 : i32
      "tpu.region"() ({
        %run_scoped3A_318 = tpu.sem_alloc : memref<!tpu.dma_semaphore, #tpu.memory_space<semaphore_mem>>
        %dma_start3A_319 = arith.constant 96 : i32
        %dma_start3A_320 = tpu.memref_slice %arg7[%while3A_224, %run_scoped3A_311, %dma_start3A_319] : memref<79x1x128xi32, #tpu.memory_space<vmem>> -> memref<1x1x32xi32, #tpu.memory_space<vmem>>
        %dma_start3A_321 = tpu.memref_squeeze %dma_start3A_320 : memref<1x1x32xi32, #tpu.memory_space<vmem>> -> memref<32xi32, #tpu.memory_space<vmem>>
        %dma_start3A_322 = arith.constant 0 : i32
        %dma_start3A_323 = arith.constant 0 : i32
        %dma_start3A_324 = tpu.memref_slice %arg13[%dma_start3A_322, %dma_start3A_323] : memref<10240x128xf32, #tpu.memory_space<vmem_shared>> -> memref<10240x128xf32, #tpu.memory_space<vmem_shared>>
        tpu.enqueue_indirect_dma source(%arg11 : memref<32x128xf32, #tpu.memory_space<vmem>>) target(%dma_start3A_324 : memref<10240x128xf32, #tpu.memory_space<vmem_shared>>) offsets(%dma_start3A_321 : memref<32xi32, #tpu.memory_space<vmem>>) semaphore(%run_scoped3A_318 : memref<!tpu.dma_semaphore, #tpu.memory_space<semaphore_mem>>) {add = true}
        %dma_wait3A_325 = arith.constant 96 : i32
        %dma_wait3A_326 = tpu.memref_slice %arg7[%while3A_224, %run_scoped3A_311, %dma_wait3A_325] : memref<79x1x128xi32, #tpu.memory_space<vmem>> -> memref<1x1x32xi32, #tpu.memory_space<vmem>>
        %dma_wait3A_327 = tpu.memref_squeeze %dma_wait3A_326 : memref<1x1x32xi32, #tpu.memory_space<vmem>> -> memref<32xi32, #tpu.memory_space<vmem>>
        %dma_wait3A_328 = arith.constant 0 : i32
        %dma_wait3A_329 = arith.constant 0 : i32
        %dma_wait3A_330 = tpu.memref_slice %arg13[%dma_wait3A_328, %dma_wait3A_329] : memref<10240x128xf32, #tpu.memory_space<vmem_shared>> -> memref<10240x128xf32, #tpu.memory_space<vmem_shared>>
        tpu.wait_indirect_dma semaphore(%run_scoped3A_318 : memref<!tpu.dma_semaphore, #tpu.memory_space<semaphore_mem>>) src(%arg11 : memref<32x128xf32, #tpu.memory_space<vmem>>) dst(%dma_wait3A_330 : memref<10240x128xf32, #tpu.memory_space<vmem_shared>>)
        tpu.yield
      }) : () -> ()
      %sub3A_312 = arith.constant 1 : i32
      %sub3A_313 = arith.subi %select_n3A, %sub3A_312 : i32
      %lt3A_314 = arith.cmpi slt, %while3A_224, %sub3A_313 : i32
      %convert_element_type3A_315 = arith.extui %lt3A_314 : i1 to i32
      %cond3A_316 = arith.constant 0 : i32
      %cond3A_317 = arith.cmpi ne, %convert_element_type3A_315, %cond3A_316 : i32
      scf.if %cond3A_317 {
        %add3A_318 = arith.constant 1 : i32
        %add3A_319 = arith.addi %while3A_224, %add3A_318 : i32
        %dma_start3A_320 = arith.constant 0 : i32
        %dma_start3A_321 = arith.constant 96 : i32
        %dma_start3A_322 = tpu.memref_slice %arg6[%add3A_319, %dma_start3A_320, %dma_start3A_321] : memref<79x1x128xi32, #tpu.memory_space<vmem>> -> memref<1x1x32xi32, #tpu.memory_space<vmem>>
        %dma_start3A_323 = tpu.memref_squeeze %dma_start3A_322 : memref<1x1x32xi32, #tpu.memory_space<vmem>> -> memref<32xi32, #tpu.memory_space<vmem>>
        %dma_start3A_324 = arith.constant 0 : i32
        %dma_start3A_325 = arith.constant 0 : i32
        %dma_start3A_326 = tpu.memref_slice %arg2[%dma_start3A_324, %dma_start3A_325] : memref<10000x128xf32, #tpu.memory_space<hbm>> -> memref<10000x128xf32, #tpu.memory_space<hbm>>
        tpu.enqueue_indirect_dma source(%dma_start3A_326 : memref<10000x128xf32, #tpu.memory_space<hbm>>) target(%arg11 : memref<32x128xf32, #tpu.memory_space<vmem>>) offsets(%dma_start3A_323 : memref<32xi32, #tpu.memory_space<vmem>>) semaphore(%arg17 : memref<!tpu.dma_semaphore, #tpu.memory_space<semaphore_mem>>)
      } else {
      }
    }
    %while3A_132 = arith.constant 1 : i32
    scf.for %while3A_224 = %while3A_130 to %while3A_126 step %while3A_132  : i32 {
      %get3A = arith.constant 0 : i32
      %get3A_225 = arith.index_cast %while3A_224 : i32 to index
      %get3A_226 = arith.index_cast %get3A : i32 to index
      %get3A_227 = arith.constant 0 : index
      %get3A_228 = tpu.vector_load %arg7[%get3A_225, %get3A_226, %get3A_227] {strides = array<i32>} : memref<79x1x128xi32, #tpu.memory_space<vmem>>, vector<16xi32>,
      tpu.vector_store_idx %arg12[%get3A_228], %broadcast_in_dim3A_92 {add = true} : memref<10240xf32, #tpu.memory_space<vmem>>[vector<16xi32>], vector<16xf32>,
      %get3A_229 = arith.constant 0 : i32
      %get3A_230 = arith.index_cast %while3A_224 : i32 to index
      %get3A_231 = arith.index_cast %get3A_229 : i32 to index
      %get3A_232 = arith.constant 16 : index
      %get3A_233 = tpu.vector_load %arg7[%get3A_230, %get3A_231, %get3A_232] {strides = array<i32>} : memref<79x1x128xi32, #tpu.memory_space<vmem>>, vector<16xi32>,
      tpu.vector_store_idx %arg12[%get3A_233], %broadcast_in_dim3A_92 {add = true} : memref<10240xf32, #tpu.memory_space<vmem>>[vector<16xi32>], vector<16xf32>,
      %dma_wait3A = arith.constant 0 : i32
      %dma_wait3A_234 = arith.constant 0 : i32
      %dma_wait3A_235 = tpu.memref_slice %arg6[%while3A_224, %dma_wait3A, %dma_wait3A_234] : memref<79x1x128xi32, #tpu.memory_space<vmem>> -> memref<1x1x32xi32, #tpu.memory_space<vmem>>
      %dma_wait3A_236 = tpu.memref_squeeze %dma_wait3A_235 : memref<1x1x32xi32, #tpu.memory_space<vmem>> -> memref<32xi32, #tpu.memory_space<vmem>>
      %dma_wait3A_237 = arith.constant 0 : i32
      %dma_wait3A_238 = arith.constant 0 : i32
      %dma_wait3A_239 = tpu.memref_slice %arg2[%dma_wait3A_237, %dma_wait3A_238] : memref<10000x128xf32, #tpu.memory_space<hbm>> -> memref<10000x128xf32, #tpu.memory_space<hbm>>
      tpu.wait_indirect_dma semaphore(%arg14 : memref<!tpu.dma_semaphore, #tpu.memory_space<semaphore_mem>>) src(%dma_wait3A_239 : memref<10000x128xf32, #tpu.memory_space<hbm>>) dst(%arg8 : memref<32x128xf32, #tpu.memory_space<vmem>>)
      %run_scoped3A_240 = arith.constant 0 : i32
      "tpu.region"() ({
        %run_scoped3A_318 = tpu.sem_alloc : memref<!tpu.dma_semaphore, #tpu.memory_space<semaphore_mem>>
        %dma_start3A_319 = arith.constant 0 : i32
        %dma_start3A_320 = tpu.memref_slice %arg7[%while3A_224, %run_scoped3A_240, %dma_start3A_319] : memref<79x1x128xi32, #tpu.memory_space<vmem>> -> memref<1x1x32xi32, #tpu.memory_space<vmem>>
        %dma_start3A_321 = tpu.memref_squeeze %dma_start3A_320 : memref<1x1x32xi32, #tpu.memory_space<vmem>> -> memref<32xi32, #tpu.memory_space<vmem>>
        %dma_start3A_322 = arith.constant 0 : i32
        %dma_start3A_323 = arith.constant 0 : i32
        %dma_start3A_324 = tpu.memref_slice %arg13[%dma_start3A_322, %dma_start3A_323] : memref<10240x128xf32, #tpu.memory_space<vmem_shared>> -> memref<10240x128xf32, #tpu.memory_space<vmem_shared>>
        tpu.enqueue_indirect_dma source(%arg8 : memref<32x128xf32, #tpu.memory_space<vmem>>) target(%dma_start3A_324 : memref<10240x128xf32, #tpu.memory_space<vmem_shared>>) offsets(%dma_start3A_321 : memref<32xi32, #tpu.memory_space<vmem>>) semaphore(%run_scoped3A_318 : memref<!tpu.dma_semaphore, #tpu.memory_space<semaphore_mem>>) {add = true}
        %dma_wait3A_325 = arith.constant 0 : i32
        %dma_wait3A_326 = tpu.memref_slice %arg7[%while3A_224, %run_scoped3A_240, %dma_wait3A_325] : memref<79x1x128xi32, #tpu.memory_space<vmem>> -> memref<1x1x32xi32, #tpu.memory_space<vmem>>
        %dma_wait3A_327 = tpu.memref_squeeze %dma_wait3A_326 : memref<1x1x32xi32, #tpu.memory_space<vmem>> -> memref<32xi32, #tpu.memory_space<vmem>>
        %dma_wait3A_328 = arith.constant 0 : i32
        %dma_wait3A_329 = arith.constant 0 : i32
        %dma_wait3A_330 = tpu.memref_slice %arg13[%dma_wait3A_328, %dma_wait3A_329] : memref<10240x128xf32, #tpu.memory_space<vmem_shared>> -> memref<10240x128xf32, #tpu.memory_space<vmem_shared>>
        tpu.wait_indirect_dma semaphore(%run_scoped3A_318 : memref<!tpu.dma_semaphore, #tpu.memory_space<semaphore_mem>>) src(%arg8 : memref<32x128xf32, #tpu.memory_space<vmem>>) dst(%dma_wait3A_330 : memref<10240x128xf32, #tpu.memory_space<vmem_shared>>)
        tpu.yield
      }) : () -> ()
      %sub3A = arith.constant 1 : i32
      %sub3A_241 = arith.subi %select_n3A, %sub3A : i32
      %lt3A_242 = arith.cmpi slt, %while3A_224, %sub3A_241 : i32
      %convert_element_type3A_243 = arith.extui %lt3A_242 : i1 to i32
      %cond3A_244 = arith.constant 0 : i32
      %cond3A_245 = arith.cmpi ne, %convert_element_type3A_243, %cond3A_244 : i32
      scf.if %cond3A_245 {
        %add3A_318 = arith.constant 1 : i32
        %add3A_319 = arith.addi %while3A_224, %add3A_318 : i32
        %dma_start3A_320 = arith.constant 0 : i32
        %dma_start3A_321 = arith.constant 0 : i32
        %dma_start3A_322 = tpu.memref_slice %arg6[%add3A_319, %dma_start3A_320, %dma_start3A_321] : memref<79x1x128xi32, #tpu.memory_space<vmem>> -> memref<1x1x32xi32, #tpu.memory_space<vmem>>
        %dma_start3A_323 = tpu.memref_squeeze %dma_start3A_322 : memref<1x1x32xi32, #tpu.memory_space<vmem>> -> memref<32xi32, #tpu.memory_space<vmem>>
        %dma_start3A_324 = arith.constant 0 : i32
        %dma_start3A_325 = arith.constant 0 : i32
        %dma_start3A_326 = tpu.memref_slice %arg2[%dma_start3A_324, %dma_start3A_325] : memref<10000x128xf32, #tpu.memory_space<hbm>> -> memref<10000x128xf32, #tpu.memory_space<hbm>>
        tpu.enqueue_indirect_dma source(%dma_start3A_326 : memref<10000x128xf32, #tpu.memory_space<hbm>>) target(%arg8 : memref<32x128xf32, #tpu.memory_space<vmem>>) offsets(%dma_start3A_323 : memref<32xi32, #tpu.memory_space<vmem>>) semaphore(%arg14 : memref<!tpu.dma_semaphore, #tpu.memory_space<semaphore_mem>>)
      } else {
      }
      %get3A_246 = arith.constant 0 : i32
      %get3A_247 = arith.index_cast %while3A_224 : i32 to index
      %get3A_248 = arith.index_cast %get3A_246 : i32 to index
      %get3A_249 = arith.constant 32 : index
      %get3A_250 = tpu.vector_load %arg7[%get3A_247, %get3A_248, %get3A_249] {strides = array<i32>} : memref<79x1x128xi32, #tpu.memory_space<vmem>>, vector<16xi32>,
      tpu.vector_store_idx %arg12[%get3A_250], %broadcast_in_dim3A_92 {add = true} : memref<10240xf32, #tpu.memory_space<vmem>>[vector<16xi32>], vector<16xf32>,
      %get3A_251 = arith.constant 0 : i32
      %get3A_252 = arith.index_cast %while3A_224 : i32 to index
      %get3A_253 = arith.index_cast %get3A_251 : i32 to index
      %get3A_254 = arith.constant 48 : index
      %get3A_255 = tpu.vector_load %arg7[%get3A_252, %get3A_253, %get3A_254] {strides = array<i32>} : memref<79x1x128xi32, #tpu.memory_space<vmem>>, vector<16xi32>,
      tpu.vector_store_idx %arg12[%get3A_255], %broadcast_in_dim3A_92 {add = true} : memref<10240xf32, #tpu.memory_space<vmem>>[vector<16xi32>], vector<16xf32>,
      %dma_wait3A_256 = arith.constant 0 : i32
      %dma_wait3A_257 = arith.constant 32 : i32
      %dma_wait3A_258 = tpu.memref_slice %arg6[%while3A_224, %dma_wait3A_256, %dma_wait3A_257] : memref<79x1x128xi32, #tpu.memory_space<vmem>> -> memref<1x1x32xi32, #tpu.memory_space<vmem>>
      %dma_wait3A_259 = tpu.memref_squeeze %dma_wait3A_258 : memref<1x1x32xi32, #tpu.memory_space<vmem>> -> memref<32xi32, #tpu.memory_space<vmem>>
      %dma_wait3A_260 = arith.constant 0 : i32
      %dma_wait3A_261 = arith.constant 0 : i32
      %dma_wait3A_262 = tpu.memref_slice %arg2[%dma_wait3A_260, %dma_wait3A_261] : memref<10000x128xf32, #tpu.memory_space<hbm>> -> memref<10000x128xf32, #tpu.memory_space<hbm>>
      tpu.wait_indirect_dma semaphore(%arg15 : memref<!tpu.dma_semaphore, #tpu.memory_space<semaphore_mem>>) src(%dma_wait3A_262 : memref<10000x128xf32, #tpu.memory_space<hbm>>) dst(%arg9 : memref<32x128xf32, #tpu.memory_space<vmem>>)
      %run_scoped3A_263 = arith.constant 0 : i32
      "tpu.region"() ({
        %run_scoped3A_318 = tpu.sem_alloc : memref<!tpu.dma_semaphore, #tpu.memory_space<semaphore_mem>>
        %dma_start3A_319 = arith.constant 32 : i32
        %dma_start3A_320 = tpu.memref_slice %arg7[%while3A_224, %run_scoped3A_263, %dma_start3A_319] : memref<79x1x128xi32, #tpu.memory_space<vmem>> -> memref<1x1x32xi32, #tpu.memory_space<vmem>>
        %dma_start3A_321 = tpu.memref_squeeze %dma_start3A_320 : memref<1x1x32xi32, #tpu.memory_space<vmem>> -> memref<32xi32, #tpu.memory_space<vmem>>
        %dma_start3A_322 = arith.constant 0 : i32
        %dma_start3A_323 = arith.constant 0 : i32
        %dma_start3A_324 = tpu.memref_slice %arg13[%dma_start3A_322, %dma_start3A_323] : memref<10240x128xf32, #tpu.memory_space<vmem_shared>> -> memref<10240x128xf32, #tpu.memory_space<vmem_shared>>
        tpu.enqueue_indirect_dma source(%arg9 : memref<32x128xf32, #tpu.memory_space<vmem>>) target(%dma_start3A_324 : memref<10240x128xf32, #tpu.memory_space<vmem_shared>>) offsets(%dma_start3A_321 : memref<32xi32, #tpu.memory_space<vmem>>) semaphore(%run_scoped3A_318 : memref<!tpu.dma_semaphore, #tpu.memory_space<semaphore_mem>>) {add = true}
        %dma_wait3A_325 = arith.constant 32 : i32
        %dma_wait3A_326 = tpu.memref_slice %arg7[%while3A_224, %run_scoped3A_263, %dma_wait3A_325] : memref<79x1x128xi32, #tpu.memory_space<vmem>> -> memref<1x1x32xi32, #tpu.memory_space<vmem>>
        %dma_wait3A_327 = tpu.memref_squeeze %dma_wait3A_326 : memref<1x1x32xi32, #tpu.memory_space<vmem>> -> memref<32xi32, #tpu.memory_space<vmem>>
        %dma_wait3A_328 = arith.constant 0 : i32
        %dma_wait3A_329 = arith.constant 0 : i32
        %dma_wait3A_330 = tpu.memref_slice %arg13[%dma_wait3A_328, %dma_wait3A_329] : memref<10240x128xf32, #tpu.memory_space<vmem_shared>> -> memref<10240x128xf32, #tpu.memory_space<vmem_shared>>
        tpu.wait_indirect_dma semaphore(%run_scoped3A_318 : memref<!tpu.dma_semaphore, #tpu.memory_space<semaphore_mem>>) src(%arg9 : memref<32x128xf32, #tpu.memory_space<vmem>>) dst(%dma_wait3A_330 : memref<10240x128xf32, #tpu.memory_space<vmem_shared>>)
        tpu.yield
      }) : () -> ()
      %sub3A_264 = arith.constant 1 : i32
      %sub3A_265 = arith.subi %select_n3A, %sub3A_264 : i32
      %lt3A_266 = arith.cmpi slt, %while3A_224, %sub3A_265 : i32
      %convert_element_type3A_267 = arith.extui %lt3A_266 : i1 to i32
      %cond3A_268 = arith.constant 0 : i32
      %cond3A_269 = arith.cmpi ne, %convert_element_type3A_267, %cond3A_268 : i32
      scf.if %cond3A_269 {
        %add3A_318 = arith.constant 1 : i32
        %add3A_319 = arith.addi %while3A_224, %add3A_318 : i32
        %dma_start3A_320 = arith.constant 0 : i32
        %dma_start3A_321 = arith.constant 32 : i32
        %dma_start3A_322 = tpu.memref_slice %arg6[%add3A_319, %dma_start3A_320, %dma_start3A_321] : memref<79x1x128xi32, #tpu.memory_space<vmem>> -> memref<1x1x32xi32, #tpu.memory_space<vmem>>
        %dma_start3A_323 = tpu.memref_squeeze %dma_start3A_322 : memref<1x1x32xi32, #tpu.memory_space<vmem>> -> memref<32xi32, #tpu.memory_space<vmem>>
        %dma_start3A_324 = arith.constant 0 : i32
        %dma_start3A_325 = arith.constant 0 : i32
        %dma_start3A_326 = tpu.memref_slice %arg2[%dma_start3A_324, %dma_start3A_325] : memref<10000x128xf32, #tpu.memory_space<hbm>> -> memref<10000x128xf32, #tpu.memory_space<hbm>>
        tpu.enqueue_indirect_dma source(%dma_start3A_326 : memref<10000x128xf32, #tpu.memory_space<hbm>>) target(%arg9 : memref<32x128xf32, #tpu.memory_space<vmem>>) offsets(%dma_start3A_323 : memref<32xi32, #tpu.memory_space<vmem>>) semaphore(%arg15 : memref<!tpu.dma_semaphore, #tpu.memory_space<semaphore_mem>>)
      } else {
      }
      %get3A_270 = arith.constant 0 : i32
      %get3A_271 = arith.index_cast %while3A_224 : i32 to index
      %get3A_272 = arith.index_cast %get3A_270 : i32 to index
      %get3A_273 = arith.constant 64 : index
      %get3A_274 = tpu.vector_load %arg7[%get3A_271, %get3A_272, %get3A_273] {strides = array<i32>} : memref<79x1x128xi32, #tpu.memory_space<vmem>>, vector<16xi32>,
      tpu.vector_store_idx %arg12[%get3A_274], %broadcast_in_dim3A_92 {add = true} : memref<10240xf32, #tpu.memory_space<vmem>>[vector<16xi32>], vector<16xf32>,
      %get3A_275 = arith.constant 0 : i32
      %get3A_276 = arith.index_cast %while3A_224 : i32 to index
      %get3A_277 = arith.index_cast %get3A_275 : i32 to index
      %get3A_278 = arith.constant 80 : index
      %get3A_279 = tpu.vector_load %arg7[%get3A_276, %get3A_277, %get3A_278] {strides = array<i32>} : memref<79x1x128xi32, #tpu.memory_space<vmem>>, vector<16xi32>,
      tpu.vector_store_idx %arg12[%get3A_279], %broadcast_in_dim3A_92 {add = true} : memref<10240xf32, #tpu.memory_space<vmem>>[vector<16xi32>], vector<16xf32>,
      %dma_wait3A_280 = arith.constant 0 : i32
      %dma_wait3A_281 = arith.constant 64 : i32
      %dma_wait3A_282 = tpu.memref_slice %arg6[%while3A_224, %dma_wait3A_280, %dma_wait3A_281] : memref<79x1x128xi32, #tpu.memory_space<vmem>> -> memref<1x1x32xi32, #tpu.memory_space<vmem>>
      %dma_wait3A_283 = tpu.memref_squeeze %dma_wait3A_282 : memref<1x1x32xi32, #tpu.memory_space<vmem>> -> memref<32xi32, #tpu.memory_space<vmem>>
      %dma_wait3A_284 = arith.constant 0 : i32
      %dma_wait3A_285 = arith.constant 0 : i32
      %dma_wait3A_286 = tpu.memref_slice %arg2[%dma_wait3A_284, %dma_wait3A_285] : memref<10000x128xf32, #tpu.memory_space<hbm>> -> memref<10000x128xf32, #tpu.memory_space<hbm>>
      tpu.wait_indirect_dma semaphore(%arg16 : memref<!tpu.dma_semaphore, #tpu.memory_space<semaphore_mem>>) src(%dma_wait3A_286 : memref<10000x128xf32, #tpu.memory_space<hbm>>) dst(%arg10 : memref<32x128xf32, #tpu.memory_space<vmem>>)
      %run_scoped3A_287 = arith.constant 0 : i32
      "tpu.region"() ({
        %run_scoped3A_318 = tpu.sem_alloc : memref<!tpu.dma_semaphore, #tpu.memory_space<semaphore_mem>>
        %dma_start3A_319 = arith.constant 64 : i32
        %dma_start3A_320 = tpu.memref_slice %arg7[%while3A_224, %run_scoped3A_287, %dma_start3A_319] : memref<79x1x128xi32, #tpu.memory_space<vmem>> -> memref<1x1x32xi32, #tpu.memory_space<vmem>>
        %dma_start3A_321 = tpu.memref_squeeze %dma_start3A_320 : memref<1x1x32xi32, #tpu.memory_space<vmem>> -> memref<32xi32, #tpu.memory_space<vmem>>
        %dma_start3A_322 = arith.constant 0 : i32
        %dma_start3A_323 = arith.constant 0 : i32
        %dma_start3A_324 = tpu.memref_slice %arg13[%dma_start3A_322, %dma_start3A_323] : memref<10240x128xf32, #tpu.memory_space<vmem_shared>> -> memref<10240x128xf32, #tpu.memory_space<vmem_shared>>
        tpu.enqueue_indirect_dma source(%arg10 : memref<32x128xf32, #tpu.memory_space<vmem>>) target(%dma_start3A_324 : memref<10240x128xf32, #tpu.memory_space<vmem_shared>>) offsets(%dma_start3A_321 : memref<32xi32, #tpu.memory_space<vmem>>) semaphore(%run_scoped3A_318 : memref<!tpu.dma_semaphore, #tpu.memory_space<semaphore_mem>>) {add = true}
        %dma_wait3A_325 = arith.constant 64 : i32
        %dma_wait3A_326 = tpu.memref_slice %arg7[%while3A_224, %run_scoped3A_287, %dma_wait3A_325] : memref<79x1x128xi32, #tpu.memory_space<vmem>> -> memref<1x1x32xi32, #tpu.memory_space<vmem>>
        %dma_wait3A_327 = tpu.memref_squeeze %dma_wait3A_326 : memref<1x1x32xi32, #tpu.memory_space<vmem>> -> memref<32xi32, #tpu.memory_space<vmem>>
        %dma_wait3A_328 = arith.constant 0 : i32
        %dma_wait3A_329 = arith.constant 0 : i32
        %dma_wait3A_330 = tpu.memref_slice %arg13[%dma_wait3A_328, %dma_wait3A_329] : memref<10240x128xf32, #tpu.memory_space<vmem_shared>> -> memref<10240x128xf32, #tpu.memory_space<vmem_shared>>
        tpu.wait_indirect_dma semaphore(%run_scoped3A_318 : memref<!tpu.dma_semaphore, #tpu.memory_space<semaphore_mem>>) src(%arg10 : memref<32x128xf32, #tpu.memory_space<vmem>>) dst(%dma_wait3A_330 : memref<10240x128xf32, #tpu.memory_space<vmem_shared>>)
        tpu.yield
      }) : () -> ()
      %sub3A_288 = arith.constant 1 : i32
      %sub3A_289 = arith.subi %select_n3A, %sub3A_288 : i32
      %lt3A_290 = arith.cmpi slt, %while3A_224, %sub3A_289 : i32
      %convert_element_type3A_291 = arith.extui %lt3A_290 : i1 to i32
      %cond3A_292 = arith.constant 0 : i32
      %cond3A_293 = arith.cmpi ne, %convert_element_type3A_291, %cond3A_292 : i32
      scf.if %cond3A_293 {
        %add3A_318 = arith.constant 1 : i32
        %add3A_319 = arith.addi %while3A_224, %add3A_318 : i32
        %dma_start3A_320 = arith.constant 0 : i32
        %dma_start3A_321 = arith.constant 64 : i32
        %dma_start3A_322 = tpu.memref_slice %arg6[%add3A_319, %dma_start3A_320, %dma_start3A_321] : memref<79x1x128xi32, #tpu.memory_space<vmem>> -> memref<1x1x32xi32, #tpu.memory_space<vmem>>
        %dma_start3A_323 = tpu.memref_squeeze %dma_start3A_322 : memref<1x1x32xi32, #tpu.memory_space<vmem>> -> memref<32xi32, #tpu.memory_space<vmem>>
        %dma_start3A_324 = arith.constant 0 : i32
        %dma_start3A_325 = arith.constant 0 : i32
        %dma_start3A_326 = tpu.memref_slice %arg2[%dma_start3A_324, %dma_start3A_325] : memref<10000x128xf32, #tpu.memory_space<hbm>> -> memref<10000x128xf32, #tpu.memory_space<hbm>>
        tpu.enqueue_indirect_dma source(%dma_start3A_326 : memref<10000x128xf32, #tpu.memory_space<hbm>>) target(%arg10 : memref<32x128xf32, #tpu.memory_space<vmem>>) offsets(%dma_start3A_323 : memref<32xi32, #tpu.memory_space<vmem>>) semaphore(%arg16 : memref<!tpu.dma_semaphore, #tpu.memory_space<semaphore_mem>>)
      } else {
      }
      %get3A_294 = arith.constant 0 : i32
      %get3A_295 = arith.index_cast %while3A_224 : i32 to index
      %get3A_296 = arith.index_cast %get3A_294 : i32 to index
      %get3A_297 = arith.constant 96 : index
      %get3A_298 = tpu.vector_load %arg7[%get3A_295, %get3A_296, %get3A_297] {strides = array<i32>} : memref<79x1x128xi32, #tpu.memory_space<vmem>>, vector<16xi32>,
      tpu.vector_store_idx %arg12[%get3A_298], %broadcast_in_dim3A_92 {add = true} : memref<10240xf32, #tpu.memory_space<vmem>>[vector<16xi32>], vector<16xf32>,
      %get3A_299 = arith.constant 0 : i32
      %get3A_300 = arith.index_cast %while3A_224 : i32 to index
      %get3A_301 = arith.index_cast %get3A_299 : i32 to index
      %get3A_302 = arith.constant 112 : index
      %get3A_303 = tpu.vector_load %arg7[%get3A_300, %get3A_301, %get3A_302] {strides = array<i32>} : memref<79x1x128xi32, #tpu.memory_space<vmem>>, vector<16xi32>,
      tpu.vector_store_idx %arg12[%get3A_303], %broadcast_in_dim3A_92 {add = true} : memref<10240xf32, #tpu.memory_space<vmem>>[vector<16xi32>], vector<16xf32>,
      %dma_wait3A_304 = arith.constant 0 : i32
      %dma_wait3A_305 = arith.constant 96 : i32
      %dma_wait3A_306 = tpu.memref_slice %arg6[%while3A_224, %dma_wait3A_304, %dma_wait3A_305] : memref<79x1x128xi32, #tpu.memory_space<vmem>> -> memref<1x1x32xi32, #tpu.memory_space<vmem>>
      %dma_wait3A_307 = tpu.memref_squeeze %dma_wait3A_306 : memref<1x1x32xi32, #tpu.memory_space<vmem>> -> memref<32xi32, #tpu.memory_space<vmem>>
      %dma_wait3A_308 = arith.constant 0 : i32
      %dma_wait3A_309 = arith.constant 0 : i32
      %dma_wait3A_310 = tpu.memref_slice %arg2[%dma_wait3A_308, %dma_wait3A_309] : memref<10000x128xf32, #tpu.memory_space<hbm>> -> memref<10000x128xf32, #tpu.memory_space<hbm>>
      tpu.wait_indirect_dma semaphore(%arg17 : memref<!tpu.dma_semaphore, #tpu.memory_space<semaphore_mem>>) src(%dma_wait3A_310 : memref<10000x128xf32, #tpu.memory_space<hbm>>) dst(%arg11 : memref<32x128xf32, #tpu.memory_space<vmem>>)
      %run_scoped3A_311 = arith.constant 0 : i32
      "tpu.region"() ({
        %run_scoped3A_318 = tpu.sem_alloc : memref<!tpu.dma_semaphore, #tpu.memory_space<semaphore_mem>>
        %dma_start3A_319 = arith.constant 96 : i32
        %dma_start3A_320 = tpu.memref_slice %arg7[%while3A_224, %run_scoped3A_311, %dma_start3A_319] : memref<79x1x128xi32, #tpu.memory_space<vmem>> -> memref<1x1x32xi32, #tpu.memory_space<vmem>>
        %dma_start3A_321 = tpu.memref_squeeze %dma_start3A_320 : memref<1x1x32xi32, #tpu.memory_space<vmem>> -> memref<32xi32, #tpu.memory_space<vmem>>
        %dma_start3A_322 = arith.constant 0 : i32
        %dma_start3A_323 = arith.constant 0 : i32
        %dma_start3A_324 = tpu.memref_slice %arg13[%dma_start3A_322, %dma_start3A_323] : memref<10240x128xf32, #tpu.memory_space<vmem_shared>> -> memref<10240x128xf32, #tpu.memory_space<vmem_shared>>
        tpu.enqueue_indirect_dma source(%arg11 : memref<32x128xf32, #tpu.memory_space<vmem>>) target(%dma_start3A_324 : memref<10240x128xf32, #tpu.memory_space<vmem_shared>>) offsets(%dma_start3A_321 : memref<32xi32, #tpu.memory_space<vmem>>) semaphore(%run_scoped3A_318 : memref<!tpu.dma_semaphore, #tpu.memory_space<semaphore_mem>>) {add = true}
        %dma_wait3A_325 = arith.constant 96 : i32
        %dma_wait3A_326 = tpu.memref_slice %arg7[%while3A_224, %run_scoped3A_311, %dma_wait3A_325] : memref<79x1x128xi32, #tpu.memory_space<vmem>> -> memref<1x1x32xi32, #tpu.memory_space<vmem>>
        %dma_wait3A_327 = tpu.memref_squeeze %dma_wait3A_326 : memref<1x1x32xi32, #tpu.memory_space<vmem>> -> memref<32xi32, #tpu.memory_space<vmem>>
        %dma_wait3A_328 = arith.constant 0 : i32
        %dma_wait3A_329 = arith.constant 0 : i32
        %dma_wait3A_330 = tpu.memref_slice %arg13[%dma_wait3A_328, %dma_wait3A_329] : memref<10240x128xf32, #tpu.memory_space<vmem_shared>> -> memref<10240x128xf32, #tpu.memory_space<vmem_shared>>
        tpu.wait_indirect_dma semaphore(%run_scoped3A_318 : memref<!tpu.dma_semaphore, #tpu.memory_space<semaphore_mem>>) src(%arg11 : memref<32x128xf32, #tpu.memory_space<vmem>>) dst(%dma_wait3A_330 : memref<10240x128xf32, #tpu.memory_space<vmem_shared>>)
        tpu.yield
      }) : () -> ()
      %sub3A_312 = arith.constant 1 : i32
      %sub3A_313 = arith.subi %select_n3A, %sub3A_312 : i32
      %lt3A_314 = arith.cmpi slt, %while3A_224, %sub3A_313 : i32
      %convert_element_type3A_315 = arith.extui %lt3A_314 : i1 to i32
      %cond3A_316 = arith.constant 0 : i32
      %cond3A_317 = arith.cmpi ne, %convert_element_type3A_315, %cond3A_316 : i32
      scf.if %cond3A_317 {
        %add3A_318 = arith.constant 1 : i32
        %add3A_319 = arith.addi %while3A_224, %add3A_318 : i32
        %dma_start3A_320 = arith.constant 0 : i32
        %dma_start3A_321 = arith.constant 96 : i32
        %dma_start3A_322 = tpu.memref_slice %arg6[%add3A_319, %dma_start3A_320, %dma_start3A_321] : memref<79x1x128xi32, #tpu.memory_space<vmem>> -> memref<1x1x32xi32, #tpu.memory_space<vmem>>
        %dma_start3A_323 = tpu.memref_squeeze %dma_start3A_322 : memref<1x1x32xi32, #tpu.memory_space<vmem>> -> memref<32xi32, #tpu.memory_space<vmem>>
        %dma_start3A_324 = arith.constant 0 : i32
        %dma_start3A_325 = arith.constant 0 : i32
        %dma_start3A_326 = tpu.memref_slice %arg2[%dma_start3A_324, %dma_start3A_325] : memref<10000x128xf32, #tpu.memory_space<hbm>> -> memref<10000x128xf32, #tpu.memory_space<hbm>>
        tpu.enqueue_indirect_dma source(%dma_start3A_326 : memref<10000x128xf32, #tpu.memory_space<hbm>>) target(%arg11 : memref<32x128xf32, #tpu.memory_space<vmem>>) offsets(%dma_start3A_323 : memref<32xi32, #tpu.memory_space<vmem>>) semaphore(%arg17 : memref<!tpu.dma_semaphore, #tpu.memory_space<semaphore_mem>>)
      } else {
      }
    }
    %run_scoped3A = arith.constant 0 : i32
    "tpu.region"() ({
      %run_scoped3A_224 = tpu.sem_alloc : memref<!tpu.dma_semaphore, #tpu.memory_space<semaphore_mem>>
      %dma_start3A_225 = arith.constant 0 : i32
      %dma_start3A_226 = tpu.memref_slice %arg5[%add3A, %run_scoped3A, %dma_start3A_225] : memref<32x1x10240xf32, #tpu.memory_space<hbm>> -> memref<1x1x10240xf32, #tpu.memory_space<hbm>>
      %dma_start3A_227 = tpu.memref_squeeze %dma_start3A_226 : memref<1x1x10240xf32, #tpu.memory_space<hbm>> -> memref<10240xf32, #tpu.memory_space<hbm>>
      %dma_start3A_228 = arith.constant 0 : i32
      %dma_start3A_229 = tpu.memref_slice %arg5[%add3A, %run_scoped3A, %dma_start3A_228] : memref<32x1x10240xf32, #tpu.memory_space<hbm>> -> memref<1x1x10240xf32, #tpu.memory_space<hbm>>
      %dma_start3A_230 = tpu.memref_squeeze %dma_start3A_229 : memref<1x1x10240xf32, #tpu.memory_space<hbm>> -> memref<10240xf32, #tpu.memory_space<hbm>>
      tpu.enqueue_dma source(%arg12 : memref<10240xf32, #tpu.memory_space<vmem>>) target(%dma_start3A_230 : memref<10240xf32, #tpu.memory_space<hbm>>) target_semaphore(%run_scoped3A_224 : memref<!tpu.dma_semaphore, #tpu.memory_space<semaphore_mem>>)
      %dma_wait3A = arith.constant 0 : i32
      %dma_wait3A_231 = tpu.memref_slice %arg5[%add3A, %run_scoped3A, %dma_wait3A] : memref<32x1x10240xf32, #tpu.memory_space<hbm>> -> memref<1x1x10240xf32, #tpu.memory_space<hbm>>
      %dma_wait3A_232 = tpu.memref_squeeze %dma_wait3A_231 : memref<1x1x10240xf32, #tpu.memory_space<hbm>> -> memref<10240xf32, #tpu.memory_space<hbm>>
      %dma_wait3A_233 = arith.constant 0 : i32
      %dma_wait3A_234 = tpu.memref_slice %arg5[%add3A, %run_scoped3A, %dma_wait3A_233] : memref<32x1x10240xf32, #tpu.memory_space<hbm>> -> memref<1x1x10240xf32, #tpu.memory_space<hbm>>
      %dma_wait3A_235 = tpu.memref_squeeze %dma_wait3A_234 : memref<1x1x10240xf32, #tpu.memory_space<hbm>> -> memref<10240xf32, #tpu.memory_space<hbm>>
      tpu.wait_dma2 semaphore(%run_scoped3A_224 : memref<!tpu.dma_semaphore, #tpu.memory_space<semaphore_mem>>) src(%arg12 : memref<10240xf32, #tpu.memory_space<vmem>>) dst(%dma_wait3A_235 : memref<10240xf32, #tpu.memory_space<hbm>>)
      tpu.yield
    }) : () -> ()
    %barrier3A_133 = arith.constant 0 : index
    tpu.barrier barrier_id(%barrier3A_133)
    %mul3A_134 = arith.constant 640 : i32
    %mul3A_135 = arith.muli %arg1, %mul3A_134 : i32
    %add3A_136 = arith.constant 0 : i32
    %add3A_137 = arith.addi %mul3A_135, %add3A_136 : i32
    %multiple_of3A_138 = tpu.assume_multiple %add3A_137, 8 : i32
    "tpu.region"() ({
      %run_scoped3A_224 = tpu.sem_alloc : memref<!tpu.dma_semaphore, #tpu.memory_space<semaphore_mem>>
      %dma_start3A_225 = arith.constant 0 : i32
      %dma_start3A_226 = tpu.memref_slice %arg13[%multiple_of3A_138, %dma_start3A_225] : memref<10240x128xf32, #tpu.memory_space<vmem_shared>> -> memref<32x128xf32, #tpu.memory_space<vmem_shared>>
      %dma_start3A_227 = arith.constant 0 : i32
      %dma_start3A_228 = tpu.memref_slice %arg13[%multiple_of3A_138, %dma_start3A_227] : memref<10240x128xf32, #tpu.memory_space<vmem_shared>> -> memref<32x128xf32, #tpu.memory_space<vmem_shared>>
      tpu.enqueue_dma source(%dma_start3A_228 : memref<32x128xf32, #tpu.memory_space<vmem_shared>>) target(%arg8 : memref<32x128xf32, #tpu.memory_space<vmem>>) target_semaphore(%run_scoped3A_224 : memref<!tpu.dma_semaphore, #tpu.memory_space<semaphore_mem>>)
      %dma_wait3A = arith.constant 0 : i32
      %dma_wait3A_229 = tpu.memref_slice %arg13[%multiple_of3A_138, %dma_wait3A] : memref<10240x128xf32, #tpu.memory_space<vmem_shared>> -> memref<32x128xf32, #tpu.memory_space<vmem_shared>>
      %dma_wait3A_230 = arith.constant 0 : i32
      %dma_wait3A_231 = tpu.memref_slice %arg13[%multiple_of3A_138, %dma_wait3A_230] : memref<10240x128xf32, #tpu.memory_space<vmem_shared>> -> memref<32x128xf32, #tpu.memory_space<vmem_shared>>
      tpu.wait_dma2 semaphore(%run_scoped3A_224 : memref<!tpu.dma_semaphore, #tpu.memory_space<semaphore_mem>>) src(%dma_wait3A_231 : memref<32x128xf32, #tpu.memory_space<vmem_shared>>) dst(%arg8 : memref<32x128xf32, #tpu.memory_space<vmem>>)
      tpu.yield
    }) : () -> ()
    %add3A_139 = arith.constant 32 : i32
    %add3A_140 = arith.addi %multiple_of3A_138, %add3A_139 : i32
    "tpu.region"() ({
      %run_scoped3A_224 = tpu.sem_alloc : memref<!tpu.dma_semaphore, #tpu.memory_space<semaphore_mem>>
      %dma_start3A_225 = arith.constant 0 : i32
      %dma_start3A_226 = tpu.memref_slice %arg13[%add3A_140, %dma_start3A_225] : memref<10240x128xf32, #tpu.memory_space<vmem_shared>> -> memref<32x128xf32, #tpu.memory_space<vmem_shared>>
      %dma_start3A_227 = arith.constant 0 : i32
      %dma_start3A_228 = tpu.memref_slice %arg13[%add3A_140, %dma_start3A_227] : memref<10240x128xf32, #tpu.memory_space<vmem_shared>> -> memref<32x128xf32, #tpu.memory_space<vmem_shared>>
      tpu.enqueue_dma source(%dma_start3A_228 : memref<32x128xf32, #tpu.memory_space<vmem_shared>>) target(%arg9 : memref<32x128xf32, #tpu.memory_space<vmem>>) target_semaphore(%run_scoped3A_224 : memref<!tpu.dma_semaphore, #tpu.memory_space<semaphore_mem>>)
      %dma_wait3A = arith.constant 0 : i32
      %dma_wait3A_229 = tpu.memref_slice %arg13[%add3A_140, %dma_wait3A] : memref<10240x128xf32, #tpu.memory_space<vmem_shared>> -> memref<32x128xf32, #tpu.memory_space<vmem_shared>>
      %dma_wait3A_230 = arith.constant 0 : i32
      %dma_wait3A_231 = tpu.memref_slice %arg13[%add3A_140, %dma_wait3A_230] : memref<10240x128xf32, #tpu.memory_space<vmem_shared>> -> memref<32x128xf32, #tpu.memory_space<vmem_shared>>
      tpu.wait_dma2 semaphore(%run_scoped3A_224 : memref<!tpu.dma_semaphore, #tpu.memory_space<semaphore_mem>>) src(%dma_wait3A_231 : memref<32x128xf32, #tpu.memory_space<vmem_shared>>) dst(%arg9 : memref<32x128xf32, #tpu.memory_space<vmem>>)
      tpu.yield
    }) : () -> ()
    "tpu.region"() ({
      %run_scoped3A_224 = tpu.sem_alloc : memref<!tpu.dma_semaphore, #tpu.memory_space<semaphore_mem>>
      %dma_start3A_225 = arith.constant 0 : i32
      %dma_start3A_226 = tpu.memref_slice %arg4[%arg0, %multiple_of3A_138, %dma_start3A_225] : memref<2x10240x128xf32, #tpu.memory_space<hbm>> -> memref<1x32x128xf32, #tpu.memory_space<hbm>>
      %dma_start3A_227 = tpu.memref_squeeze %dma_start3A_226 : memref<1x32x128xf32, #tpu.memory_space<hbm>> -> memref<32x128xf32, #tpu.memory_space<hbm>>
      %dma_start3A_228 = arith.constant 0 : i32
      %dma_start3A_229 = tpu.memref_slice %arg4[%arg0, %multiple_of3A_138, %dma_start3A_228] : memref<2x10240x128xf32, #tpu.memory_space<hbm>> -> memref<1x32x128xf32, #tpu.memory_space<hbm>>
      %dma_start3A_230 = tpu.memref_squeeze %dma_start3A_229 : memref<1x32x128xf32, #tpu.memory_space<hbm>> -> memref<32x128xf32, #tpu.memory_space<hbm>>
      tpu.enqueue_dma source(%arg8 : memref<32x128xf32, #tpu.memory_space<vmem>>) target(%dma_start3A_230 : memref<32x128xf32, #tpu.memory_space<hbm>>) target_semaphore(%run_scoped3A_224 : memref<!tpu.dma_semaphore, #tpu.memory_space<semaphore_mem>>)
      %dma_wait3A = arith.constant 0 : i32
      %dma_wait3A_231 = tpu.memref_slice %arg4[%arg0, %multiple_of3A_138, %dma_wait3A] : memref<2x10240x128xf32, #tpu.memory_space<hbm>> -> memref<1x32x128xf32, #tpu.memory_space<hbm>>
      %dma_wait3A_232 = tpu.memref_squeeze %dma_wait3A_231 : memref<1x32x128xf32, #tpu.memory_space<hbm>> -> memref<32x128xf32, #tpu.memory_space<hbm>>
      %dma_wait3A_233 = arith.constant 0 : i32
      %dma_wait3A_234 = tpu.memref_slice %arg4[%arg0, %multiple_of3A_138, %dma_wait3A_233] : memref<2x10240x128xf32, #tpu.memory_space<hbm>> -> memref<1x32x128xf32, #tpu.memory_space<hbm>>
      %dma_wait3A_235 = tpu.memref_squeeze %dma_wait3A_234 : memref<1x32x128xf32, #tpu.memory_space<hbm>> -> memref<32x128xf32, #tpu.memory_space<hbm>>
      tpu.wait_dma2 semaphore(%run_scoped3A_224 : memref<!tpu.dma_semaphore, #tpu.memory_space<semaphore_mem>>) src(%arg8 : memref<32x128xf32, #tpu.memory_space<vmem>>) dst(%dma_wait3A_235 : memref<32x128xf32, #tpu.memory_space<hbm>>)
      tpu.yield
    }) : () -> ()
    %add3A_141 = arith.constant 32 : i32
    %add3A_142 = arith.addi %multiple_of3A_138, %add3A_141 : i32
    "tpu.region"() ({
      %run_scoped3A_224 = tpu.sem_alloc : memref<!tpu.dma_semaphore, #tpu.memory_space<semaphore_mem>>
      %dma_start3A_225 = arith.constant 0 : i32
      %dma_start3A_226 = tpu.memref_slice %arg4[%arg0, %add3A_142, %dma_start3A_225] : memref<2x10240x128xf32, #tpu.memory_space<hbm>> -> memref<1x32x128xf32, #tpu.memory_space<hbm>>
      %dma_start3A_227 = tpu.memref_squeeze %dma_start3A_226 : memref<1x32x128xf32, #tpu.memory_space<hbm>> -> memref<32x128xf32, #tpu.memory_space<hbm>>
      %dma_start3A_228 = arith.constant 0 : i32
      %dma_start3A_229 = tpu.memref_slice %arg4[%arg0, %add3A_142, %dma_start3A_228] : memref<2x10240x128xf32, #tpu.memory_space<hbm>> -> memref<1x32x128xf32, #tpu.memory_space<hbm>>
      %dma_start3A_230 = tpu.memref_squeeze %dma_start3A_229 : memref<1x32x128xf32, #tpu.memory_space<hbm>> -> memref<32x128xf32, #tpu.memory_space<hbm>>
      tpu.enqueue_dma source(%arg9 : memref<32x128xf32, #tpu.memory_space<vmem>>) target(%dma_start3A_230 : memref<32x128xf32, #tpu.memory_space<hbm>>) target_semaphore(%run_scoped3A_224 : memref<!tpu.dma_semaphore, #tpu.memory_space<semaphore_mem>>)
      %dma_wait3A = arith.constant 0 : i32
      %dma_wait3A_231 = tpu.memref_slice %arg4[%arg0, %add3A_142, %dma_wait3A] : memref<2x10240x128xf32, #tpu.memory_space<hbm>> -> memref<1x32x128xf32, #tpu.memory_space<hbm>>
      %dma_wait3A_232 = tpu.memref_squeeze %dma_wait3A_231 : memref<1x32x128xf32, #tpu.memory_space<hbm>> -> memref<32x128xf32, #tpu.memory_space<hbm>>
      %dma_wait3A_233 = arith.constant 0 : i32
      %dma_wait3A_234 = tpu.memref_slice %arg4[%arg0, %add3A_142, %dma_wait3A_233] : memref<2x10240x128xf32, #tpu.memory_space<hbm>> -> memref<1x32x128xf32, #tpu.memory_space<hbm>>
      %dma_wait3A_235 = tpu.memref_squeeze %dma_wait3A_234 : memref<1x32x128xf32, #tpu.memory_space<hbm>> -> memref<32x128xf32, #tpu.memory_space<hbm>>
      tpu.wait_dma2 semaphore(%run_scoped3A_224 : memref<!tpu.dma_semaphore, #tpu.memory_space<semaphore_mem>>) src(%arg9 : memref<32x128xf32, #tpu.memory_space<vmem>>) dst(%dma_wait3A_235 : memref<32x128xf32, #tpu.memory_space<hbm>>)
      tpu.yield
    }) : () -> ()
    %mul3A_143 = arith.constant 640 : i32
    %mul3A_144 = arith.muli %arg1, %mul3A_143 : i32
    %add3A_145 = arith.constant 64 : i32
    %add3A_146 = arith.addi %mul3A_144, %add3A_145 : i32
    %multiple_of3A_147 = tpu.assume_multiple %add3A_146, 8 : i32
    "tpu.region"() ({
      %run_scoped3A_224 = tpu.sem_alloc : memref<!tpu.dma_semaphore, #tpu.memory_space<semaphore_mem>>
      %dma_start3A_225 = arith.constant 0 : i32
      %dma_start3A_226 = tpu.memref_slice %arg13[%multiple_of3A_147, %dma_start3A_225] : memref<10240x128xf32, #tpu.memory_space<vmem_shared>> -> memref<32x128xf32, #tpu.memory_space<vmem_shared>>
      %dma_start3A_227 = arith.constant 0 : i32
      %dma_start3A_228 = tpu.memref_slice %arg13[%multiple_of3A_147, %dma_start3A_227] : memref<10240x128xf32, #tpu.memory_space<vmem_shared>> -> memref<32x128xf32, #tpu.memory_space<vmem_shared>>
      tpu.enqueue_dma source(%dma_start3A_228 : memref<32x128xf32, #tpu.memory_space<vmem_shared>>) target(%arg8 : memref<32x128xf32, #tpu.memory_space<vmem>>) target_semaphore(%run_scoped3A_224 : memref<!tpu.dma_semaphore, #tpu.memory_space<semaphore_mem>>)
      %dma_wait3A = arith.constant 0 : i32
      %dma_wait3A_229 = tpu.memref_slice %arg13[%multiple_of3A_147, %dma_wait3A] : memref<10240x128xf32, #tpu.memory_space<vmem_shared>> -> memref<32x128xf32, #tpu.memory_space<vmem_shared>>
      %dma_wait3A_230 = arith.constant 0 : i32
      %dma_wait3A_231 = tpu.memref_slice %arg13[%multiple_of3A_147, %dma_wait3A_230] : memref<10240x128xf32, #tpu.memory_space<vmem_shared>> -> memref<32x128xf32, #tpu.memory_space<vmem_shared>>
      tpu.wait_dma2 semaphore(%run_scoped3A_224 : memref<!tpu.dma_semaphore, #tpu.memory_space<semaphore_mem>>) src(%dma_wait3A_231 : memref<32x128xf32, #tpu.memory_space<vmem_shared>>) dst(%arg8 : memref<32x128xf32, #tpu.memory_space<vmem>>)
      tpu.yield
    }) : () -> ()
    %add3A_148 = arith.constant 32 : i32
    %add3A_149 = arith.addi %multiple_of3A_147, %add3A_148 : i32
    "tpu.region"() ({
      %run_scoped3A_224 = tpu.sem_alloc : memref<!tpu.dma_semaphore, #tpu.memory_space<semaphore_mem>>
      %dma_start3A_225 = arith.constant 0 : i32
      %dma_start3A_226 = tpu.memref_slice %arg13[%add3A_149, %dma_start3A_225] : memref<10240x128xf32, #tpu.memory_space<vmem_shared>> -> memref<32x128xf32, #tpu.memory_space<vmem_shared>>
      %dma_start3A_227 = arith.constant 0 : i32
      %dma_start3A_228 = tpu.memref_slice %arg13[%add3A_149, %dma_start3A_227] : memref<10240x128xf32, #tpu.memory_space<vmem_shared>> -> memref<32x128xf32, #tpu.memory_space<vmem_shared>>
      tpu.enqueue_dma source(%dma_start3A_228 : memref<32x128xf32, #tpu.memory_space<vmem_shared>>) target(%arg9 : memref<32x128xf32, #tpu.memory_space<vmem>>) target_semaphore(%run_scoped3A_224 : memref<!tpu.dma_semaphore, #tpu.memory_space<semaphore_mem>>)
      %dma_wait3A = arith.constant 0 : i32
      %dma_wait3A_229 = tpu.memref_slice %arg13[%add3A_149, %dma_wait3A] : memref<10240x128xf32, #tpu.memory_space<vmem_shared>> -> memref<32x128xf32, #tpu.memory_space<vmem_shared>>
      %dma_wait3A_230 = arith.constant 0 : i32
      %dma_wait3A_231 = tpu.memref_slice %arg13[%add3A_149, %dma_wait3A_230] : memref<10240x128xf32, #tpu.memory_space<vmem_shared>> -> memref<32x128xf32, #tpu.memory_space<vmem_shared>>
      tpu.wait_dma2 semaphore(%run_scoped3A_224 : memref<!tpu.dma_semaphore, #tpu.memory_space<semaphore_mem>>) src(%dma_wait3A_231 : memref<32x128xf32, #tpu.memory_space<vmem_shared>>) dst(%arg9 : memref<32x128xf32, #tpu.memory_space<vmem>>)
      tpu.yield
    }) : () -> ()
    "tpu.region"() ({
      %run_scoped3A_224 = tpu.sem_alloc : memref<!tpu.dma_semaphore, #tpu.memory_space<semaphore_mem>>
      %dma_start3A_225 = arith.constant 0 : i32
      %dma_start3A_226 = tpu.memref_slice %arg4[%arg0, %multiple_of3A_147, %dma_start3A_225] : memref<2x10240x128xf32, #tpu.memory_space<hbm>> -> memref<1x32x128xf32, #tpu.memory_space<hbm>>
      %dma_start3A_227 = tpu.memref_squeeze %dma_start3A_226 : memref<1x32x128xf32, #tpu.memory_space<hbm>> -> memref<32x128xf32, #tpu.memory_space<hbm>>
      %dma_start3A_228 = arith.constant 0 : i32
      %dma_start3A_229 = tpu.memref_slice %arg4[%arg0, %multiple_of3A_147, %dma_start3A_228] : memref<2x10240x128xf32, #tpu.memory_space<hbm>> -> memref<1x32x128xf32, #tpu.memory_space<hbm>>
      %dma_start3A_230 = tpu.memref_squeeze %dma_start3A_229 : memref<1x32x128xf32, #tpu.memory_space<hbm>> -> memref<32x128xf32, #tpu.memory_space<hbm>>
      tpu.enqueue_dma source(%arg8 : memref<32x128xf32, #tpu.memory_space<vmem>>) target(%dma_start3A_230 : memref<32x128xf32, #tpu.memory_space<hbm>>) target_semaphore(%run_scoped3A_224 : memref<!tpu.dma_semaphore, #tpu.memory_space<semaphore_mem>>)
      %dma_wait3A = arith.constant 0 : i32
      %dma_wait3A_231 = tpu.memref_slice %arg4[%arg0, %multiple_of3A_147, %dma_wait3A] : memref<2x10240x128xf32, #tpu.memory_space<hbm>> -> memref<1x32x128xf32, #tpu.memory_space<hbm>>
      %dma_wait3A_232 = tpu.memref_squeeze %dma_wait3A_231 : memref<1x32x128xf32, #tpu.memory_space<hbm>> -> memref<32x128xf32, #tpu.memory_space<hbm>>
      %dma_wait3A_233 = arith.constant 0 : i32
      %dma_wait3A_234 = tpu.memref_slice %arg4[%arg0, %multiple_of3A_147, %dma_wait3A_233] : memref<2x10240x128xf32, #tpu.memory_space<hbm>> -> memref<1x32x128xf32, #tpu.memory_space<hbm>>
      %dma_wait3A_235 = tpu.memref_squeeze %dma_wait3A_234 : memref<1x32x128xf32, #tpu.memory_space<hbm>> -> memref<32x128xf32, #tpu.memory_space<hbm>>
      tpu.wait_dma2 semaphore(%run_scoped3A_224 : memref<!tpu.dma_semaphore, #tpu.memory_space<semaphore_mem>>) src(%arg8 : memref<32x128xf32, #tpu.memory_space<vmem>>) dst(%dma_wait3A_235 : memref<32x128xf32, #tpu.memory_space<hbm>>)
      tpu.yield
    }) : () -> ()
    %add3A_150 = arith.constant 32 : i32
    %add3A_151 = arith.addi %multiple_of3A_147, %add3A_150 : i32
    "tpu.region"() ({
      %run_scoped3A_224 = tpu.sem_alloc : memref<!tpu.dma_semaphore, #tpu.memory_space<semaphore_mem>>
      %dma_start3A_225 = arith.constant 0 : i32
      %dma_start3A_226 = tpu.memref_slice %arg4[%arg0, %add3A_151, %dma_start3A_225] : memref<2x10240x128xf32, #tpu.memory_space<hbm>> -> memref<1x32x128xf32, #tpu.memory_space<hbm>>
      %dma_start3A_227 = tpu.memref_squeeze %dma_start3A_226 : memref<1x32x128xf32, #tpu.memory_space<hbm>> -> memref<32x128xf32, #tpu.memory_space<hbm>>
      %dma_start3A_228 = arith.constant 0 : i32
      %dma_start3A_229 = tpu.memref_slice %arg4[%arg0, %add3A_151, %dma_start3A_228] : memref<2x10240x128xf32, #tpu.memory_space<hbm>> -> memref<1x32x128xf32, #tpu.memory_space<hbm>>
      %dma_start3A_230 = tpu.memref_squeeze %dma_start3A_229 : memref<1x32x128xf32, #tpu.memory_space<hbm>> -> memref<32x128xf32, #tpu.memory_space<hbm>>
      tpu.enqueue_dma source(%arg9 : memref<32x128xf32, #tpu.memory_space<vmem>>) target(%dma_start3A_230 : memref<32x128xf32, #tpu.memory_space<hbm>>) target_semaphore(%run_scoped3A_224 : memref<!tpu.dma_semaphore, #tpu.memory_space<semaphore_mem>>)
      %dma_wait3A = arith.constant 0 : i32
      %dma_wait3A_231 = tpu.memref_slice %arg4[%arg0, %add3A_151, %dma_wait3A] : memref<2x10240x128xf32, #tpu.memory_space<hbm>> -> memref<1x32x128xf32, #tpu.memory_space<hbm>>
      %dma_wait3A_232 = tpu.memref_squeeze %dma_wait3A_231 : memref<1x32x128xf32, #tpu.memory_space<hbm>> -> memref<32x128xf32, #tpu.memory_space<hbm>>
      %dma_wait3A_233 = arith.constant 0 : i32
      %dma_wait3A_234 = tpu.memref_slice %arg4[%arg0, %add3A_151, %dma_wait3A_233] : memref<2x10240x128xf32, #tpu.memory_space<hbm>> -> memref<1x32x128xf32, #tpu.memory_space<hbm>>
      %dma_wait3A_235 = tpu.memref_squeeze %dma_wait3A_234 : memref<1x32x128xf32, #tpu.memory_space<hbm>> -> memref<32x128xf32, #tpu.memory_space<hbm>>
      tpu.wait_dma2 semaphore(%run_scoped3A_224 : memref<!tpu.dma_semaphore, #tpu.memory_space<semaphore_mem>>) src(%arg9 : memref<32x128xf32, #tpu.memory_space<vmem>>) dst(%dma_wait3A_235 : memref<32x128xf32, #tpu.memory_space<hbm>>)
      tpu.yield
    }) : () -> ()
    %mul3A_152 = arith.constant 640 : i32
    %mul3A_153 = arith.muli %arg1, %mul3A_152 : i32
    %add3A_154 = arith.constant 128 : i32
    %add3A_155 = arith.addi %mul3A_153, %add3A_154 : i32
    %multiple_of3A_156 = tpu.assume_multiple %add3A_155, 8 : i32
    "tpu.region"() ({
      %run_scoped3A_224 = tpu.sem_alloc : memref<!tpu.dma_semaphore, #tpu.memory_space<semaphore_mem>>
      %dma_start3A_225 = arith.constant 0 : i32
      %dma_start3A_226 = tpu.memref_slice %arg13[%multiple_of3A_156, %dma_start3A_225] : memref<10240x128xf32, #tpu.memory_space<vmem_shared>> -> memref<32x128xf32, #tpu.memory_space<vmem_shared>>
      %dma_start3A_227 = arith.constant 0 : i32
      %dma_start3A_228 = tpu.memref_slice %arg13[%multiple_of3A_156, %dma_start3A_227] : memref<10240x128xf32, #tpu.memory_space<vmem_shared>> -> memref<32x128xf32, #tpu.memory_space<vmem_shared>>
      tpu.enqueue_dma source(%dma_start3A_228 : memref<32x128xf32, #tpu.memory_space<vmem_shared>>) target(%arg8 : memref<32x128xf32, #tpu.memory_space<vmem>>) target_semaphore(%run_scoped3A_224 : memref<!tpu.dma_semaphore, #tpu.memory_space<semaphore_mem>>)
      %dma_wait3A = arith.constant 0 : i32
      %dma_wait3A_229 = tpu.memref_slice %arg13[%multiple_of3A_156, %dma_wait3A] : memref<10240x128xf32, #tpu.memory_space<vmem_shared>> -> memref<32x128xf32, #tpu.memory_space<vmem_shared>>
      %dma_wait3A_230 = arith.constant 0 : i32
      %dma_wait3A_231 = tpu.memref_slice %arg13[%multiple_of3A_156, %dma_wait3A_230] : memref<10240x128xf32, #tpu.memory_space<vmem_shared>> -> memref<32x128xf32, #tpu.memory_space<vmem_shared>>
      tpu.wait_dma2 semaphore(%run_scoped3A_224 : memref<!tpu.dma_semaphore, #tpu.memory_space<semaphore_mem>>) src(%dma_wait3A_231 : memref<32x128xf32, #tpu.memory_space<vmem_shared>>) dst(%arg8 : memref<32x128xf32, #tpu.memory_space<vmem>>)
      tpu.yield
    }) : () -> ()
    %add3A_157 = arith.constant 32 : i32
    %add3A_158 = arith.addi %multiple_of3A_156, %add3A_157 : i32
    "tpu.region"() ({
      %run_scoped3A_224 = tpu.sem_alloc : memref<!tpu.dma_semaphore, #tpu.memory_space<semaphore_mem>>
      %dma_start3A_225 = arith.constant 0 : i32
      %dma_start3A_226 = tpu.memref_slice %arg13[%add3A_158, %dma_start3A_225] : memref<10240x128xf32, #tpu.memory_space<vmem_shared>> -> memref<32x128xf32, #tpu.memory_space<vmem_shared>>
      %dma_start3A_227 = arith.constant 0 : i32
      %dma_start3A_228 = tpu.memref_slice %arg13[%add3A_158, %dma_start3A_227] : memref<10240x128xf32, #tpu.memory_space<vmem_shared>> -> memref<32x128xf32, #tpu.memory_space<vmem_shared>>
      tpu.enqueue_dma source(%dma_start3A_228 : memref<32x128xf32, #tpu.memory_space<vmem_shared>>) target(%arg9 : memref<32x128xf32, #tpu.memory_space<vmem>>) target_semaphore(%run_scoped3A_224 : memref<!tpu.dma_semaphore, #tpu.memory_space<semaphore_mem>>)
      %dma_wait3A = arith.constant 0 : i32
      %dma_wait3A_229 = tpu.memref_slice %arg13[%add3A_158, %dma_wait3A] : memref<10240x128xf32, #tpu.memory_space<vmem_shared>> -> memref<32x128xf32, #tpu.memory_space<vmem_shared>>
      %dma_wait3A_230 = arith.constant 0 : i32
      %dma_wait3A_231 = tpu.memref_slice %arg13[%add3A_158, %dma_wait3A_230] : memref<10240x128xf32, #tpu.memory_space<vmem_shared>> -> memref<32x128xf32, #tpu.memory_space<vmem_shared>>
      tpu.wait_dma2 semaphore(%run_scoped3A_224 : memref<!tpu.dma_semaphore, #tpu.memory_space<semaphore_mem>>) src(%dma_wait3A_231 : memref<32x128xf32, #tpu.memory_space<vmem_shared>>) dst(%arg9 : memref<32x128xf32, #tpu.memory_space<vmem>>)
      tpu.yield
    }) : () -> ()
    "tpu.region"() ({
      %run_scoped3A_224 = tpu.sem_alloc : memref<!tpu.dma_semaphore, #tpu.memory_space<semaphore_mem>>
      %dma_start3A_225 = arith.constant 0 : i32
      %dma_start3A_226 = tpu.memref_slice %arg4[%arg0, %multiple_of3A_156, %dma_start3A_225] : memref<2x10240x128xf32, #tpu.memory_space<hbm>> -> memref<1x32x128xf32, #tpu.memory_space<hbm>>
      %dma_start3A_227 = tpu.memref_squeeze %dma_start3A_226 : memref<1x32x128xf32, #tpu.memory_space<hbm>> -> memref<32x128xf32, #tpu.memory_space<hbm>>
      %dma_start3A_228 = arith.constant 0 : i32
      %dma_start3A_229 = tpu.memref_slice %arg4[%arg0, %multiple_of3A_156, %dma_start3A_228] : memref<2x10240x128xf32, #tpu.memory_space<hbm>> -> memref<1x32x128xf32, #tpu.memory_space<hbm>>
      %dma_start3A_230 = tpu.memref_squeeze %dma_start3A_229 : memref<1x32x128xf32, #tpu.memory_space<hbm>> -> memref<32x128xf32, #tpu.memory_space<hbm>>
      tpu.enqueue_dma source(%arg8 : memref<32x128xf32, #tpu.memory_space<vmem>>) target(%dma_start3A_230 : memref<32x128xf32, #tpu.memory_space<hbm>>) target_semaphore(%run_scoped3A_224 : memref<!tpu.dma_semaphore, #tpu.memory_space<semaphore_mem>>)
      %dma_wait3A = arith.constant 0 : i32
      %dma_wait3A_231 = tpu.memref_slice %arg4[%arg0, %multiple_of3A_156, %dma_wait3A] : memref<2x10240x128xf32, #tpu.memory_space<hbm>> -> memref<1x32x128xf32, #tpu.memory_space<hbm>>
      %dma_wait3A_232 = tpu.memref_squeeze %dma_wait3A_231 : memref<1x32x128xf32, #tpu.memory_space<hbm>> -> memref<32x128xf32, #tpu.memory_space<hbm>>
      %dma_wait3A_233 = arith.constant 0 : i32
      %dma_wait3A_234 = tpu.memref_slice %arg4[%arg0, %multiple_of3A_156, %dma_wait3A_233] : memref<2x10240x128xf32, #tpu.memory_space<hbm>> -> memref<1x32x128xf32, #tpu.memory_space<hbm>>
      %dma_wait3A_235 = tpu.memref_squeeze %dma_wait3A_234 : memref<1x32x128xf32, #tpu.memory_space<hbm>> -> memref<32x128xf32, #tpu.memory_space<hbm>>
      tpu.wait_dma2 semaphore(%run_scoped3A_224 : memref<!tpu.dma_semaphore, #tpu.memory_space<semaphore_mem>>) src(%arg8 : memref<32x128xf32, #tpu.memory_space<vmem>>) dst(%dma_wait3A_235 : memref<32x128xf32, #tpu.memory_space<hbm>>)
      tpu.yield
    }) : () -> ()
    %add3A_159 = arith.constant 32 : i32
    %add3A_160 = arith.addi %multiple_of3A_156, %add3A_159 : i32
    "tpu.region"() ({
      %run_scoped3A_224 = tpu.sem_alloc : memref<!tpu.dma_semaphore, #tpu.memory_space<semaphore_mem>>
      %dma_start3A_225 = arith.constant 0 : i32
      %dma_start3A_226 = tpu.memref_slice %arg4[%arg0, %add3A_160, %dma_start3A_225] : memref<2x10240x128xf32, #tpu.memory_space<hbm>> -> memref<1x32x128xf32, #tpu.memory_space<hbm>>
      %dma_start3A_227 = tpu.memref_squeeze %dma_start3A_226 : memref<1x32x128xf32, #tpu.memory_space<hbm>> -> memref<32x128xf32, #tpu.memory_space<hbm>>
      %dma_start3A_228 = arith.constant 0 : i32
      %dma_start3A_229 = tpu.memref_slice %arg4[%arg0, %add3A_160, %dma_start3A_228] : memref<2x10240x128xf32, #tpu.memory_space<hbm>> -> memref<1x32x128xf32, #tpu.memory_space<hbm>>
      %dma_start3A_230 = tpu.memref_squeeze %dma_start3A_229 : memref<1x32x128xf32, #tpu.memory_space<hbm>> -> memref<32x128xf32, #tpu.memory_space<hbm>>
      tpu.enqueue_dma source(%arg9 : memref<32x128xf32, #tpu.memory_space<vmem>>) target(%dma_start3A_230 : memref<32x128xf32, #tpu.memory_space<hbm>>) target_semaphore(%run_scoped3A_224 : memref<!tpu.dma_semaphore, #tpu.memory_space<semaphore_mem>>)
      %dma_wait3A = arith.constant 0 : i32
      %dma_wait3A_231 = tpu.memref_slice %arg4[%arg0, %add3A_160, %dma_wait3A] : memref<2x10240x128xf32, #tpu.memory_space<hbm>> -> memref<1x32x128xf32, #tpu.memory_space<hbm>>
      %dma_wait3A_232 = tpu.memref_squeeze %dma_wait3A_231 : memref<1x32x128xf32, #tpu.memory_space<hbm>> -> memref<32x128xf32, #tpu.memory_space<hbm>>
      %dma_wait3A_233 = arith.constant 0 : i32
      %dma_wait3A_234 = tpu.memref_slice %arg4[%arg0, %add3A_160, %dma_wait3A_233] : memref<2x10240x128xf32, #tpu.memory_space<hbm>> -> memref<1x32x128xf32, #tpu.memory_space<hbm>>
      %dma_wait3A_235 = tpu.memref_squeeze %dma_wait3A_234 : memref<1x32x128xf32, #tpu.memory_space<hbm>> -> memref<32x128xf32, #tpu.memory_space<hbm>>
      tpu.wait_dma2 semaphore(%run_scoped3A_224 : memref<!tpu.dma_semaphore, #tpu.memory_space<semaphore_mem>>) src(%arg9 : memref<32x128xf32, #tpu.memory_space<vmem>>) dst(%dma_wait3A_235 : memref<32x128xf32, #tpu.memory_space<hbm>>)
      tpu.yield
    }) : () -> ()
    %mul3A_161 = arith.constant 640 : i32
    %mul3A_162 = arith.muli %arg1, %mul3A_161 : i32
    %add3A_163 = arith.constant 192 : i32
    %add3A_164 = arith.addi %mul3A_162, %add3A_163 : i32
    %multiple_of3A_165 = tpu.assume_multiple %add3A_164, 8 : i32
    "tpu.region"() ({
      %run_scoped3A_224 = tpu.sem_alloc : memref<!tpu.dma_semaphore, #tpu.memory_space<semaphore_mem>>
      %dma_start3A_225 = arith.constant 0 : i32
      %dma_start3A_226 = tpu.memref_slice %arg13[%multiple_of3A_165, %dma_start3A_225] : memref<10240x128xf32, #tpu.memory_space<vmem_shared>> -> memref<32x128xf32, #tpu.memory_space<vmem_shared>>
      %dma_start3A_227 = arith.constant 0 : i32
      %dma_start3A_228 = tpu.memref_slice %arg13[%multiple_of3A_165, %dma_start3A_227] : memref<10240x128xf32, #tpu.memory_space<vmem_shared>> -> memref<32x128xf32, #tpu.memory_space<vmem_shared>>
      tpu.enqueue_dma source(%dma_start3A_228 : memref<32x128xf32, #tpu.memory_space<vmem_shared>>) target(%arg8 : memref<32x128xf32, #tpu.memory_space<vmem>>) target_semaphore(%run_scoped3A_224 : memref<!tpu.dma_semaphore, #tpu.memory_space<semaphore_mem>>)
      %dma_wait3A = arith.constant 0 : i32
      %dma_wait3A_229 = tpu.memref_slice %arg13[%multiple_of3A_165, %dma_wait3A] : memref<10240x128xf32, #tpu.memory_space<vmem_shared>> -> memref<32x128xf32, #tpu.memory_space<vmem_shared>>
      %dma_wait3A_230 = arith.constant 0 : i32
      %dma_wait3A_231 = tpu.memref_slice %arg13[%multiple_of3A_165, %dma_wait3A_230] : memref<10240x128xf32, #tpu.memory_space<vmem_shared>> -> memref<32x128xf32, #tpu.memory_space<vmem_shared>>
      tpu.wait_dma2 semaphore(%run_scoped3A_224 : memref<!tpu.dma_semaphore, #tpu.memory_space<semaphore_mem>>) src(%dma_wait3A_231 : memref<32x128xf32, #tpu.memory_space<vmem_shared>>) dst(%arg8 : memref<32x128xf32, #tpu.memory_space<vmem>>)
      tpu.yield
    }) : () -> ()
    %add3A_166 = arith.constant 32 : i32
    %add3A_167 = arith.addi %multiple_of3A_165, %add3A_166 : i32
    "tpu.region"() ({
      %run_scoped3A_224 = tpu.sem_alloc : memref<!tpu.dma_semaphore, #tpu.memory_space<semaphore_mem>>
      %dma_start3A_225 = arith.constant 0 : i32
      %dma_start3A_226 = tpu.memref_slice %arg13[%add3A_167, %dma_start3A_225] : memref<10240x128xf32, #tpu.memory_space<vmem_shared>> -> memref<32x128xf32, #tpu.memory_space<vmem_shared>>
      %dma_start3A_227 = arith.constant 0 : i32
      %dma_start3A_228 = tpu.memref_slice %arg13[%add3A_167, %dma_start3A_227] : memref<10240x128xf32, #tpu.memory_space<vmem_shared>> -> memref<32x128xf32, #tpu.memory_space<vmem_shared>>
      tpu.enqueue_dma source(%dma_start3A_228 : memref<32x128xf32, #tpu.memory_space<vmem_shared>>) target(%arg9 : memref<32x128xf32, #tpu.memory_space<vmem>>) target_semaphore(%run_scoped3A_224 : memref<!tpu.dma_semaphore, #tpu.memory_space<semaphore_mem>>)
      %dma_wait3A = arith.constant 0 : i32
      %dma_wait3A_229 = tpu.memref_slice %arg13[%add3A_167, %dma_wait3A] : memref<10240x128xf32, #tpu.memory_space<vmem_shared>> -> memref<32x128xf32, #tpu.memory_space<vmem_shared>>
      %dma_wait3A_230 = arith.constant 0 : i32
      %dma_wait3A_231 = tpu.memref_slice %arg13[%add3A_167, %dma_wait3A_230] : memref<10240x128xf32, #tpu.memory_space<vmem_shared>> -> memref<32x128xf32, #tpu.memory_space<vmem_shared>>
      tpu.wait_dma2 semaphore(%run_scoped3A_224 : memref<!tpu.dma_semaphore, #tpu.memory_space<semaphore_mem>>) src(%dma_wait3A_231 : memref<32x128xf32, #tpu.memory_space<vmem_shared>>) dst(%arg9 : memref<32x128xf32, #tpu.memory_space<vmem>>)
      tpu.yield
    }) : () -> ()
    "tpu.region"() ({
      %run_scoped3A_224 = tpu.sem_alloc : memref<!tpu.dma_semaphore, #tpu.memory_space<semaphore_mem>>
      %dma_start3A_225 = arith.constant 0 : i32
      %dma_start3A_226 = tpu.memref_slice %arg4[%arg0, %multiple_of3A_165, %dma_start3A_225] : memref<2x10240x128xf32, #tpu.memory_space<hbm>> -> memref<1x32x128xf32, #tpu.memory_space<hbm>>
      %dma_start3A_227 = tpu.memref_squeeze %dma_start3A_226 : memref<1x32x128xf32, #tpu.memory_space<hbm>> -> memref<32x128xf32, #tpu.memory_space<hbm>>
      %dma_start3A_228 = arith.constant 0 : i32
      %dma_start3A_229 = tpu.memref_slice %arg4[%arg0, %multiple_of3A_165, %dma_start3A_228] : memref<2x10240x128xf32, #tpu.memory_space<hbm>> -> memref<1x32x128xf32, #tpu.memory_space<hbm>>
      %dma_start3A_230 = tpu.memref_squeeze %dma_start3A_229 : memref<1x32x128xf32, #tpu.memory_space<hbm>> -> memref<32x128xf32, #tpu.memory_space<hbm>>
      tpu.enqueue_dma source(%arg8 : memref<32x128xf32, #tpu.memory_space<vmem>>) target(%dma_start3A_230 : memref<32x128xf32, #tpu.memory_space<hbm>>) target_semaphore(%run_scoped3A_224 : memref<!tpu.dma_semaphore, #tpu.memory_space<semaphore_mem>>)
      %dma_wait3A = arith.constant 0 : i32
      %dma_wait3A_231 = tpu.memref_slice %arg4[%arg0, %multiple_of3A_165, %dma_wait3A] : memref<2x10240x128xf32, #tpu.memory_space<hbm>> -> memref<1x32x128xf32, #tpu.memory_space<hbm>>
      %dma_wait3A_232 = tpu.memref_squeeze %dma_wait3A_231 : memref<1x32x128xf32, #tpu.memory_space<hbm>> -> memref<32x128xf32, #tpu.memory_space<hbm>>
      %dma_wait3A_233 = arith.constant 0 : i32
      %dma_wait3A_234 = tpu.memref_slice %arg4[%arg0, %multiple_of3A_165, %dma_wait3A_233] : memref<2x10240x128xf32, #tpu.memory_space<hbm>> -> memref<1x32x128xf32, #tpu.memory_space<hbm>>
      %dma_wait3A_235 = tpu.memref_squeeze %dma_wait3A_234 : memref<1x32x128xf32, #tpu.memory_space<hbm>> -> memref<32x128xf32, #tpu.memory_space<hbm>>
      tpu.wait_dma2 semaphore(%run_scoped3A_224 : memref<!tpu.dma_semaphore, #tpu.memory_space<semaphore_mem>>) src(%arg8 : memref<32x128xf32, #tpu.memory_space<vmem>>) dst(%dma_wait3A_235 : memref<32x128xf32, #tpu.memory_space<hbm>>)
      tpu.yield
    }) : () -> ()
    %add3A_168 = arith.constant 32 : i32
    %add3A_169 = arith.addi %multiple_of3A_165, %add3A_168 : i32
    "tpu.region"() ({
      %run_scoped3A_224 = tpu.sem_alloc : memref<!tpu.dma_semaphore, #tpu.memory_space<semaphore_mem>>
      %dma_start3A_225 = arith.constant 0 : i32
      %dma_start3A_226 = tpu.memref_slice %arg4[%arg0, %add3A_169, %dma_start3A_225] : memref<2x10240x128xf32, #tpu.memory_space<hbm>> -> memref<1x32x128xf32, #tpu.memory_space<hbm>>
      %dma_start3A_227 = tpu.memref_squeeze %dma_start3A_226 : memref<1x32x128xf32, #tpu.memory_space<hbm>> -> memref<32x128xf32, #tpu.memory_space<hbm>>
      %dma_start3A_228 = arith.constant 0 : i32
      %dma_start3A_229 = tpu.memref_slice %arg4[%arg0, %add3A_169, %dma_start3A_228] : memref<2x10240x128xf32, #tpu.memory_space<hbm>> -> memref<1x32x128xf32, #tpu.memory_space<hbm>>
      %dma_start3A_230 = tpu.memref_squeeze %dma_start3A_229 : memref<1x32x128xf32, #tpu.memory_space<hbm>> -> memref<32x128xf32, #tpu.memory_space<hbm>>
      tpu.enqueue_dma source(%arg9 : memref<32x128xf32, #tpu.memory_space<vmem>>) target(%dma_start3A_230 : memref<32x128xf32, #tpu.memory_space<hbm>>) target_semaphore(%run_scoped3A_224 : memref<!tpu.dma_semaphore, #tpu.memory_space<semaphore_mem>>)
      %dma_wait3A = arith.constant 0 : i32
      %dma_wait3A_231 = tpu.memref_slice %arg4[%arg0, %add3A_169, %dma_wait3A] : memref<2x10240x128xf32, #tpu.memory_space<hbm>> -> memref<1x32x128xf32, #tpu.memory_space<hbm>>
      %dma_wait3A_232 = tpu.memref_squeeze %dma_wait3A_231 : memref<1x32x128xf32, #tpu.memory_space<hbm>> -> memref<32x128xf32, #tpu.memory_space<hbm>>
      %dma_wait3A_233 = arith.constant 0 : i32
      %dma_wait3A_234 = tpu.memref_slice %arg4[%arg0, %add3A_169, %dma_wait3A_233] : memref<2x10240x128xf32, #tpu.memory_space<hbm>> -> memref<1x32x128xf32, #tpu.memory_space<hbm>>
      %dma_wait3A_235 = tpu.memref_squeeze %dma_wait3A_234 : memref<1x32x128xf32, #tpu.memory_space<hbm>> -> memref<32x128xf32, #tpu.memory_space<hbm>>
      tpu.wait_dma2 semaphore(%run_scoped3A_224 : memref<!tpu.dma_semaphore, #tpu.memory_space<semaphore_mem>>) src(%arg9 : memref<32x128xf32, #tpu.memory_space<vmem>>) dst(%dma_wait3A_235 : memref<32x128xf32, #tpu.memory_space<hbm>>)
      tpu.yield
    }) : () -> ()
    %mul3A_170 = arith.constant 640 : i32
    %mul3A_171 = arith.muli %arg1, %mul3A_170 : i32
    %add3A_172 = arith.constant 256 : i32
    %add3A_173 = arith.addi %mul3A_171, %add3A_172 : i32
    %multiple_of3A_174 = tpu.assume_multiple %add3A_173, 8 : i32
    "tpu.region"() ({
      %run_scoped3A_224 = tpu.sem_alloc : memref<!tpu.dma_semaphore, #tpu.memory_space<semaphore_mem>>
      %dma_start3A_225 = arith.constant 0 : i32
      %dma_start3A_226 = tpu.memref_slice %arg13[%multiple_of3A_174, %dma_start3A_225] : memref<10240x128xf32, #tpu.memory_space<vmem_shared>> -> memref<32x128xf32, #tpu.memory_space<vmem_shared>>
      %dma_start3A_227 = arith.constant 0 : i32
      %dma_start3A_228 = tpu.memref_slice %arg13[%multiple_of3A_174, %dma_start3A_227] : memref<10240x128xf32, #tpu.memory_space<vmem_shared>> -> memref<32x128xf32, #tpu.memory_space<vmem_shared>>
      tpu.enqueue_dma source(%dma_start3A_228 : memref<32x128xf32, #tpu.memory_space<vmem_shared>>) target(%arg8 : memref<32x128xf32, #tpu.memory_space<vmem>>) target_semaphore(%run_scoped3A_224 : memref<!tpu.dma_semaphore, #tpu.memory_space<semaphore_mem>>)
      %dma_wait3A = arith.constant 0 : i32
      %dma_wait3A_229 = tpu.memref_slice %arg13[%multiple_of3A_174, %dma_wait3A] : memref<10240x128xf32, #tpu.memory_space<vmem_shared>> -> memref<32x128xf32, #tpu.memory_space<vmem_shared>>
      %dma_wait3A_230 = arith.constant 0 : i32
      %dma_wait3A_231 = tpu.memref_slice %arg13[%multiple_of3A_174, %dma_wait3A_230] : memref<10240x128xf32, #tpu.memory_space<vmem_shared>> -> memref<32x128xf32, #tpu.memory_space<vmem_shared>>
      tpu.wait_dma2 semaphore(%run_scoped3A_224 : memref<!tpu.dma_semaphore, #tpu.memory_space<semaphore_mem>>) src(%dma_wait3A_231 : memref<32x128xf32, #tpu.memory_space<vmem_shared>>) dst(%arg8 : memref<32x128xf32, #tpu.memory_space<vmem>>)
      tpu.yield
    }) : () -> ()
    %add3A_175 = arith.constant 32 : i32
    %add3A_176 = arith.addi %multiple_of3A_174, %add3A_175 : i32
    "tpu.region"() ({
      %run_scoped3A_224 = tpu.sem_alloc : memref<!tpu.dma_semaphore, #tpu.memory_space<semaphore_mem>>
      %dma_start3A_225 = arith.constant 0 : i32
      %dma_start3A_226 = tpu.memref_slice %arg13[%add3A_176, %dma_start3A_225] : memref<10240x128xf32, #tpu.memory_space<vmem_shared>> -> memref<32x128xf32, #tpu.memory_space<vmem_shared>>
      %dma_start3A_227 = arith.constant 0 : i32
      %dma_start3A_228 = tpu.memref_slice %arg13[%add3A_176, %dma_start3A_227] : memref<10240x128xf32, #tpu.memory_space<vmem_shared>> -> memref<32x128xf32, #tpu.memory_space<vmem_shared>>
      tpu.enqueue_dma source(%dma_start3A_228 : memref<32x128xf32, #tpu.memory_space<vmem_shared>>) target(%arg9 : memref<32x128xf32, #tpu.memory_space<vmem>>) target_semaphore(%run_scoped3A_224 : memref<!tpu.dma_semaphore, #tpu.memory_space<semaphore_mem>>)
      %dma_wait3A = arith.constant 0 : i32
      %dma_wait3A_229 = tpu.memref_slice %arg13[%add3A_176, %dma_wait3A] : memref<10240x128xf32, #tpu.memory_space<vmem_shared>> -> memref<32x128xf32, #tpu.memory_space<vmem_shared>>
      %dma_wait3A_230 = arith.constant 0 : i32
      %dma_wait3A_231 = tpu.memref_slice %arg13[%add3A_176, %dma_wait3A_230] : memref<10240x128xf32, #tpu.memory_space<vmem_shared>> -> memref<32x128xf32, #tpu.memory_space<vmem_shared>>
      tpu.wait_dma2 semaphore(%run_scoped3A_224 : memref<!tpu.dma_semaphore, #tpu.memory_space<semaphore_mem>>) src(%dma_wait3A_231 : memref<32x128xf32, #tpu.memory_space<vmem_shared>>) dst(%arg9 : memref<32x128xf32, #tpu.memory_space<vmem>>)
      tpu.yield
    }) : () -> ()
    "tpu.region"() ({
      %run_scoped3A_224 = tpu.sem_alloc : memref<!tpu.dma_semaphore, #tpu.memory_space<semaphore_mem>>
      %dma_start3A_225 = arith.constant 0 : i32
      %dma_start3A_226 = tpu.memref_slice %arg4[%arg0, %multiple_of3A_174, %dma_start3A_225] : memref<2x10240x128xf32, #tpu.memory_space<hbm>> -> memref<1x32x128xf32, #tpu.memory_space<hbm>>
      %dma_start3A_227 = tpu.memref_squeeze %dma_start3A_226 : memref<1x32x128xf32, #tpu.memory_space<hbm>> -> memref<32x128xf32, #tpu.memory_space<hbm>>
      %dma_start3A_228 = arith.constant 0 : i32
      %dma_start3A_229 = tpu.memref_slice %arg4[%arg0, %multiple_of3A_174, %dma_start3A_228] : memref<2x10240x128xf32, #tpu.memory_space<hbm>> -> memref<1x32x128xf32, #tpu.memory_space<hbm>>
      %dma_start3A_230 = tpu.memref_squeeze %dma_start3A_229 : memref<1x32x128xf32, #tpu.memory_space<hbm>> -> memref<32x128xf32, #tpu.memory_space<hbm>>
      tpu.enqueue_dma source(%arg8 : memref<32x128xf32, #tpu.memory_space<vmem>>) target(%dma_start3A_230 : memref<32x128xf32, #tpu.memory_space<hbm>>) target_semaphore(%run_scoped3A_224 : memref<!tpu.dma_semaphore, #tpu.memory_space<semaphore_mem>>)
      %dma_wait3A = arith.constant 0 : i32
      %dma_wait3A_231 = tpu.memref_slice %arg4[%arg0, %multiple_of3A_174, %dma_wait3A] : memref<2x10240x128xf32, #tpu.memory_space<hbm>> -> memref<1x32x128xf32, #tpu.memory_space<hbm>>
      %dma_wait3A_232 = tpu.memref_squeeze %dma_wait3A_231 : memref<1x32x128xf32, #tpu.memory_space<hbm>> -> memref<32x128xf32, #tpu.memory_space<hbm>>
      %dma_wait3A_233 = arith.constant 0 : i32
      %dma_wait3A_234 = tpu.memref_slice %arg4[%arg0, %multiple_of3A_174, %dma_wait3A_233] : memref<2x10240x128xf32, #tpu.memory_space<hbm>> -> memref<1x32x128xf32, #tpu.memory_space<hbm>>
      %dma_wait3A_235 = tpu.memref_squeeze %dma_wait3A_234 : memref<1x32x128xf32, #tpu.memory_space<hbm>> -> memref<32x128xf32, #tpu.memory_space<hbm>>
      tpu.wait_dma2 semaphore(%run_scoped3A_224 : memref<!tpu.dma_semaphore, #tpu.memory_space<semaphore_mem>>) src(%arg8 : memref<32x128xf32, #tpu.memory_space<vmem>>) dst(%dma_wait3A_235 : memref<32x128xf32, #tpu.memory_space<hbm>>)
      tpu.yield
    }) : () -> ()
    %add3A_177 = arith.constant 32 : i32
    %add3A_178 = arith.addi %multiple_of3A_174, %add3A_177 : i32
    "tpu.region"() ({
      %run_scoped3A_224 = tpu.sem_alloc : memref<!tpu.dma_semaphore, #tpu.memory_space<semaphore_mem>>
      %dma_start3A_225 = arith.constant 0 : i32
      %dma_start3A_226 = tpu.memref_slice %arg4[%arg0, %add3A_178, %dma_start3A_225] : memref<2x10240x128xf32, #tpu.memory_space<hbm>> -> memref<1x32x128xf32, #tpu.memory_space<hbm>>
      %dma_start3A_227 = tpu.memref_squeeze %dma_start3A_226 : memref<1x32x128xf32, #tpu.memory_space<hbm>> -> memref<32x128xf32, #tpu.memory_space<hbm>>
      %dma_start3A_228 = arith.constant 0 : i32
      %dma_start3A_229 = tpu.memref_slice %arg4[%arg0, %add3A_178, %dma_start3A_228] : memref<2x10240x128xf32, #tpu.memory_space<hbm>> -> memref<1x32x128xf32, #tpu.memory_space<hbm>>
      %dma_start3A_230 = tpu.memref_squeeze %dma_start3A_229 : memref<1x32x128xf32, #tpu.memory_space<hbm>> -> memref<32x128xf32, #tpu.memory_space<hbm>>
      tpu.enqueue_dma source(%arg9 : memref<32x128xf32, #tpu.memory_space<vmem>>) target(%dma_start3A_230 : memref<32x128xf32, #tpu.memory_space<hbm>>) target_semaphore(%run_scoped3A_224 : memref<!tpu.dma_semaphore, #tpu.memory_space<semaphore_mem>>)
      %dma_wait3A = arith.constant 0 : i32
      %dma_wait3A_231 = tpu.memref_slice %arg4[%arg0, %add3A_178, %dma_wait3A] : memref<2x10240x128xf32, #tpu.memory_space<hbm>> -> memref<1x32x128xf32, #tpu.memory_space<hbm>>
      %dma_wait3A_232 = tpu.memref_squeeze %dma_wait3A_231 : memref<1x32x128xf32, #tpu.memory_space<hbm>> -> memref<32x128xf32, #tpu.memory_space<hbm>>
      %dma_wait3A_233 = arith.constant 0 : i32
      %dma_wait3A_234 = tpu.memref_slice %arg4[%arg0, %add3A_178, %dma_wait3A_233] : memref<2x10240x128xf32, #tpu.memory_space<hbm>> -> memref<1x32x128xf32, #tpu.memory_space<hbm>>
      %dma_wait3A_235 = tpu.memref_squeeze %dma_wait3A_234 : memref<1x32x128xf32, #tpu.memory_space<hbm>> -> memref<32x128xf32, #tpu.memory_space<hbm>>
      tpu.wait_dma2 semaphore(%run_scoped3A_224 : memref<!tpu.dma_semaphore, #tpu.memory_space<semaphore_mem>>) src(%arg9 : memref<32x128xf32, #tpu.memory_space<vmem>>) dst(%dma_wait3A_235 : memref<32x128xf32, #tpu.memory_space<hbm>>)
      tpu.yield
    }) : () -> ()
    %mul3A_179 = arith.constant 640 : i32
    %mul3A_180 = arith.muli %arg1, %mul3A_179 : i32
    %add3A_181 = arith.constant 320 : i32
    %add3A_182 = arith.addi %mul3A_180, %add3A_181 : i32
    %multiple_of3A_183 = tpu.assume_multiple %add3A_182, 8 : i32
    "tpu.region"() ({
      %run_scoped3A_224 = tpu.sem_alloc : memref<!tpu.dma_semaphore, #tpu.memory_space<semaphore_mem>>
      %dma_start3A_225 = arith.constant 0 : i32
      %dma_start3A_226 = tpu.memref_slice %arg13[%multiple_of3A_183, %dma_start3A_225] : memref<10240x128xf32, #tpu.memory_space<vmem_shared>> -> memref<32x128xf32, #tpu.memory_space<vmem_shared>>
      %dma_start3A_227 = arith.constant 0 : i32
      %dma_start3A_228 = tpu.memref_slice %arg13[%multiple_of3A_183, %dma_start3A_227] : memref<10240x128xf32, #tpu.memory_space<vmem_shared>> -> memref<32x128xf32, #tpu.memory_space<vmem_shared>>
      tpu.enqueue_dma source(%dma_start3A_228 : memref<32x128xf32, #tpu.memory_space<vmem_shared>>) target(%arg8 : memref<32x128xf32, #tpu.memory_space<vmem>>) target_semaphore(%run_scoped3A_224 : memref<!tpu.dma_semaphore, #tpu.memory_space<semaphore_mem>>)
      %dma_wait3A = arith.constant 0 : i32
      %dma_wait3A_229 = tpu.memref_slice %arg13[%multiple_of3A_183, %dma_wait3A] : memref<10240x128xf32, #tpu.memory_space<vmem_shared>> -> memref<32x128xf32, #tpu.memory_space<vmem_shared>>
      %dma_wait3A_230 = arith.constant 0 : i32
      %dma_wait3A_231 = tpu.memref_slice %arg13[%multiple_of3A_183, %dma_wait3A_230] : memref<10240x128xf32, #tpu.memory_space<vmem_shared>> -> memref<32x128xf32, #tpu.memory_space<vmem_shared>>
      tpu.wait_dma2 semaphore(%run_scoped3A_224 : memref<!tpu.dma_semaphore, #tpu.memory_space<semaphore_mem>>) src(%dma_wait3A_231 : memref<32x128xf32, #tpu.memory_space<vmem_shared>>) dst(%arg8 : memref<32x128xf32, #tpu.memory_space<vmem>>)
      tpu.yield
    }) : () -> ()
    %add3A_184 = arith.constant 32 : i32
    %add3A_185 = arith.addi %multiple_of3A_183, %add3A_184 : i32
    "tpu.region"() ({
      %run_scoped3A_224 = tpu.sem_alloc : memref<!tpu.dma_semaphore, #tpu.memory_space<semaphore_mem>>
      %dma_start3A_225 = arith.constant 0 : i32
      %dma_start3A_226 = tpu.memref_slice %arg13[%add3A_185, %dma_start3A_225] : memref<10240x128xf32, #tpu.memory_space<vmem_shared>> -> memref<32x128xf32, #tpu.memory_space<vmem_shared>>
      %dma_start3A_227 = arith.constant 0 : i32
      %dma_start3A_228 = tpu.memref_slice %arg13[%add3A_185, %dma_start3A_227] : memref<10240x128xf32, #tpu.memory_space<vmem_shared>> -> memref<32x128xf32, #tpu.memory_space<vmem_shared>>
      tpu.enqueue_dma source(%dma_start3A_228 : memref<32x128xf32, #tpu.memory_space<vmem_shared>>) target(%arg9 : memref<32x128xf32, #tpu.memory_space<vmem>>) target_semaphore(%run_scoped3A_224 : memref<!tpu.dma_semaphore, #tpu.memory_space<semaphore_mem>>)
      %dma_wait3A = arith.constant 0 : i32
      %dma_wait3A_229 = tpu.memref_slice %arg13[%add3A_185, %dma_wait3A] : memref<10240x128xf32, #tpu.memory_space<vmem_shared>> -> memref<32x128xf32, #tpu.memory_space<vmem_shared>>
      %dma_wait3A_230 = arith.constant 0 : i32
      %dma_wait3A_231 = tpu.memref_slice %arg13[%add3A_185, %dma_wait3A_230] : memref<10240x128xf32, #tpu.memory_space<vmem_shared>> -> memref<32x128xf32, #tpu.memory_space<vmem_shared>>
      tpu.wait_dma2 semaphore(%run_scoped3A_224 : memref<!tpu.dma_semaphore, #tpu.memory_space<semaphore_mem>>) src(%dma_wait3A_231 : memref<32x128xf32, #tpu.memory_space<vmem_shared>>) dst(%arg9 : memref<32x128xf32, #tpu.memory_space<vmem>>)
      tpu.yield
    }) : () -> ()
    "tpu.region"() ({
      %run_scoped3A_224 = tpu.sem_alloc : memref<!tpu.dma_semaphore, #tpu.memory_space<semaphore_mem>>
      %dma_start3A_225 = arith.constant 0 : i32
      %dma_start3A_226 = tpu.memref_slice %arg4[%arg0, %multiple_of3A_183, %dma_start3A_225] : memref<2x10240x128xf32, #tpu.memory_space<hbm>> -> memref<1x32x128xf32, #tpu.memory_space<hbm>>
      %dma_start3A_227 = tpu.memref_squeeze %dma_start3A_226 : memref<1x32x128xf32, #tpu.memory_space<hbm>> -> memref<32x128xf32, #tpu.memory_space<hbm>>
      %dma_start3A_228 = arith.constant 0 : i32
      %dma_start3A_229 = tpu.memref_slice %arg4[%arg0, %multiple_of3A_183, %dma_start3A_228] : memref<2x10240x128xf32, #tpu.memory_space<hbm>> -> memref<1x32x128xf32, #tpu.memory_space<hbm>>
      %dma_start3A_230 = tpu.memref_squeeze %dma_start3A_229 : memref<1x32x128xf32, #tpu.memory_space<hbm>> -> memref<32x128xf32, #tpu.memory_space<hbm>>
      tpu.enqueue_dma source(%arg8 : memref<32x128xf32, #tpu.memory_space<vmem>>) target(%dma_start3A_230 : memref<32x128xf32, #tpu.memory_space<hbm>>) target_semaphore(%run_scoped3A_224 : memref<!tpu.dma_semaphore, #tpu.memory_space<semaphore_mem>>)
      %dma_wait3A = arith.constant 0 : i32
      %dma_wait3A_231 = tpu.memref_slice %arg4[%arg0, %multiple_of3A_183, %dma_wait3A] : memref<2x10240x128xf32, #tpu.memory_space<hbm>> -> memref<1x32x128xf32, #tpu.memory_space<hbm>>
      %dma_wait3A_232 = tpu.memref_squeeze %dma_wait3A_231 : memref<1x32x128xf32, #tpu.memory_space<hbm>> -> memref<32x128xf32, #tpu.memory_space<hbm>>
      %dma_wait3A_233 = arith.constant 0 : i32
      %dma_wait3A_234 = tpu.memref_slice %arg4[%arg0, %multiple_of3A_183, %dma_wait3A_233] : memref<2x10240x128xf32, #tpu.memory_space<hbm>> -> memref<1x32x128xf32, #tpu.memory_space<hbm>>
      %dma_wait3A_235 = tpu.memref_squeeze %dma_wait3A_234 : memref<1x32x128xf32, #tpu.memory_space<hbm>> -> memref<32x128xf32, #tpu.memory_space<hbm>>
      tpu.wait_dma2 semaphore(%run_scoped3A_224 : memref<!tpu.dma_semaphore, #tpu.memory_space<semaphore_mem>>) src(%arg8 : memref<32x128xf32, #tpu.memory_space<vmem>>) dst(%dma_wait3A_235 : memref<32x128xf32, #tpu.memory_space<hbm>>)
      tpu.yield
    }) : () -> ()
    %add3A_186 = arith.constant 32 : i32
    %add3A_187 = arith.addi %multiple_of3A_183, %add3A_186 : i32
    "tpu.region"() ({
      %run_scoped3A_224 = tpu.sem_alloc : memref<!tpu.dma_semaphore, #tpu.memory_space<semaphore_mem>>
      %dma_start3A_225 = arith.constant 0 : i32
      %dma_start3A_226 = tpu.memref_slice %arg4[%arg0, %add3A_187, %dma_start3A_225] : memref<2x10240x128xf32, #tpu.memory_space<hbm>> -> memref<1x32x128xf32, #tpu.memory_space<hbm>>
      %dma_start3A_227 = tpu.memref_squeeze %dma_start3A_226 : memref<1x32x128xf32, #tpu.memory_space<hbm>> -> memref<32x128xf32, #tpu.memory_space<hbm>>
      %dma_start3A_228 = arith.constant 0 : i32
      %dma_start3A_229 = tpu.memref_slice %arg4[%arg0, %add3A_187, %dma_start3A_228] : memref<2x10240x128xf32, #tpu.memory_space<hbm>> -> memref<1x32x128xf32, #tpu.memory_space<hbm>>
      %dma_start3A_230 = tpu.memref_squeeze %dma_start3A_229 : memref<1x32x128xf32, #tpu.memory_space<hbm>> -> memref<32x128xf32, #tpu.memory_space<hbm>>
      tpu.enqueue_dma source(%arg9 : memref<32x128xf32, #tpu.memory_space<vmem>>) target(%dma_start3A_230 : memref<32x128xf32, #tpu.memory_space<hbm>>) target_semaphore(%run_scoped3A_224 : memref<!tpu.dma_semaphore, #tpu.memory_space<semaphore_mem>>)
      %dma_wait3A = arith.constant 0 : i32
      %dma_wait3A_231 = tpu.memref_slice %arg4[%arg0, %add3A_187, %dma_wait3A] : memref<2x10240x128xf32, #tpu.memory_space<hbm>> -> memref<1x32x128xf32, #tpu.memory_space<hbm>>
      %dma_wait3A_232 = tpu.memref_squeeze %dma_wait3A_231 : memref<1x32x128xf32, #tpu.memory_space<hbm>> -> memref<32x128xf32, #tpu.memory_space<hbm>>
      %dma_wait3A_233 = arith.constant 0 : i32
      %dma_wait3A_234 = tpu.memref_slice %arg4[%arg0, %add3A_187, %dma_wait3A_233] : memref<2x10240x128xf32, #tpu.memory_space<hbm>> -> memref<1x32x128xf32, #tpu.memory_space<hbm>>
      %dma_wait3A_235 = tpu.memref_squeeze %dma_wait3A_234 : memref<1x32x128xf32, #tpu.memory_space<hbm>> -> memref<32x128xf32, #tpu.memory_space<hbm>>
      tpu.wait_dma2 semaphore(%run_scoped3A_224 : memref<!tpu.dma_semaphore, #tpu.memory_space<semaphore_mem>>) src(%arg9 : memref<32x128xf32, #tpu.memory_space<vmem>>) dst(%dma_wait3A_235 : memref<32x128xf32, #tpu.memory_space<hbm>>)
      tpu.yield
    }) : () -> ()
    %mul3A_188 = arith.constant 640 : i32
    %mul3A_189 = arith.muli %arg1, %mul3A_188 : i32
    %add3A_190 = arith.constant 384 : i32
    %add3A_191 = arith.addi %mul3A_189, %add3A_190 : i32
    %multiple_of3A_192 = tpu.assume_multiple %add3A_191, 8 : i32
    "tpu.region"() ({
      %run_scoped3A_224 = tpu.sem_alloc : memref<!tpu.dma_semaphore, #tpu.memory_space<semaphore_mem>>
      %dma_start3A_225 = arith.constant 0 : i32
      %dma_start3A_226 = tpu.memref_slice %arg13[%multiple_of3A_192, %dma_start3A_225] : memref<10240x128xf32, #tpu.memory_space<vmem_shared>> -> memref<32x128xf32, #tpu.memory_space<vmem_shared>>
      %dma_start3A_227 = arith.constant 0 : i32
      %dma_start3A_228 = tpu.memref_slice %arg13[%multiple_of3A_192, %dma_start3A_227] : memref<10240x128xf32, #tpu.memory_space<vmem_shared>> -> memref<32x128xf32, #tpu.memory_space<vmem_shared>>
      tpu.enqueue_dma source(%dma_start3A_228 : memref<32x128xf32, #tpu.memory_space<vmem_shared>>) target(%arg8 : memref<32x128xf32, #tpu.memory_space<vmem>>) target_semaphore(%run_scoped3A_224 : memref<!tpu.dma_semaphore, #tpu.memory_space<semaphore_mem>>)
      %dma_wait3A = arith.constant 0 : i32
      %dma_wait3A_229 = tpu.memref_slice %arg13[%multiple_of3A_192, %dma_wait3A] : memref<10240x128xf32, #tpu.memory_space<vmem_shared>> -> memref<32x128xf32, #tpu.memory_space<vmem_shared>>
      %dma_wait3A_230 = arith.constant 0 : i32
      %dma_wait3A_231 = tpu.memref_slice %arg13[%multiple_of3A_192, %dma_wait3A_230] : memref<10240x128xf32, #tpu.memory_space<vmem_shared>> -> memref<32x128xf32, #tpu.memory_space<vmem_shared>>
      tpu.wait_dma2 semaphore(%run_scoped3A_224 : memref<!tpu.dma_semaphore, #tpu.memory_space<semaphore_mem>>) src(%dma_wait3A_231 : memref<32x128xf32, #tpu.memory_space<vmem_shared>>) dst(%arg8 : memref<32x128xf32, #tpu.memory_space<vmem>>)
      tpu.yield
    }) : () -> ()
    %add3A_193 = arith.constant 32 : i32
    %add3A_194 = arith.addi %multiple_of3A_192, %add3A_193 : i32
    "tpu.region"() ({
      %run_scoped3A_224 = tpu.sem_alloc : memref<!tpu.dma_semaphore, #tpu.memory_space<semaphore_mem>>
      %dma_start3A_225 = arith.constant 0 : i32
      %dma_start3A_226 = tpu.memref_slice %arg13[%add3A_194, %dma_start3A_225] : memref<10240x128xf32, #tpu.memory_space<vmem_shared>> -> memref<32x128xf32, #tpu.memory_space<vmem_shared>>
      %dma_start3A_227 = arith.constant 0 : i32
      %dma_start3A_228 = tpu.memref_slice %arg13[%add3A_194, %dma_start3A_227] : memref<10240x128xf32, #tpu.memory_space<vmem_shared>> -> memref<32x128xf32, #tpu.memory_space<vmem_shared>>
      tpu.enqueue_dma source(%dma_start3A_228 : memref<32x128xf32, #tpu.memory_space<vmem_shared>>) target(%arg9 : memref<32x128xf32, #tpu.memory_space<vmem>>) target_semaphore(%run_scoped3A_224 : memref<!tpu.dma_semaphore, #tpu.memory_space<semaphore_mem>>)
      %dma_wait3A = arith.constant 0 : i32
      %dma_wait3A_229 = tpu.memref_slice %arg13[%add3A_194, %dma_wait3A] : memref<10240x128xf32, #tpu.memory_space<vmem_shared>> -> memref<32x128xf32, #tpu.memory_space<vmem_shared>>
      %dma_wait3A_230 = arith.constant 0 : i32
      %dma_wait3A_231 = tpu.memref_slice %arg13[%add3A_194, %dma_wait3A_230] : memref<10240x128xf32, #tpu.memory_space<vmem_shared>> -> memref<32x128xf32, #tpu.memory_space<vmem_shared>>
      tpu.wait_dma2 semaphore(%run_scoped3A_224 : memref<!tpu.dma_semaphore, #tpu.memory_space<semaphore_mem>>) src(%dma_wait3A_231 : memref<32x128xf32, #tpu.memory_space<vmem_shared>>) dst(%arg9 : memref<32x128xf32, #tpu.memory_space<vmem>>)
      tpu.yield
    }) : () -> ()
    "tpu.region"() ({
      %run_scoped3A_224 = tpu.sem_alloc : memref<!tpu.dma_semaphore, #tpu.memory_space<semaphore_mem>>
      %dma_start3A_225 = arith.constant 0 : i32
      %dma_start3A_226 = tpu.memref_slice %arg4[%arg0, %multiple_of3A_192, %dma_start3A_225] : memref<2x10240x128xf32, #tpu.memory_space<hbm>> -> memref<1x32x128xf32, #tpu.memory_space<hbm>>
      %dma_start3A_227 = tpu.memref_squeeze %dma_start3A_226 : memref<1x32x128xf32, #tpu.memory_space<hbm>> -> memref<32x128xf32, #tpu.memory_space<hbm>>
      %dma_start3A_228 = arith.constant 0 : i32
      %dma_start3A_229 = tpu.memref_slice %arg4[%arg0, %multiple_of3A_192, %dma_start3A_228] : memref<2x10240x128xf32, #tpu.memory_space<hbm>> -> memref<1x32x128xf32, #tpu.memory_space<hbm>>
      %dma_start3A_230 = tpu.memref_squeeze %dma_start3A_229 : memref<1x32x128xf32, #tpu.memory_space<hbm>> -> memref<32x128xf32, #tpu.memory_space<hbm>>
      tpu.enqueue_dma source(%arg8 : memref<32x128xf32, #tpu.memory_space<vmem>>) target(%dma_start3A_230 : memref<32x128xf32, #tpu.memory_space<hbm>>) target_semaphore(%run_scoped3A_224 : memref<!tpu.dma_semaphore, #tpu.memory_space<semaphore_mem>>)
      %dma_wait3A = arith.constant 0 : i32
      %dma_wait3A_231 = tpu.memref_slice %arg4[%arg0, %multiple_of3A_192, %dma_wait3A] : memref<2x10240x128xf32, #tpu.memory_space<hbm>> -> memref<1x32x128xf32, #tpu.memory_space<hbm>>
      %dma_wait3A_232 = tpu.memref_squeeze %dma_wait3A_231 : memref<1x32x128xf32, #tpu.memory_space<hbm>> -> memref<32x128xf32, #tpu.memory_space<hbm>>
      %dma_wait3A_233 = arith.constant 0 : i32
      %dma_wait3A_234 = tpu.memref_slice %arg4[%arg0, %multiple_of3A_192, %dma_wait3A_233] : memref<2x10240x128xf32, #tpu.memory_space<hbm>> -> memref<1x32x128xf32, #tpu.memory_space<hbm>>
      %dma_wait3A_235 = tpu.memref_squeeze %dma_wait3A_234 : memref<1x32x128xf32, #tpu.memory_space<hbm>> -> memref<32x128xf32, #tpu.memory_space<hbm>>
      tpu.wait_dma2 semaphore(%run_scoped3A_224 : memref<!tpu.dma_semaphore, #tpu.memory_space<semaphore_mem>>) src(%arg8 : memref<32x128xf32, #tpu.memory_space<vmem>>) dst(%dma_wait3A_235 : memref<32x128xf32, #tpu.memory_space<hbm>>)
      tpu.yield
    }) : () -> ()
    %add3A_195 = arith.constant 32 : i32
    %add3A_196 = arith.addi %multiple_of3A_192, %add3A_195 : i32
    "tpu.region"() ({
      %run_scoped3A_224 = tpu.sem_alloc : memref<!tpu.dma_semaphore, #tpu.memory_space<semaphore_mem>>
      %dma_start3A_225 = arith.constant 0 : i32
      %dma_start3A_226 = tpu.memref_slice %arg4[%arg0, %add3A_196, %dma_start3A_225] : memref<2x10240x128xf32, #tpu.memory_space<hbm>> -> memref<1x32x128xf32, #tpu.memory_space<hbm>>
      %dma_start3A_227 = tpu.memref_squeeze %dma_start3A_226 : memref<1x32x128xf32, #tpu.memory_space<hbm>> -> memref<32x128xf32, #tpu.memory_space<hbm>>
      %dma_start3A_228 = arith.constant 0 : i32
      %dma_start3A_229 = tpu.memref_slice %arg4[%arg0, %add3A_196, %dma_start3A_228] : memref<2x10240x128xf32, #tpu.memory_space<hbm>> -> memref<1x32x128xf32, #tpu.memory_space<hbm>>
      %dma_start3A_230 = tpu.memref_squeeze %dma_start3A_229 : memref<1x32x128xf32, #tpu.memory_space<hbm>> -> memref<32x128xf32, #tpu.memory_space<hbm>>
      tpu.enqueue_dma source(%arg9 : memref<32x128xf32, #tpu.memory_space<vmem>>) target(%dma_start3A_230 : memref<32x128xf32, #tpu.memory_space<hbm>>) target_semaphore(%run_scoped3A_224 : memref<!tpu.dma_semaphore, #tpu.memory_space<semaphore_mem>>)
      %dma_wait3A = arith.constant 0 : i32
      %dma_wait3A_231 = tpu.memref_slice %arg4[%arg0, %add3A_196, %dma_wait3A] : memref<2x10240x128xf32, #tpu.memory_space<hbm>> -> memref<1x32x128xf32, #tpu.memory_space<hbm>>
      %dma_wait3A_232 = tpu.memref_squeeze %dma_wait3A_231 : memref<1x32x128xf32, #tpu.memory_space<hbm>> -> memref<32x128xf32, #tpu.memory_space<hbm>>
      %dma_wait3A_233 = arith.constant 0 : i32
      %dma_wait3A_234 = tpu.memref_slice %arg4[%arg0, %add3A_196, %dma_wait3A_233] : memref<2x10240x128xf32, #tpu.memory_space<hbm>> -> memref<1x32x128xf32, #tpu.memory_space<hbm>>
      %dma_wait3A_235 = tpu.memref_squeeze %dma_wait3A_234 : memref<1x32x128xf32, #tpu.memory_space<hbm>> -> memref<32x128xf32, #tpu.memory_space<hbm>>
      tpu.wait_dma2 semaphore(%run_scoped3A_224 : memref<!tpu.dma_semaphore, #tpu.memory_space<semaphore_mem>>) src(%arg9 : memref<32x128xf32, #tpu.memory_space<vmem>>) dst(%dma_wait3A_235 : memref<32x128xf32, #tpu.memory_space<hbm>>)
      tpu.yield
    }) : () -> ()
    %mul3A_197 = arith.constant 640 : i32
    %mul3A_198 = arith.muli %arg1, %mul3A_197 : i32
    %add3A_199 = arith.constant 448 : i32
    %add3A_200 = arith.addi %mul3A_198, %add3A_199 : i32
    %multiple_of3A_201 = tpu.assume_multiple %add3A_200, 8 : i32
    "tpu.region"() ({
      %run_scoped3A_224 = tpu.sem_alloc : memref<!tpu.dma_semaphore, #tpu.memory_space<semaphore_mem>>
      %dma_start3A_225 = arith.constant 0 : i32
      %dma_start3A_226 = tpu.memref_slice %arg13[%multiple_of3A_201, %dma_start3A_225] : memref<10240x128xf32, #tpu.memory_space<vmem_shared>> -> memref<32x128xf32, #tpu.memory_space<vmem_shared>>
      %dma_start3A_227 = arith.constant 0 : i32
      %dma_start3A_228 = tpu.memref_slice %arg13[%multiple_of3A_201, %dma_start3A_227] : memref<10240x128xf32, #tpu.memory_space<vmem_shared>> -> memref<32x128xf32, #tpu.memory_space<vmem_shared>>
      tpu.enqueue_dma source(%dma_start3A_228 : memref<32x128xf32, #tpu.memory_space<vmem_shared>>) target(%arg8 : memref<32x128xf32, #tpu.memory_space<vmem>>) target_semaphore(%run_scoped3A_224 : memref<!tpu.dma_semaphore, #tpu.memory_space<semaphore_mem>>)
      %dma_wait3A = arith.constant 0 : i32
      %dma_wait3A_229 = tpu.memref_slice %arg13[%multiple_of3A_201, %dma_wait3A] : memref<10240x128xf32, #tpu.memory_space<vmem_shared>> -> memref<32x128xf32, #tpu.memory_space<vmem_shared>>
      %dma_wait3A_230 = arith.constant 0 : i32
      %dma_wait3A_231 = tpu.memref_slice %arg13[%multiple_of3A_201, %dma_wait3A_230] : memref<10240x128xf32, #tpu.memory_space<vmem_shared>> -> memref<32x128xf32, #tpu.memory_space<vmem_shared>>
      tpu.wait_dma2 semaphore(%run_scoped3A_224 : memref<!tpu.dma_semaphore, #tpu.memory_space<semaphore_mem>>) src(%dma_wait3A_231 : memref<32x128xf32, #tpu.memory_space<vmem_shared>>) dst(%arg8 : memref<32x128xf32, #tpu.memory_space<vmem>>)
      tpu.yield
    }) : () -> ()
    %add3A_202 = arith.constant 32 : i32
    %add3A_203 = arith.addi %multiple_of3A_201, %add3A_202 : i32
    "tpu.region"() ({
      %run_scoped3A_224 = tpu.sem_alloc : memref<!tpu.dma_semaphore, #tpu.memory_space<semaphore_mem>>
      %dma_start3A_225 = arith.constant 0 : i32
      %dma_start3A_226 = tpu.memref_slice %arg13[%add3A_203, %dma_start3A_225] : memref<10240x128xf32, #tpu.memory_space<vmem_shared>> -> memref<32x128xf32, #tpu.memory_space<vmem_shared>>
      %dma_start3A_227 = arith.constant 0 : i32
      %dma_start3A_228 = tpu.memref_slice %arg13[%add3A_203, %dma_start3A_227] : memref<10240x128xf32, #tpu.memory_space<vmem_shared>> -> memref<32x128xf32, #tpu.memory_space<vmem_shared>>
      tpu.enqueue_dma source(%dma_start3A_228 : memref<32x128xf32, #tpu.memory_space<vmem_shared>>) target(%arg9 : memref<32x128xf32, #tpu.memory_space<vmem>>) target_semaphore(%run_scoped3A_224 : memref<!tpu.dma_semaphore, #tpu.memory_space<semaphore_mem>>)
      %dma_wait3A = arith.constant 0 : i32
      %dma_wait3A_229 = tpu.memref_slice %arg13[%add3A_203, %dma_wait3A] : memref<10240x128xf32, #tpu.memory_space<vmem_shared>> -> memref<32x128xf32, #tpu.memory_space<vmem_shared>>
      %dma_wait3A_230 = arith.constant 0 : i32
      %dma_wait3A_231 = tpu.memref_slice %arg13[%add3A_203, %dma_wait3A_230] : memref<10240x128xf32, #tpu.memory_space<vmem_shared>> -> memref<32x128xf32, #tpu.memory_space<vmem_shared>>
      tpu.wait_dma2 semaphore(%run_scoped3A_224 : memref<!tpu.dma_semaphore, #tpu.memory_space<semaphore_mem>>) src(%dma_wait3A_231 : memref<32x128xf32, #tpu.memory_space<vmem_shared>>) dst(%arg9 : memref<32x128xf32, #tpu.memory_space<vmem>>)
      tpu.yield
    }) : () -> ()
    "tpu.region"() ({
      %run_scoped3A_224 = tpu.sem_alloc : memref<!tpu.dma_semaphore, #tpu.memory_space<semaphore_mem>>
      %dma_start3A_225 = arith.constant 0 : i32
      %dma_start3A_226 = tpu.memref_slice %arg4[%arg0, %multiple_of3A_201, %dma_start3A_225] : memref<2x10240x128xf32, #tpu.memory_space<hbm>> -> memref<1x32x128xf32, #tpu.memory_space<hbm>>
      %dma_start3A_227 = tpu.memref_squeeze %dma_start3A_226 : memref<1x32x128xf32, #tpu.memory_space<hbm>> -> memref<32x128xf32, #tpu.memory_space<hbm>>
      %dma_start3A_228 = arith.constant 0 : i32
      %dma_start3A_229 = tpu.memref_slice %arg4[%arg0, %multiple_of3A_201, %dma_start3A_228] : memref<2x10240x128xf32, #tpu.memory_space<hbm>> -> memref<1x32x128xf32, #tpu.memory_space<hbm>>
      %dma_start3A_230 = tpu.memref_squeeze %dma_start3A_229 : memref<1x32x128xf32, #tpu.memory_space<hbm>> -> memref<32x128xf32, #tpu.memory_space<hbm>>
      tpu.enqueue_dma source(%arg8 : memref<32x128xf32, #tpu.memory_space<vmem>>) target(%dma_start3A_230 : memref<32x128xf32, #tpu.memory_space<hbm>>) target_semaphore(%run_scoped3A_224 : memref<!tpu.dma_semaphore, #tpu.memory_space<semaphore_mem>>)
      %dma_wait3A = arith.constant 0 : i32
      %dma_wait3A_231 = tpu.memref_slice %arg4[%arg0, %multiple_of3A_201, %dma_wait3A] : memref<2x10240x128xf32, #tpu.memory_space<hbm>> -> memref<1x32x128xf32, #tpu.memory_space<hbm>>
      %dma_wait3A_232 = tpu.memref_squeeze %dma_wait3A_231 : memref<1x32x128xf32, #tpu.memory_space<hbm>> -> memref<32x128xf32, #tpu.memory_space<hbm>>
      %dma_wait3A_233 = arith.constant 0 : i32
      %dma_wait3A_234 = tpu.memref_slice %arg4[%arg0, %multiple_of3A_201, %dma_wait3A_233] : memref<2x10240x128xf32, #tpu.memory_space<hbm>> -> memref<1x32x128xf32, #tpu.memory_space<hbm>>
      %dma_wait3A_235 = tpu.memref_squeeze %dma_wait3A_234 : memref<1x32x128xf32, #tpu.memory_space<hbm>> -> memref<32x128xf32, #tpu.memory_space<hbm>>
      tpu.wait_dma2 semaphore(%run_scoped3A_224 : memref<!tpu.dma_semaphore, #tpu.memory_space<semaphore_mem>>) src(%arg8 : memref<32x128xf32, #tpu.memory_space<vmem>>) dst(%dma_wait3A_235 : memref<32x128xf32, #tpu.memory_space<hbm>>)
      tpu.yield
    }) : () -> ()
    %add3A_204 = arith.constant 32 : i32
    %add3A_205 = arith.addi %multiple_of3A_201, %add3A_204 : i32
    "tpu.region"() ({
      %run_scoped3A_224 = tpu.sem_alloc : memref<!tpu.dma_semaphore, #tpu.memory_space<semaphore_mem>>
      %dma_start3A_225 = arith.constant 0 : i32
      %dma_start3A_226 = tpu.memref_slice %arg4[%arg0, %add3A_205, %dma_start3A_225] : memref<2x10240x128xf32, #tpu.memory_space<hbm>> -> memref<1x32x128xf32, #tpu.memory_space<hbm>>
      %dma_start3A_227 = tpu.memref_squeeze %dma_start3A_226 : memref<1x32x128xf32, #tpu.memory_space<hbm>> -> memref<32x128xf32, #tpu.memory_space<hbm>>
      %dma_start3A_228 = arith.constant 0 : i32
      %dma_start3A_229 = tpu.memref_slice %arg4[%arg0, %add3A_205, %dma_start3A_228] : memref<2x10240x128xf32, #tpu.memory_space<hbm>> -> memref<1x32x128xf32, #tpu.memory_space<hbm>>
      %dma_start3A_230 = tpu.memref_squeeze %dma_start3A_229 : memref<1x32x128xf32, #tpu.memory_space<hbm>> -> memref<32x128xf32, #tpu.memory_space<hbm>>
      tpu.enqueue_dma source(%arg9 : memref<32x128xf32, #tpu.memory_space<vmem>>) target(%dma_start3A_230 : memref<32x128xf32, #tpu.memory_space<hbm>>) target_semaphore(%run_scoped3A_224 : memref<!tpu.dma_semaphore, #tpu.memory_space<semaphore_mem>>)
      %dma_wait3A = arith.constant 0 : i32
      %dma_wait3A_231 = tpu.memref_slice %arg4[%arg0, %add3A_205, %dma_wait3A] : memref<2x10240x128xf32, #tpu.memory_space<hbm>> -> memref<1x32x128xf32, #tpu.memory_space<hbm>>
      %dma_wait3A_232 = tpu.memref_squeeze %dma_wait3A_231 : memref<1x32x128xf32, #tpu.memory_space<hbm>> -> memref<32x128xf32, #tpu.memory_space<hbm>>
      %dma_wait3A_233 = arith.constant 0 : i32
      %dma_wait3A_234 = tpu.memref_slice %arg4[%arg0, %add3A_205, %dma_wait3A_233] : memref<2x10240x128xf32, #tpu.memory_space<hbm>> -> memref<1x32x128xf32, #tpu.memory_space<hbm>>
      %dma_wait3A_235 = tpu.memref_squeeze %dma_wait3A_234 : memref<1x32x128xf32, #tpu.memory_space<hbm>> -> memref<32x128xf32, #tpu.memory_space<hbm>>
      tpu.wait_dma2 semaphore(%run_scoped3A_224 : memref<!tpu.dma_semaphore, #tpu.memory_space<semaphore_mem>>) src(%arg9 : memref<32x128xf32, #tpu.memory_space<vmem>>) dst(%dma_wait3A_235 : memref<32x128xf32, #tpu.memory_space<hbm>>)
      tpu.yield
    }) : () -> ()
    %mul3A_206 = arith.constant 640 : i32
    %mul3A_207 = arith.muli %arg1, %mul3A_206 : i32
    %add3A_208 = arith.constant 512 : i32
    %add3A_209 = arith.addi %mul3A_207, %add3A_208 : i32
    %multiple_of3A_210 = tpu.assume_multiple %add3A_209, 8 : i32
    "tpu.region"() ({
      %run_scoped3A_224 = tpu.sem_alloc : memref<!tpu.dma_semaphore, #tpu.memory_space<semaphore_mem>>
      %dma_start3A_225 = arith.constant 0 : i32
      %dma_start3A_226 = tpu.memref_slice %arg13[%multiple_of3A_210, %dma_start3A_225] : memref<10240x128xf32, #tpu.memory_space<vmem_shared>> -> memref<32x128xf32, #tpu.memory_space<vmem_shared>>
      %dma_start3A_227 = arith.constant 0 : i32
      %dma_start3A_228 = tpu.memref_slice %arg13[%multiple_of3A_210, %dma_start3A_227] : memref<10240x128xf32, #tpu.memory_space<vmem_shared>> -> memref<32x128xf32, #tpu.memory_space<vmem_shared>>
      tpu.enqueue_dma source(%dma_start3A_228 : memref<32x128xf32, #tpu.memory_space<vmem_shared>>) target(%arg8 : memref<32x128xf32, #tpu.memory_space<vmem>>) target_semaphore(%run_scoped3A_224 : memref<!tpu.dma_semaphore, #tpu.memory_space<semaphore_mem>>)
      %dma_wait3A = arith.constant 0 : i32
      %dma_wait3A_229 = tpu.memref_slice %arg13[%multiple_of3A_210, %dma_wait3A] : memref<10240x128xf32, #tpu.memory_space<vmem_shared>> -> memref<32x128xf32, #tpu.memory_space<vmem_shared>>
      %dma_wait3A_230 = arith.constant 0 : i32
      %dma_wait3A_231 = tpu.memref_slice %arg13[%multiple_of3A_210, %dma_wait3A_230] : memref<10240x128xf32, #tpu.memory_space<vmem_shared>> -> memref<32x128xf32, #tpu.memory_space<vmem_shared>>
      tpu.wait_dma2 semaphore(%run_scoped3A_224 : memref<!tpu.dma_semaphore, #tpu.memory_space<semaphore_mem>>) src(%dma_wait3A_231 : memref<32x128xf32, #tpu.memory_space<vmem_shared>>) dst(%arg8 : memref<32x128xf32, #tpu.memory_space<vmem>>)
      tpu.yield
    }) : () -> ()
    %add3A_211 = arith.constant 32 : i32
    %add3A_212 = arith.addi %multiple_of3A_210, %add3A_211 : i32
    "tpu.region"() ({
      %run_scoped3A_224 = tpu.sem_alloc : memref<!tpu.dma_semaphore, #tpu.memory_space<semaphore_mem>>
      %dma_start3A_225 = arith.constant 0 : i32
      %dma_start3A_226 = tpu.memref_slice %arg13[%add3A_212, %dma_start3A_225] : memref<10240x128xf32, #tpu.memory_space<vmem_shared>> -> memref<32x128xf32, #tpu.memory_space<vmem_shared>>
      %dma_start3A_227 = arith.constant 0 : i32
      %dma_start3A_228 = tpu.memref_slice %arg13[%add3A_212, %dma_start3A_227] : memref<10240x128xf32, #tpu.memory_space<vmem_shared>> -> memref<32x128xf32, #tpu.memory_space<vmem_shared>>
      tpu.enqueue_dma source(%dma_start3A_228 : memref<32x128xf32, #tpu.memory_space<vmem_shared>>) target(%arg9 : memref<32x128xf32, #tpu.memory_space<vmem>>) target_semaphore(%run_scoped3A_224 : memref<!tpu.dma_semaphore, #tpu.memory_space<semaphore_mem>>)
      %dma_wait3A = arith.constant 0 : i32
      %dma_wait3A_229 = tpu.memref_slice %arg13[%add3A_212, %dma_wait3A] : memref<10240x128xf32, #tpu.memory_space<vmem_shared>> -> memref<32x128xf32, #tpu.memory_space<vmem_shared>>
      %dma_wait3A_230 = arith.constant 0 : i32
      %dma_wait3A_231 = tpu.memref_slice %arg13[%add3A_212, %dma_wait3A_230] : memref<10240x128xf32, #tpu.memory_space<vmem_shared>> -> memref<32x128xf32, #tpu.memory_space<vmem_shared>>
      tpu.wait_dma2 semaphore(%run_scoped3A_224 : memref<!tpu.dma_semaphore, #tpu.memory_space<semaphore_mem>>) src(%dma_wait3A_231 : memref<32x128xf32, #tpu.memory_space<vmem_shared>>) dst(%arg9 : memref<32x128xf32, #tpu.memory_space<vmem>>)
      tpu.yield
    }) : () -> ()
    "tpu.region"() ({
      %run_scoped3A_224 = tpu.sem_alloc : memref<!tpu.dma_semaphore, #tpu.memory_space<semaphore_mem>>
      %dma_start3A_225 = arith.constant 0 : i32
      %dma_start3A_226 = tpu.memref_slice %arg4[%arg0, %multiple_of3A_210, %dma_start3A_225] : memref<2x10240x128xf32, #tpu.memory_space<hbm>> -> memref<1x32x128xf32, #tpu.memory_space<hbm>>
      %dma_start3A_227 = tpu.memref_squeeze %dma_start3A_226 : memref<1x32x128xf32, #tpu.memory_space<hbm>> -> memref<32x128xf32, #tpu.memory_space<hbm>>
      %dma_start3A_228 = arith.constant 0 : i32
      %dma_start3A_229 = tpu.memref_slice %arg4[%arg0, %multiple_of3A_210, %dma_start3A_228] : memref<2x10240x128xf32, #tpu.memory_space<hbm>> -> memref<1x32x128xf32, #tpu.memory_space<hbm>>
      %dma_start3A_230 = tpu.memref_squeeze %dma_start3A_229 : memref<1x32x128xf32, #tpu.memory_space<hbm>> -> memref<32x128xf32, #tpu.memory_space<hbm>>
      tpu.enqueue_dma source(%arg8 : memref<32x128xf32, #tpu.memory_space<vmem>>) target(%dma_start3A_230 : memref<32x128xf32, #tpu.memory_space<hbm>>) target_semaphore(%run_scoped3A_224 : memref<!tpu.dma_semaphore, #tpu.memory_space<semaphore_mem>>)
      %dma_wait3A = arith.constant 0 : i32
      %dma_wait3A_231 = tpu.memref_slice %arg4[%arg0, %multiple_of3A_210, %dma_wait3A] : memref<2x10240x128xf32, #tpu.memory_space<hbm>> -> memref<1x32x128xf32, #tpu.memory_space<hbm>>
      %dma_wait3A_232 = tpu.memref_squeeze %dma_wait3A_231 : memref<1x32x128xf32, #tpu.memory_space<hbm>> -> memref<32x128xf32, #tpu.memory_space<hbm>>
      %dma_wait3A_233 = arith.constant 0 : i32
      %dma_wait3A_234 = tpu.memref_slice %arg4[%arg0, %multiple_of3A_210, %dma_wait3A_233] : memref<2x10240x128xf32, #tpu.memory_space<hbm>> -> memref<1x32x128xf32, #tpu.memory_space<hbm>>
      %dma_wait3A_235 = tpu.memref_squeeze %dma_wait3A_234 : memref<1x32x128xf32, #tpu.memory_space<hbm>> -> memref<32x128xf32, #tpu.memory_space<hbm>>
      tpu.wait_dma2 semaphore(%run_scoped3A_224 : memref<!tpu.dma_semaphore, #tpu.memory_space<semaphore_mem>>) src(%arg8 : memref<32x128xf32, #tpu.memory_space<vmem>>) dst(%dma_wait3A_235 : memref<32x128xf32, #tpu.memory_space<hbm>>)
      tpu.yield
    }) : () -> ()
    %add3A_213 = arith.constant 32 : i32
    %add3A_214 = arith.addi %multiple_of3A_210, %add3A_213 : i32
    "tpu.region"() ({
      %run_scoped3A_224 = tpu.sem_alloc : memref<!tpu.dma_semaphore, #tpu.memory_space<semaphore_mem>>
      %dma_start3A_225 = arith.constant 0 : i32
      %dma_start3A_226 = tpu.memref_slice %arg4[%arg0, %add3A_214, %dma_start3A_225] : memref<2x10240x128xf32, #tpu.memory_space<hbm>> -> memref<1x32x128xf32, #tpu.memory_space<hbm>>
      %dma_start3A_227 = tpu.memref_squeeze %dma_start3A_226 : memref<1x32x128xf32, #tpu.memory_space<hbm>> -> memref<32x128xf32, #tpu.memory_space<hbm>>
      %dma_start3A_228 = arith.constant 0 : i32
      %dma_start3A_229 = tpu.memref_slice %arg4[%arg0, %add3A_214, %dma_start3A_228] : memref<2x10240x128xf32, #tpu.memory_space<hbm>> -> memref<1x32x128xf32, #tpu.memory_space<hbm>>
      %dma_start3A_230 = tpu.memref_squeeze %dma_start3A_229 : memref<1x32x128xf32, #tpu.memory_space<hbm>> -> memref<32x128xf32, #tpu.memory_space<hbm>>
      tpu.enqueue_dma source(%arg9 : memref<32x128xf32, #tpu.memory_space<vmem>>) target(%dma_start3A_230 : memref<32x128xf32, #tpu.memory_space<hbm>>) target_semaphore(%run_scoped3A_224 : memref<!tpu.dma_semaphore, #tpu.memory_space<semaphore_mem>>)
      %dma_wait3A = arith.constant 0 : i32
      %dma_wait3A_231 = tpu.memref_slice %arg4[%arg0, %add3A_214, %dma_wait3A] : memref<2x10240x128xf32, #tpu.memory_space<hbm>> -> memref<1x32x128xf32, #tpu.memory_space<hbm>>
      %dma_wait3A_232 = tpu.memref_squeeze %dma_wait3A_231 : memref<1x32x128xf32, #tpu.memory_space<hbm>> -> memref<32x128xf32, #tpu.memory_space<hbm>>
      %dma_wait3A_233 = arith.constant 0 : i32
      %dma_wait3A_234 = tpu.memref_slice %arg4[%arg0, %add3A_214, %dma_wait3A_233] : memref<2x10240x128xf32, #tpu.memory_space<hbm>> -> memref<1x32x128xf32, #tpu.memory_space<hbm>>
      %dma_wait3A_235 = tpu.memref_squeeze %dma_wait3A_234 : memref<1x32x128xf32, #tpu.memory_space<hbm>> -> memref<32x128xf32, #tpu.memory_space<hbm>>
      tpu.wait_dma2 semaphore(%run_scoped3A_224 : memref<!tpu.dma_semaphore, #tpu.memory_space<semaphore_mem>>) src(%arg9 : memref<32x128xf32, #tpu.memory_space<vmem>>) dst(%dma_wait3A_235 : memref<32x128xf32, #tpu.memory_space<hbm>>)
      tpu.yield
    }) : () -> ()
    %mul3A_215 = arith.constant 640 : i32
    %mul3A_216 = arith.muli %arg1, %mul3A_215 : i32
    %add3A_217 = arith.constant 576 : i32
    %add3A_218 = arith.addi %mul3A_216, %add3A_217 : i32
    %multiple_of3A_219 = tpu.assume_multiple %add3A_218, 8 : i32
    "tpu.region"() ({
      %run_scoped3A_224 = tpu.sem_alloc : memref<!tpu.dma_semaphore, #tpu.memory_space<semaphore_mem>>
      %dma_start3A_225 = arith.constant 0 : i32
      %dma_start3A_226 = tpu.memref_slice %arg13[%multiple_of3A_219, %dma_start3A_225] : memref<10240x128xf32, #tpu.memory_space<vmem_shared>> -> memref<32x128xf32, #tpu.memory_space<vmem_shared>>
      %dma_start3A_227 = arith.constant 0 : i32
      %dma_start3A_228 = tpu.memref_slice %arg13[%multiple_of3A_219, %dma_start3A_227] : memref<10240x128xf32, #tpu.memory_space<vmem_shared>> -> memref<32x128xf32, #tpu.memory_space<vmem_shared>>
      tpu.enqueue_dma source(%dma_start3A_228 : memref<32x128xf32, #tpu.memory_space<vmem_shared>>) target(%arg8 : memref<32x128xf32, #tpu.memory_space<vmem>>) target_semaphore(%run_scoped3A_224 : memref<!tpu.dma_semaphore, #tpu.memory_space<semaphore_mem>>)
      %dma_wait3A = arith.constant 0 : i32
      %dma_wait3A_229 = tpu.memref_slice %arg13[%multiple_of3A_219, %dma_wait3A] : memref<10240x128xf32, #tpu.memory_space<vmem_shared>> -> memref<32x128xf32, #tpu.memory_space<vmem_shared>>
      %dma_wait3A_230 = arith.constant 0 : i32
      %dma_wait3A_231 = tpu.memref_slice %arg13[%multiple_of3A_219, %dma_wait3A_230] : memref<10240x128xf32, #tpu.memory_space<vmem_shared>> -> memref<32x128xf32, #tpu.memory_space<vmem_shared>>
      tpu.wait_dma2 semaphore(%run_scoped3A_224 : memref<!tpu.dma_semaphore, #tpu.memory_space<semaphore_mem>>) src(%dma_wait3A_231 : memref<32x128xf32, #tpu.memory_space<vmem_shared>>) dst(%arg8 : memref<32x128xf32, #tpu.memory_space<vmem>>)
      tpu.yield
    }) : () -> ()
    %add3A_220 = arith.constant 32 : i32
    %add3A_221 = arith.addi %multiple_of3A_219, %add3A_220 : i32
    "tpu.region"() ({
      %run_scoped3A_224 = tpu.sem_alloc : memref<!tpu.dma_semaphore, #tpu.memory_space<semaphore_mem>>
      %dma_start3A_225 = arith.constant 0 : i32
      %dma_start3A_226 = tpu.memref_slice %arg13[%add3A_221, %dma_start3A_225] : memref<10240x128xf32, #tpu.memory_space<vmem_shared>> -> memref<32x128xf32, #tpu.memory_space<vmem_shared>>
      %dma_start3A_227 = arith.constant 0 : i32
      %dma_start3A_228 = tpu.memref_slice %arg13[%add3A_221, %dma_start3A_227] : memref<10240x128xf32, #tpu.memory_space<vmem_shared>> -> memref<32x128xf32, #tpu.memory_space<vmem_shared>>
      tpu.enqueue_dma source(%dma_start3A_228 : memref<32x128xf32, #tpu.memory_space<vmem_shared>>) target(%arg9 : memref<32x128xf32, #tpu.memory_space<vmem>>) target_semaphore(%run_scoped3A_224 : memref<!tpu.dma_semaphore, #tpu.memory_space<semaphore_mem>>)
      %dma_wait3A = arith.constant 0 : i32
      %dma_wait3A_229 = tpu.memref_slice %arg13[%add3A_221, %dma_wait3A] : memref<10240x128xf32, #tpu.memory_space<vmem_shared>> -> memref<32x128xf32, #tpu.memory_space<vmem_shared>>
      %dma_wait3A_230 = arith.constant 0 : i32
      %dma_wait3A_231 = tpu.memref_slice %arg13[%add3A_221, %dma_wait3A_230] : memref<10240x128xf32, #tpu.memory_space<vmem_shared>> -> memref<32x128xf32, #tpu.memory_space<vmem_shared>>
      tpu.wait_dma2 semaphore(%run_scoped3A_224 : memref<!tpu.dma_semaphore, #tpu.memory_space<semaphore_mem>>) src(%dma_wait3A_231 : memref<32x128xf32, #tpu.memory_space<vmem_shared>>) dst(%arg9 : memref<32x128xf32, #tpu.memory_space<vmem>>)
      tpu.yield
    }) : () -> ()
    "tpu.region"() ({
      %run_scoped3A_224 = tpu.sem_alloc : memref<!tpu.dma_semaphore, #tpu.memory_space<semaphore_mem>>
      %dma_start3A_225 = arith.constant 0 : i32
      %dma_start3A_226 = tpu.memref_slice %arg4[%arg0, %multiple_of3A_219, %dma_start3A_225] : memref<2x10240x128xf32, #tpu.memory_space<hbm>> -> memref<1x32x128xf32, #tpu.memory_space<hbm>>
      %dma_start3A_227 = tpu.memref_squeeze %dma_start3A_226 : memref<1x32x128xf32, #tpu.memory_space<hbm>> -> memref<32x128xf32, #tpu.memory_space<hbm>>
      %dma_start3A_228 = arith.constant 0 : i32
      %dma_start3A_229 = tpu.memref_slice %arg4[%arg0, %multiple_of3A_219, %dma_start3A_228] : memref<2x10240x128xf32, #tpu.memory_space<hbm>> -> memref<1x32x128xf32, #tpu.memory_space<hbm>>
      %dma_start3A_230 = tpu.memref_squeeze %dma_start3A_229 : memref<1x32x128xf32, #tpu.memory_space<hbm>> -> memref<32x128xf32, #tpu.memory_space<hbm>>
      tpu.enqueue_dma source(%arg8 : memref<32x128xf32, #tpu.memory_space<vmem>>) target(%dma_start3A_230 : memref<32x128xf32, #tpu.memory_space<hbm>>) target_semaphore(%run_scoped3A_224 : memref<!tpu.dma_semaphore, #tpu.memory_space<semaphore_mem>>)
      %dma_wait3A = arith.constant 0 : i32
      %dma_wait3A_231 = tpu.memref_slice %arg4[%arg0, %multiple_of3A_219, %dma_wait3A] : memref<2x10240x128xf32, #tpu.memory_space<hbm>> -> memref<1x32x128xf32, #tpu.memory_space<hbm>>
      %dma_wait3A_232 = tpu.memref_squeeze %dma_wait3A_231 : memref<1x32x128xf32, #tpu.memory_space<hbm>> -> memref<32x128xf32, #tpu.memory_space<hbm>>
      %dma_wait3A_233 = arith.constant 0 : i32
      %dma_wait3A_234 = tpu.memref_slice %arg4[%arg0, %multiple_of3A_219, %dma_wait3A_233] : memref<2x10240x128xf32, #tpu.memory_space<hbm>> -> memref<1x32x128xf32, #tpu.memory_space<hbm>>
      %dma_wait3A_235 = tpu.memref_squeeze %dma_wait3A_234 : memref<1x32x128xf32, #tpu.memory_space<hbm>> -> memref<32x128xf32, #tpu.memory_space<hbm>>
      tpu.wait_dma2 semaphore(%run_scoped3A_224 : memref<!tpu.dma_semaphore, #tpu.memory_space<semaphore_mem>>) src(%arg8 : memref<32x128xf32, #tpu.memory_space<vmem>>) dst(%dma_wait3A_235 : memref<32x128xf32, #tpu.memory_space<hbm>>)
      tpu.yield
    }) : () -> ()
    %add3A_222 = arith.constant 32 : i32
    %add3A_223 = arith.addi %multiple_of3A_219, %add3A_222 : i32
    "tpu.region"() ({
      %run_scoped3A_224 = tpu.sem_alloc : memref<!tpu.dma_semaphore, #tpu.memory_space<semaphore_mem>>
      %dma_start3A_225 = arith.constant 0 : i32
      %dma_start3A_226 = tpu.memref_slice %arg4[%arg0, %add3A_223, %dma_start3A_225] : memref<2x10240x128xf32, #tpu.memory_space<hbm>> -> memref<1x32x128xf32, #tpu.memory_space<hbm>>
      %dma_start3A_227 = tpu.memref_squeeze %dma_start3A_226 : memref<1x32x128xf32, #tpu.memory_space<hbm>> -> memref<32x128xf32, #tpu.memory_space<hbm>>
      %dma_start3A_228 = arith.constant 0 : i32
      %dma_start3A_229 = tpu.memref_slice %arg4[%arg0, %add3A_223, %dma_start3A_228] : memref<2x10240x128xf32, #tpu.memory_space<hbm>> -> memref<1x32x128xf32, #tpu.memory_space<hbm>>
      %dma_start3A_230 = tpu.memref_squeeze %dma_start3A_229 : memref<1x32x128xf32, #tpu.memory_space<hbm>> -> memref<32x128xf32, #tpu.memory_space<hbm>>
      tpu.enqueue_dma source(%arg9 : memref<32x128xf32, #tpu.memory_space<vmem>>) target(%dma_start3A_230 : memref<32x128xf32, #tpu.memory_space<hbm>>) target_semaphore(%run_scoped3A_224 : memref<!tpu.dma_semaphore, #tpu.memory_space<semaphore_mem>>)
      %dma_wait3A = arith.constant 0 : i32
      %dma_wait3A_231 = tpu.memref_slice %arg4[%arg0, %add3A_223, %dma_wait3A] : memref<2x10240x128xf32, #tpu.memory_space<hbm>> -> memref<1x32x128xf32, #tpu.memory_space<hbm>>
      %dma_wait3A_232 = tpu.memref_squeeze %dma_wait3A_231 : memref<1x32x128xf32, #tpu.memory_space<hbm>> -> memref<32x128xf32, #tpu.memory_space<hbm>>
      %dma_wait3A_233 = arith.constant 0 : i32
      %dma_wait3A_234 = tpu.memref_slice %arg4[%arg0, %add3A_223, %dma_wait3A_233] : memref<2x10240x128xf32, #tpu.memory_space<hbm>> -> memref<1x32x128xf32, #tpu.memory_space<hbm>>
      %dma_wait3A_235 = tpu.memref_squeeze %dma_wait3A_234 : memref<1x32x128xf32, #tpu.memory_space<hbm>> -> memref<32x128xf32, #tpu.memory_space<hbm>>
      tpu.wait_dma2 semaphore(%run_scoped3A_224 : memref<!tpu.dma_semaphore, #tpu.memory_space<semaphore_mem>>) src(%arg9 : memref<32x128xf32, #tpu.memory_space<vmem>>) dst(%dma_wait3A_235 : memref<32x128xf32, #tpu.memory_space<hbm>>)
      tpu.yield
    }) : () -> ()
    return
  }
}

module attributes {stable_mosaic.version = 14 : i64} {
  func.func @_deg_body(%arg0: memref<32x80x128xf32, #tpu.memory_space<vmem>>, %arg1: memref<80x128xf32, #tpu.memory_space<vmem>>) attributes {dimension_semantics = [], scalar_prefetch = 0 : i64, scratch_operands = 0 : i64, tpu.core_type = #tpu.core_type<tc>} {
    %get3A = arith.constant 0 : index
    %get3A_0 = arith.constant 0 : index
    %get3A_1 = arith.constant 0 : index
    %get3A_2 = vector.load %arg0[%get3A, %get3A_0, %get3A_1] : memref<32x80x128xf32, #tpu.memory_space<vmem>>, vector<32x80x128xf32>
    %reduce_sum3A = arith.constant dense<0.000000e+00> : vector<80x128xf32>
    %reduce_sum3A_3 = vector.multi_reduction <add>, %get3A_2, %reduce_sum3A [0] : vector<32x80x128xf32> to vector<80x128xf32>
    %swap3A = arith.constant 0 : index
    %swap3A_4 = arith.constant 0 : index
    %swap3A_5 = vector.load %arg1[%swap3A, %swap3A_4] : memref<80x128xf32, #tpu.memory_space<vmem>>, vector<80x128xf32>
    tpu.vector_store %arg1[%swap3A, %swap3A_4], %reduce_sum3A_3 {strides = array<i32>} : memref<80x128xf32, #tpu.memory_space<vmem>>, vector<80x128xf32>,
    return
  }
}

module attributes {stable_mosaic.version = 14 : i64} {
  func.func @_tc_body(%arg0: i32, %arg1: memref<2x1024x128xf32, #tpu.memory_space<vmem>>, %arg2: memref<1024x1xf32, #tpu.memory_space<vmem>>, %arg3: memref<1024x128xf32, #tpu.memory_space<vmem>>, %arg4: memref<128x128xf32, #tpu.memory_space<vmem>>, %arg5: memref<128x128xf32, #tpu.memory_space<vmem>>, %arg6: memref<1x128xf32, #tpu.memory_space<vmem>>, %arg7: memref<1024x128xf32, #tpu.memory_space<vmem>>) attributes {dimension_semantics = [#tpu.dimension_semantics<arbitrary>], iteration_bounds = array<i64: 10>, scalar_prefetch = 0 : i64, scratch_operands = 0 : i64, tpu.core_type = #tpu.core_type<tc>, window_params = [{transform_indices = @transform_0, window_bounds = array<i64: 2, 1024, 128>}, {transform_indices = @transform_1, window_bounds = array<i64: 1024, 1>}, {transform_indices = @transform_2, window_bounds = array<i64: 1024, 128>}, {pipeline_mode = #tpu.pipeline_mode<synchronous>, transform_indices = @transform_3, window_bounds = array<i64: 128, 128>}, {pipeline_mode = #tpu.pipeline_mode<synchronous>, transform_indices = @transform_4, window_bounds = array<i64: 128, 128>}, {pipeline_mode = #tpu.pipeline_mode<synchronous>, transform_indices = @transform_5, window_bounds = array<i64: 1, 128>}, {transform_indices = @transform_6, window_bounds = array<i64: 1024, 128>}]} {
    %get3A = arith.constant 0 : index
    %get3A_0 = arith.constant 0 : index
    %get3A_1 = arith.constant 0 : index
    %get3A_2 = vector.load %arg1[%get3A, %get3A_0, %get3A_1] : memref<2x1024x128xf32, #tpu.memory_space<vmem>>, vector<1x1024x128xf32>
    %get3A_3 = vector.shape_cast %get3A_2 : vector<1x1024x128xf32> to vector<1024x128xf32>
    %get3A_4 = arith.constant 1 : index
    %get3A_5 = arith.constant 0 : index
    %get3A_6 = arith.constant 0 : index
    %get3A_7 = vector.load %arg1[%get3A_4, %get3A_5, %get3A_6] : memref<2x1024x128xf32, #tpu.memory_space<vmem>>, vector<1x1024x128xf32>
    %get3A_8 = vector.shape_cast %get3A_7 : vector<1x1024x128xf32> to vector<1024x128xf32>
    %add3A = arith.addf %get3A_3, %get3A_8 : vector<1024x128xf32>
    %get3A_9 = arith.constant 0 : index
    %get3A_10 = arith.constant 0 : index
    %get3A_11 = vector.load %arg2[%get3A_9, %get3A_10] : memref<1024x1xf32, #tpu.memory_space<vmem>>, vector<1024x1xf32>
    %max3A = arith.constant 1.000000e+00 : f32
    %max3A_12 = vector.broadcast %max3A : f32 to vector<1024x1xf32>
    %max3A_13 = arith.maximumf %get3A_11, %max3A_12 : vector<1024x1xf32>
    %div3A = vector.broadcast %max3A_13 : vector<1024x1xf32> to vector<1024x128xf32>
    %div3A_14 = arith.divf %add3A, %div3A : vector<1024x128xf32>
    %get3A_15 = arith.constant 0 : index
    %get3A_16 = arith.constant 0 : index
    %get3A_17 = vector.load %arg4[%get3A_15, %get3A_16] : memref<128x128xf32, #tpu.memory_space<vmem>>, vector<128x128xf32>
    %dot_general3A = arith.constant dense<0.000000e+00> : vector<1024x128xf32>
    %dot_general3A_18 = tpu.matmul %div3A_14, %get3A_17, %dot_general3A {dimension_numbers = #tpu.dot_dimension_numbers<[1], [1], [0], [0], [0, 0, 1, 0], [], []>, transpose_lhs_hint = false} : vector<1024x128xf32>, vector<128x128xf32>, vector<1024x128xf32> -> vector<1024x128xf32>
    %get3A_19 = arith.constant 0 : index
    %get3A_20 = arith.constant 0 : index
    %get3A_21 = vector.load %arg3[%get3A_19, %get3A_20] : memref<1024x128xf32, #tpu.memory_space<vmem>>, vector<1024x128xf32>
    %get3A_22 = arith.constant 0 : index
    %get3A_23 = arith.constant 0 : index
    %get3A_24 = vector.load %arg5[%get3A_22, %get3A_23] : memref<128x128xf32, #tpu.memory_space<vmem>>, vector<128x128xf32>
    %dot_general3A_25 = arith.constant dense<0.000000e+00> : vector<1024x128xf32>
    %dot_general3A_26 = tpu.matmul %get3A_21, %get3A_24, %dot_general3A_25 {dimension_numbers = #tpu.dot_dimension_numbers<[1], [1], [0], [0], [0, 0, 1, 0], [], []>, transpose_lhs_hint = false} : vector<1024x128xf32>, vector<128x128xf32>, vector<1024x128xf32> -> vector<1024x128xf32>
    %add3A_27 = arith.addf %dot_general3A_18, %dot_general3A_26 : vector<1024x128xf32>
    %get3A_28 = arith.constant 0 : index
    %get3A_29 = arith.constant 0 : index
    %get3A_30 = vector.load %arg6[%get3A_28, %get3A_29] : memref<1x128xf32, #tpu.memory_space<vmem>>, vector<1x128xf32>
    %add3A_31 = vector.broadcast %get3A_30 : vector<1x128xf32> to vector<1024x128xf32>
    %add3A_32 = arith.addf %add3A_27, %add3A_31 : vector<1024x128xf32>
    %max3A_33 = arith.constant 0.000000e+00 : f32
    %max3A_34 = vector.broadcast %max3A_33 : f32 to vector<1024x128xf32>
    %max3A_35 = arith.maximumf %add3A_32, %max3A_34 : vector<1024x128xf32>
    %swap3A = arith.constant 0 : index
    %swap3A_36 = arith.constant 0 : index
    %swap3A_37 = vector.load %arg7[%swap3A, %swap3A_36] : memref<1024x128xf32, #tpu.memory_space<vmem>>, vector<1024x128xf32>
    tpu.vector_store %arg7[%swap3A, %swap3A_36], %max3A_35 {strides = array<i32>} : memref<1024x128xf32, #tpu.memory_space<vmem>>, vector<1024x128xf32>,
    return
  }
  func.func @transform_0(%arg0: i32) -> (i32, i32, i32) {
    %c0_i32 = arith.constant 0 : i32
    %c0_i32_0 = arith.constant 0 : i32
    %c0_i32_1 = arith.constant 0 : i32
    return %c0_i32, %arg0, %c0_i32_0 : i32, i32, i32
  }
  func.func @transform_1(%arg0: i32) -> (i32, i32) {
    %c0_i32 = arith.constant 0 : i32
    %c0_i32_0 = arith.constant 0 : i32
    return %arg0, %c0_i32 : i32, i32
  }
  func.func @transform_2(%arg0: i32) -> (i32, i32) {
    %c0_i32 = arith.constant 0 : i32
    %c0_i32_0 = arith.constant 0 : i32
    return %arg0, %c0_i32 : i32, i32
  }
  func.func @transform_3(%arg0: i32) -> (i32, i32) {
    %c0_i32 = arith.constant 0 : i32
    %c0_i32_0 = arith.constant 0 : i32
    %c0_i32_1 = arith.constant 0 : i32
    return %c0_i32, %c0_i32_0 : i32, i32
  }
  func.func @transform_4(%arg0: i32) -> (i32, i32) {
    %c0_i32 = arith.constant 0 : i32
    %c0_i32_0 = arith.constant 0 : i32
    %c0_i32_1 = arith.constant 0 : i32
    return %c0_i32, %c0_i32_0 : i32, i32
  }
  func.func @transform_5(%arg0: i32) -> (i32, i32) {
    %c0_i32 = arith.constant 0 : i32
    %c0_i32_0 = arith.constant 0 : i32
    %c0_i32_1 = arith.constant 0 : i32
    return %c0_i32, %c0_i32_0 : i32, i32
  }
  func.func @transform_6(%arg0: i32) -> (i32, i32) {
    %c0_i32 = arith.constant 0 : i32
    %c0_i32_0 = arith.constant 0 : i32
    return %arg0, %c0_i32 : i32, i32
  }
}

</mosaic_0001>

<sc_bundles>
// kernel: kernel.5.cloned.1.call-start
scs
__scs_entry_jumppad:
0x0: {  	(pc) =	sbr.rel $0x88, $3  }
0x1: {  	(tag) =	ssettag $0x0;
	lr =	simm.s32 $0x1  }
0x2: {  	[smem:$0x3F9C] =	sst lr;
	_ =	strace $0xD0000000  }
0x3: {  	_ = 	snop  }
0x4: {  	_ = 	snop  }
0x5: {  	_ = 	snop  }
0x6: {  	_ = 	snop  }
0x7: {  	_ = 	snop  }
__scs_overlays_trampoline_lowered:
0x8: {  	[smem:$0x3FAB] =	sst s0  }
0x9: {  	[smem:$0x3FAC] =	sst s1  }
0xa: {  	[smem:$0x3FAD] =	sst s2  }
0xb: {  	[smem:$0x3FAE] =	sst s3  }
0xc: {  	[smem:$0x3FAF] =	sst s4  }
0xd: {  	[smem:$0x3FB0] =	sst s5  }
0xe: {  	[smem:$0x3FB1] =	sst s6  }
0xf: {  	[smem:$0x3FB2] =	sst s7  }
0x10: {  	[smem:$0x3FB3] =	sst s8  }
0x11: {  	[smem:$0x3FB4] =	sst s9;
	s0 =	simm.s32 @!p0 $0x0  }
0x12: {  	s1 =	sld [smem:$0x3F9A];
	s0 =	simm.s32 @p0 $0x1  }
0x13: {  	[smem:$0x3FB5] =	sst s0;
	s0 =	simm.s32 @!p1 $0x0  }
0x14: {  	s2 =	sld [smem:$0x3F99];
	s0 =	simm.s32 @p1 $0x1  }
0x15: {  	[smem:$0x3FB6] =	sst s0;
	s0 =	simm.s32 @!p2 $0x0  }
0x16: {  	s3 =	sld [smem:$0x3FDB];
	s0 =	simm.s32 @p2 $0x1  }
0x17: {  	s4 =	simm.s32 $0x1BF5;
	[smem:$0x3FB8] =	sst s0  }
0x18: {  	s0 =	sld [smem:$0x3F9B];
	_ =	swait.ge [sflag:s4], $0x0  }
0x19: {  	s7 =	sld [smem:$0x3F9C]  }
0x1a: {  	s8 =	sadd.s32 $0xFFFFE003, lr  }
0x1b: {  	s9 =	sadd.s32 $0xFFFFFEF7, lr;
	s5 =	simm.s32 $0xFFFFFFFF;
	p2 =	slt.u32 s8, $0xFFFFF086  }
0x1c: {  	p1 =	slt.u32 s9, $0xF7A;
	s5 =	simm.s32 @!p2 $0x0  }
0x1d: {  	s5 =	simm.s32 @p1 $0x1;
	p0 =	seq.s32 s7, s2  }
0x1e: {  	s7 =	smul.u32 @!p0 $0xF7A, s2;
	p2 =	seq.s32 @!p0 s5, $0x0  }
0x1f: {  	s9 =	smul.u32 $0xF7A, s1;
	s8 =	simm.s32 @!p0 $0x1BF5;
	p2 =	por !p2, p0  }
0x20: {  	[sflag:s8] =	ssyncset.s32 @!p0 $0xFFFFF086;
	s6 =	sadd.s32 @!p0 s3, s7;
	s7 =	simm.s32 @!p0 $0x108  }
0x21: {  	s3 =	sadd.s32 s3, s9;
	s6 =	sadd.s32 @!p0 $0x88, s6;
	s7 =	simm.s32 @p2 $0x1082  }
0x22: {  	[simem:s7], [sflag:s8] =	dma.local @!p0 [hbm:s6], $0xF7A  }
0x23: {  	s9 =	sor.u32 $0xD0000000, s2;
	s6 =	simm.s32 $0x108;
	_ =	swait.ge @!p0 [sflag:s8], $0x0  }
0x24: {  	s3 =	sadd.s32 $0x88, s3;
	s6 =	simm.s32 @!p1 $0x1082;
	[sflag:s4] =	ssyncset.s32 $0xFFFFF086  }
0x25: {  	[simem:s6], [sflag:s4] =	dma.local [hbm:s3], $0xF7A  }
0x26: {  	[smem:$0x3F9C] =	sst s1;
	(tag) =	ssettag s2;
	_ =	strace s9  }
0x27: {  	s1 =	sld [smem:$0x3FAC]  }
0x28: {  	s2 =	sld [smem:$0x3FAD]  }
0x29: {  	s4 =	sld [smem:$0x3FAF]  }
0x2a: {  	p0 =	seq.s32 s5, $0x0;
	s5 =	sld [smem:$0x3FB0]  }
0x2b: {  	s6 =	sld [smem:$0x3FB1]  }
0x2c: {  	s7 =	sld [smem:$0x3FB2]  }
0x2d: {  	s3 =	simm.s32 $0x108;
	s8 =	sld [smem:$0x3FB3]  }
0x2e: {  	s3 =	simm.s32 @!p0 $0x1082;
	s9 =	sld [smem:$0x3FB4]  }
0x2f: {  	lr =	sadd.s32 s0, s3;
	s0 =	sld [smem:$0x3FAB]  }
0x30: {  	s3 =	sld [smem:$0x3FAE]  }
0x31: {  	[smem:$0x3FB7] =	sst s10  }
0x32: {  	s10 =	sld [smem:$0x3FB5];
	_ =	sdelay $0x3  }
0x33: {  	p0 =	seq.s32 s10, $0x1;
	s10 =	sld [smem:$0x3FB7];
	_ =	sdelay $0x3  }
0x34: {  	[smem:$0x3FB7] =	sst s10  }
0x35: {  	s10 =	sld [smem:$0x3FB6];
	_ =	sdelay $0x3  }
0x36: {  	p1 =	seq.s32 s10, $0x1;
	s10 =	sld [smem:$0x3FB7];
	_ =	sdelay $0x3  }
0x37: {  	[smem:$0x3FB7] =	sst s10  }
0x38: {  	s10 =	sld [smem:$0x3FB8]  }
0x39: {  	_ = 	snop;
	(pc) =	sbr.ind lr, $3  }
0x3a: {  	_ = 	snop  }
0x3b: {  	_ = 	snop  }
0x3c: {  	p2 =	seq.s32 s10, $0x1;
	s10 =	sld [smem:$0x3FB7]  }
0x3d: {  	_ =	shalt  }
0x3e: {  	_ =	shalt  }
0x3f: {  	_ =	shalt  }
0x40: {  	_ =	shalt  }
0x41: {  	_ =	shalt  }
0x42: {  	_ =	shalt  }
0x43: {  	_ =	shalt  }
0x44: {  	_ =	shalt  }
0x45: {  	_ =	shalt  }
0x46: {  	_ =	shalt  }
0x47: {  	_ =	shalt  }
0x48: {  	_ =	shalt  }
0x49: {  	_ =	shalt  }
0x4a: {  	_ =	shalt  }
0x4b: {  	_ =	shalt  }
0x4c: {  	_ =	shalt  }
0x4d: {  	_ =	shalt  }
0x4e: {  	_ =	shalt  }
0x4f: {  	_ =	shalt  }
0x50: {  	_ =	shalt  }
0x51: {  	_ =	shalt  }
0x52: {  	_ =	shalt  }
0x53: {  	_ =	shalt  }
0x54: {  	_ =	shalt  }
0x55: {  	_ =	shalt  }
0x56: {  	_ =	shalt  }
0x57: {  	_ =	shalt  }
0x58: {  	_ =	shalt  }
0x59: {  	_ =	shalt  }
0x5a: {  	_ =	shalt  }
0x5b: {  	_ =	shalt  }
0x5c: {  	_ =	shalt  }
0x5d: {  	_ =	shalt  }
0x5e: {  	_ =	shalt  }
0x5f: {  	_ =	shalt  }
0x60: {  	_ =	shalt  }
0x61: {  	_ =	shalt  }
0x62: {  	_ =	shalt  }
0x63: {  	_ =	shalt  }
0x64: {  	_ =	shalt  }
0x65: {  	_ =	shalt  }
0x66: {  	_ =	shalt  }
0x67: {  	_ =	shalt  }
0x68: {  	_ =	shalt  }
0x69: {  	_ =	shalt  }
0x6a: {  	_ =	shalt  }
0x6b: {  	_ =	shalt  }
0x6c: {  	_ =	shalt  }
0x6d: {  	_ =	shalt  }
0x6e: {  	_ =	shalt  }
0x6f: {  	_ =	shalt  }
0x70: {  	_ =	shalt  }
0x71: {  	_ =	shalt  }
0x72: {  	_ =	shalt  }
0x73: {  	_ =	shalt  }
0x74: {  	_ =	shalt  }
0x75: {  	_ =	shalt  }
0x76: {  	_ =	shalt  }
0x77: {  	_ =	shalt  }
0x78: {  	_ =	shalt  }
0x79: {  	_ =	shalt  }
0x7a: {  	_ =	shalt  }
0x7b: {  	_ =	shalt  }
0x7c: {  	_ =	shalt  }
0x7d: {  	_ =	shalt  }
0x7e: {  	_ =	shalt  }
0x7f: {  	_ =	shalt  }
0x80: {  	_ =	shalt  }
0x81: {  	_ =	shalt  }
0x82: {  	_ =	shalt  }
0x83: {  	_ =	shalt  }
0x84: {  	_ =	shalt  }
0x85: {  	_ =	shalt  }
0x86: {  	_ =	shalt  }
0x87: {  	_ =	shalt  }
.Lfunc_end0:
.L_simem_size_0:
called_computation_lowered:
.L_overlay_start_0:
0x88: {  	s2 =	sld [smem:$0x3FD9]  }
0x89: {  	s3 =	sld [smem:$0x3FFE];
	_ =	sdelay $0x1  }
0x8a: {  	s1 =	srdreg.scid  }
0x8b: {  	s0 =	sand.u32 $0x1, s1  }
0x8c: {  	s17 =	sshll.u32 s0, $0xA;
	s2 =	sadd.s32 s3, s2  }
0x8d: {  	s2 =	sadd.s32 s2, s17  }
0x8e: {  	[smem:$0x3FC3] =	sst s2  }
0x8f: {  	_ = 	snop  }
0x90: {  	s2 =	sld [smem:$0x3FC9]  }
0x91: {  	s18 =	sld [smem:$0x3FD0];
	(tm) =	ssettm $0x1  }
0x92: {  	s4 =	sld [smem:$0x3FFB];
	_ =	sdelay $0x3  }
0x93: {  	_ =	strace s4  }
0x94: {  	s4 =	sld [smem:$0x3FFC];
	_ =	sdelay $0x3  }
0x95: {  	_ =	strace s4  }
0x96: {  	s4 =	sld [smem:$0x3FFD];
	_ =	sdelay $0x3  }
0x97: {  	_ =	strace s4  }
0x98: {  	_ =	strace $0x8FFFFFFF  }
0x99: {  	s19 =	sld [smem:$0x3FDB];
	_ =	sdelay $0x1  }
0x9a: {  	s5 =	simm.s32 $_scs_section_size  }
0x9b: {  	s6 =	simm.s32 $_size__tile_overlayer_lowered;
	s7 =	simm.s32 $_tile_overlayer_lowered  }
0x9c: {  	s22 =	simm.s32 $0x1BFF;
	s21 =	sshll.u32 s7, $0x1;
	s4 =	sadd.s32 s5, s19  }
0x9d: {  	s8 =	simm.s32 $0x0;
	s20 =	sshll.u32 s6, $0x1;
	s6 =	sadd.s32 s21, s4  }
0x9e: {  	[timem:s8], [sflag:s22] =	dma.local [hbm:s6], s20  }
0x9f: {  	_ =	swait.ge [sflag:s22], s20  }
0xa0: {  	s5 =	ssub.s32 $0x0, s20;
	[sflag:s22] =	ssyncset.done $0x0  }
0xa1: {  	[sflag:s22] =	ssyncadd.s32 s5;
	_ =	sdelay $0x1  }
0xa2: {  	s23 =	simm.s32 $0x1B8B  }
0xa3: {  	_ =	swait.ge [sflag:s23], $0x1  }
0xa4: {  	[sflag:s23] =	ssyncset.done $0x0  }
0xa5: {  	s25 =	simm.s32 $0x1B8E;
	s24 =	sld [smem:$0x3FFE];
	[sflag:s23] =	ssyncadd.s32 $0xFFFFFFFF  }
0xa6: {  	s26 =	simm.s32 $execute0_lowered;
	[smem:$0x3FD2] =	sst s25  }
0xa7: {  	s6 =	sshll.u32 s26, $0x1;
	_ =	strace $0x80000046;
	[dreg:$0x1] =	wrdreg $0xFFFFFFFF  }
0xa8: {  	s28 =	simm.s32 $_size_execute0_lowered;
	s4 =	sadd.s32 s4, s6;
	[dreg:$0x0] =	wrdreg $0x0  }
0xa9: {  	s6 =	sshll.u32 s28, $0x1;
	[dreg:$0x2] =	wrdreg s4  }
0xaa: {  	[dreg:$0x3] =	wrdreg s6  }
0xab: {  	[dreg:$0x4] =	wrdreg $0xC0  }
0xac: {  	_ =	task [dreg:s8], $0x5FFFF  }
0xad: {  	[dreg:$0x1] =	wrdreg $0xFFFFFFFF  }
0xae: {  	[dreg:$0x0] =	wrdreg $0x60  }
0xaf: {  	[dreg:$0x2] =	wrdreg s2  }
0xb0: {  	[dreg:$0x3] =	wrdreg s18  }
0xb1: {  	[dreg:$0x4] =	wrdreg s24  }
0xb2: {  	[dreg:$0x5] =	wrdreg $0xB7000  }
0xb3: {  	[dreg:$0x6] =	wrdreg $0x9  }
0xb4: {  	_ =	task.clear_ibuf [dreg:s8], $0x7FFFF;
	_ =	strace $0x90000046  }
0xb5: {  	s29 =	simm.s32 $0x9;
	_ =	strace $0x80000048  }
0xb6: {  	_ =	swait.ge [sflag:s29], $0x1  }
0xb7: {  	[sflag:s29] =	ssyncadd.s32 $0xFFFFFFFF  }
0xb8: {  	_ =	strace $0x90000048  }
0xb9: {  	_ =	sfence  }
0xba: {  	s30 =	sld [smem:$0x0];
	_ =	sdelay $0x2  }
0xbb: {  	s31 =	sshll.u32 s1, $0xD;
	s1 =	sshrl.u32 s1, $0x2  }
0xbc: {  	s3 =	sand.u32 $0x4000, s31;
	s1 =	sadd.s32 s1, s30  }
0xbd: {  	s0 =	sor.u32 s3, s0;
	s1 =	sshll.u32 s1, $0x11  }
0xbe: {  	s0 =	sor.u32 s1, s0  }
0xbf: {  	s0 =	sadd.s32 $0x8F2B, s0  }
0xc0: {  	[sflag:s0] =	ssyncadd.remote.s32 $0x1  }
0xc1: {  	_ =	sfence.sel $0xFFFF  }
0xc2: {  	[dreg:$0x0] =	wrdreg $0xFFFFFFFF;
	(pc) =	sbr.abs _section_cstart, $3  }
0xc3: {  	[dreg:$0x1] =	wrdreg $0xFFFFFFFF  }
0xc4: {  	_ =	task.clear_ibuf [dreg:s8], $0x2FFFF;
	_ =	strace $0x9FFFFFFF  }
0xc5: {  	(tm) =	ssettm $0x7FFFFFFF  }
tec
execute0_lowered:
.L_overlay_start_1:
0x0: {  	(tag) =	ssettag $0x1  }
0x1: {  	s0 =	srdreg.scid  }
0x2: {  	s29 =	stileid.u32;
	s2 =	rddreg [dreg:$0x2]  }
0x3: {  	s1 =	simm.s32 $0x0;
	s18 =	sand.u32 $0x1, s0;
	s20 =	smul.u32 $0x14000, s29  }
0x4: {  	s24 =	sadd.s32 $0xBA00, s2;
	s0 =	sshll.u32 s18, $0x4;
	s4 =	ssub.s32 $0x2, s18  }
0x5: {  	s23 =	smul.u32 $0x140000, s18;
	s3 =	sor.u32 s29, s0;
	s5 =	sshrl.u32 s4, $0x1  }
0x6: {  	s6 =	sadd.s32 $0x5000, s20;
	s7 =	sadd.s32 $0x6000, s20;
	s8 =	sadd.s32 $0x7000, s20  }
0x7: {  	s9 =	sadd.s32 $0x8000, s20;
	s10 =	sadd.s32 $0x9000, s20;
	s11 =	sadd.s32 $0xA000, s20  }
0x8: {  	s12 =	sadd.s32 $0xB000, s20;
	s13 =	sadd.s32 $0xC000, s20;
	s14 =	sadd.s32 $0xD000, s20  }
0x9: {  	s15 =	sadd.s32 $0xE000, s20;
	s16 =	sadd.s32 $0xF000, s20;
	s18 =	sadd.s32 $0x10000, s20  }
0xa: {  	s19 =	sadd.s32 $0x11000, s20;
	s21 =	sadd.s32 $0x12000, s20;
	s0 =	smul.u32 $0x500, s3  }
0xb: {  	s22 =	sadd.s32 $0x13000, s20;
	s17 =	ssub.s32 s4, s5;
	p0 =	seq.s32 s3, $0x1F  }
0xc: {  	s25 =	smul.u32 $0x2780, s3;
	s0 =	sadd.s32 s0, s2;
	s2 =	sor.u32 $0x1000, s20  }
0xd: {  	s3 =	sor.u32 $0x2000, s20;
	s4 =	sor.u32 $0x3000, s20;
	s26 =	sadd.s32 s23, s2  }
0xe: {  	s5 =	sadd.s32 $0x4000, s20;
	s20 =	sadd.s32 s20, s23;
	s26 =	sshrl.u32 s26, $0x3  }
0xf: {  	s28 =	sadd.s32 s23, s3;
	s20 =	sshrl.u32 s20, $0x3;
	s26 =	sadd.s32 s24, s26  }
0x10: {  	s20 =	sadd.s32 s24, s20;
	[dreg:$0x6] =	wrdreg s26;
	s26 =	sshrl.u32 s28, $0x3  }
0x11: {  	[dreg:$0x5] =	wrdreg s20;
	s20 =	sadd.s32 s24, s26;
	s26 =	sadd.s32 s23, s5  }
0x12: {  	[dreg:$0x7] =	wrdreg s20;
	s20 =	sadd.s32 s23, s4;
	s26 =	sshrl.u32 s26, $0x3  }
0x13: {  	s28 =	sadd.s32 s23, s6;
	s20 =	sshrl.u32 s20, $0x3;
	s26 =	sadd.s32 s24, s26  }
0x14: {  	s20 =	sadd.s32 s24, s20;
	[dreg:$0x9] =	wrdreg s26;
	s26 =	sshrl.u32 s28, $0x3  }
0x15: {  	[dreg:$0x8] =	wrdreg s20;
	s20 =	sadd.s32 s24, s26;
	s26 =	sadd.s32 s23, s8  }
0x16: {  	[dreg:$0xa] =	wrdreg s20;
	s20 =	sadd.s32 s23, s7;
	s26 =	sshrl.u32 s26, $0x3  }
0x17: {  	s28 =	sadd.s32 s23, s9;
	s20 =	sshrl.u32 s20, $0x3;
	s26 =	sadd.s32 s24, s26  }
0x18: {  	s20 =	sadd.s32 s24, s20;
	[dreg:$0xc] =	wrdreg s26;
	s26 =	sshrl.u32 s28, $0x3  }
0x19: {  	[dreg:$0xb] =	wrdreg s20;
	s20 =	sadd.s32 s24, s26;
	s26 =	sadd.s32 s23, s11  }
0x1a: {  	[dreg:$0xd] =	wrdreg s20;
	s20 =	sadd.s32 s23, s10;
	s26 =	sshrl.u32 s26, $0x3  }
0x1b: {  	s28 =	sadd.s32 s23, s12;
	s20 =	sshrl.u32 s20, $0x3;
	s26 =	sadd.s32 s24, s26  }
0x1c: {  	s20 =	sadd.s32 s24, s20;
	[dreg:$0xf] =	wrdreg s26;
	s26 =	sshrl.u32 s28, $0x3  }
0x1d: {  	[dreg:$0xe] =	wrdreg s20;
	s20 =	sadd.s32 s24, s26;
	s26 =	sadd.s32 s23, s14  }
0x1e: {  	[dreg:$0x10] =	wrdreg s20;
	s20 =	sadd.s32 s23, s13;
	s26 =	sshrl.u32 s26, $0x3  }
0x1f: {  	s28 =	sadd.s32 s23, s15;
	s20 =	sshrl.u32 s20, $0x3;
	s26 =	sadd.s32 s24, s26  }
0x20: {  	s20 =	sadd.s32 s24, s20;
	[dreg:$0x12] =	wrdreg s26;
	s26 =	sshrl.u32 s28, $0x3  }
0x21: {  	[dreg:$0x11] =	wrdreg s20;
	s20 =	sadd.s32 s24, s26;
	s26 =	sadd.s32 s23, s18  }
0x22: {  	[smem:$0x7FF] =	sst s1;
	s26 =	sshrl.u32 s26, $0x3  }
0x23: {  	[dreg:$0x13] =	wrdreg s20;
	s20 =	sadd.s32 s23, s16;
	s26 =	sadd.s32 s24, s26  }
0x24: {  	s28 =	sadd.s32 s23, s19;
	s20 =	sshrl.u32 s20, $0x3;
	[dreg:$0x15] =	wrdreg s26  }
0x25: {  	s20 =	sadd.s32 s24, s20;
	s26 =	sshrl.u32 s28, $0x3;
	s28 =	rddreg [dreg:$0x1]  }
0x26: {  	[dreg:$0x14] =	wrdreg s20;
	s20 =	sadd.s32 s24, s26;
	s26 =	sadd.s32 s23, s21  }
0x27: {  	[dreg:$0x16] =	wrdreg s20;
	s26 =	sshrl.u32 s26, $0x3  }
0x28: {  	s23 =	sadd.s32 s23, s22;
	s20 =	rddreg [dreg:$0x0];
	s26 =	sadd.s32 s24, s26  }
0x29: {  	s25 =	sshrl.u32 s25, $0x3;
	[dreg:$0x17] =	wrdreg s26;
	s26 =	sshrl.u32 s23, $0x3  }
0x2a: {  	s25 =	sadd.s32 s28, s25;
	s23 =	rddreg [dreg:$0x3];
	s24 =	sadd.s32 s24, s26  }
0x2b: {  	[dreg:$0x18] =	wrdreg s24;
	s24 =	smul.u32 $0x50000, s29;
	s29 =	sadd.s32 $0x9910, s28  }
0x2c: {  	s28 =	sadd.s32 $0x13550, s28;
	_ =	strace $0x80000047;
	[dreg:$0x1a] =	wrdreg s29  }
0x2d: {  	s2 =	sadd.s32 s2, s23;
	[dreg:$0x1b] =	wrdreg s28  }
0x2e: {  	s3 =	sadd.s32 s3, s23;
	[dreg:$0x1d] =	wrdreg s2  }
0x2f: {  	s4 =	sadd.s32 s4, s23;
	[dreg:$0x1e] =	wrdreg s3  }
0x30: {  	s30 =	simm.s32 $0x2;
	s5 =	sadd.s32 s5, s23;
	[dreg:$0x1f] =	wrdreg s4  }
0x31: {  	s31 =	simm.s32 $0x3;
	s7 =	sadd.s32 s7, s23;
	[smem:$0x7F4] =	sst s5  }
0x32: {  	s0 =	sadd.s32 $0x1A00, s0;
	s8 =	sadd.s32 s8, s23;
	[smem:$0x7F5] =	sst s7  }
0x33: {  	s26 =	simm.s32 $0x33;
	s9 =	sadd.s32 s9, s23;
	[smem:$0x7F6] =	sst s8  }
0x34: {  	s6 =	sadd.s32 s6, s23;
	s10 =	sadd.s32 s10, s23;
	[smem:$0x7F7] =	sst s9  }
0x35: {  	s11 =	sadd.s32 s11, s23;
	s26 =	simm.s32 @!p0 $0x4F;
	[smem:$0x7F8] =	sst s10  }
0x36: {  	[smem:$0x7F9] =	sst s11;
	s8 =	sadd.s32 s12, s23;
	s9 =	sadd.s32 s13, s23  }
0x37: {  	s10 =	sadd.s32 s14, s23;
	s11 =	sadd.s32 s15, s23;
	s12 =	sadd.s32 s16, s23  }
0x38: {  	s13 =	sadd.s32 s18, s23;
	s14 =	sadd.s32 s19, s23;
	s15 =	sadd.s32 s21, s23  }
0x39: {  	s16 =	sadd.s32 s22, s23;
	s21 =	sadd.s32 $0xFFFFFFFF, s26;
	[smem:$0x7FB] =	sst s0  }
0x3a: {  	s22 =	sshll.u32 s26, $0x9;
	[dreg:$0x19] =	wrdreg s25;
	s26 =	sadd.s32 $0x9C40, s25  }
0x3b: {  	s28 =	simm.s32 $0x5;
	s25 =	simm.s32 $0x5F00;
	s18 =	simm.s32 $0x6F00  }
0x3c: {  	s19 =	simm.s32 $0x7F00;
	s29 =	simm.s32 $0x1;
	s0 =	simm.s32 $0x0  }
0x3d: {  	s24 =	sshrl.u32 s24, $0x2;
	[smem:$0x7FA] =	sst s21;
	s22 =	sadd.s32 $0xFFFFFE00, s22  }
0x3e: {  	[smem:$0x7FD] =	sst s26;
	s26 =	simm.s32 $0x4F00;
	s24 =	sadd.s32 s24, s23  }
0x3f: {  	s21 =	simm.s32 $0x4;
	[dreg:$0x1c] =	wrdreg s24;
	s24 =	smax.u32 s17, $0x1  }
0x40: {  	v0 =	vimm.f32 $0.0e+00;
	v1 =	vimm.f32 $1.000000000e+00;
	s17 =	simm.s32 $0x20;
	[smem:$0x7FC] =	sst s24;
	s24 =	simm.s32 $0x8F00  }
.LBB2_1:
0x41: {  	s2 =	simm.s32 @p0 $0x0;
	s3 =	rddreg [dreg:$0x1a]  }
0x42: {  	[tilespmem:s2], [sflag:$0x5] =	stream.linear.gather @p0 [hbm4b:s3+s2], $0x1980, $0x38;
	[tilespmem:$0x1F700] =	vst v63  }
0x43: {  	s3 =	simm.s32 @p0 $0x5  }
0x44: {  	_ =	swait.ge @p0 [sflag:s3], $0x1980  }
0x45: {  	[sflag:s3] =	ssyncset.done @p0 $0x0  }
0x46: {  	s4 =	simm.s32 @p0 $0x2780;
	s5 =	rddreg [dreg:$0x1b];
	[sflag:s3] =	ssyncadd.s32 @p0 $0xFFFFE680  }
0x47: {  	[tilespmem:s4], [sflag:$0x5] =	stream.linear.gather @p0 [hbm4b:s5+s2], $0x1980, $0x38;
	[tilespmem:$0x1F700] =	vst v63  }
0x48: {  	_ =	swait.ge @p0 [sflag:s3], $0x1980  }
0x49: {  	[sflag:s3] =	ssyncset.done @p0 $0x0  }
0x4a: {  	s2 =	simm.s32 @!p0 $0x0;
	[sflag:s3] =	ssyncadd.s32 @p0 $0xFFFFE680;
	s3 =	rddreg [dreg:$0x19]  }
0x4b: {  	[tilespmem:s2], [sflag:$0x5] =	stream.linear.gather @!p0 [hbm4b:s3+s2], $0x2780, $0x38;
	[tilespmem:$0x1F700] =	vst v63  }
0x4c: {  	s3 =	simm.s32 @!p0 $0x5  }
0x4d: {  	_ =	swait.ge @!p0 [sflag:s3], $0x2780  }
0x4e: {  	s5 =	sld [smem:$0x7FD]  }
0x4f: {  	[sflag:s3] =	ssyncset.done @!p0 $0x0  }
0x50: {  	s4 =	simm.s32 @!p0 $0x2780;
	[sflag:s3] =	ssyncadd.s32 @!p0 $0xFFFFD880  }
0x51: {  	[tilespmem:s4], [sflag:$0x5] =	stream.linear.gather @!p0 [hbm4b:s5+s2], $0x2780, $0x38;
	[tilespmem:$0x1F700] =	vst v63  }
0x52: {  	_ =	swait.ge @!p0 [sflag:s3], $0x2780  }
0x53: {  	[sflag:s3] =	ssyncset.done @!p0 $0x0  }
0x54: {  	s2 =	simm.s32 $0x0;
	[sflag:s3] =	ssyncadd.s32 @!p0 $0xFFFFD880;
	s3 =	simm.s32 $0x200  }
.LBB2_2:
0x55: {  	p1 =	sne.s32 s3, $0x9E00;
	[tilespmem:s2+$0x8F70] =	vst v0  }
0x56: {  	[tilespmem:s2+$0x8F00] =	vst v0  }
0x57: {  	[tilespmem:s2+$0x8F10] =	vst v0  }
.Ltmp0:
0x58: {  	[tilespmem:s2+$0x8F20] =	vst v0;
	(pc) =	sbr.rel @p1 .LBB2_2-.Ltmp0, $4  }
0x59: {  	[tilespmem:s2+$0x8F30] =	vst v0  }
0x5a: {  	[tilespmem:s2+$0x8F40] =	vst v0  }
0x5b: {  	[tilespmem:s2+$0x8F50] =	vst v0  }
0x5c: {  	[tilespmem:s2+$0x8F60] =	vst v0;
	s2 =	sshra.s32 s3, $0x2;
	s3 =	sadd.s32 $0x200, s3  }
0x5d: {  	[tilespmem:s2+$0x8F70] =	vst v0  }
0x5e: {  	[tilespmem:s2+$0x8F00] =	vst v0  }
0x5f: {  	[tilespmem:s2+$0x8F10] =	vst v0  }
0x60: {  	[tilespmem:s2+$0x8F20] =	vst v0  }
0x61: {  	[tilespmem:s2+$0x8F30] =	vst v0  }
0x62: {  	[tilespmem:s2+$0x8F40] =	vst v0  }
0x63: {  	[tilespmem:s2+$0x8F50] =	vst v0  }
0x64: {  	[tilespmem:s2+$0x8F60] =	vst v0;
	s2 =	simm.s32 $0x0;
	s3 =	simm.s32 $0x200  }
.LBB2_4:
0x65: {  	p1 =	sne.s32 s3, $0x3E00;
	[tilespmem:s2+$0x5F70] =	vst v0  }
0x66: {  	[tilespmem:s2+$0x4F00] =	vst v0  }
0x67: {  	[tilespmem:s2+$0x5F00] =	vst v0  }
0x68: {  	[tilespmem:s2+$0x4F10] =	vst v0  }
0x69: {  	[tilespmem:s2+$0x5F10] =	vst v0  }
0x6a: {  	[tilespmem:s2+$0x4F20] =	vst v0  }
0x6b: {  	[tilespmem:s2+$0x5F20] =	vst v0  }
0x6c: {  	[tilespmem:s2+$0x4F30] =	vst v0  }
0x6d: {  	[tilespmem:s2+$0x5F30] =	vst v0  }
0x6e: {  	[tilespmem:s2+$0x4F40] =	vst v0  }
0x6f: {  	[tilespmem:s2+$0x5F40] =	vst v0  }
.Ltmp1:
0x70: {  	[tilespmem:s2+$0x4F50] =	vst v0;
	(pc) =	sbr.rel @p1 .LBB2_4-.Ltmp1, $4  }
0x71: {  	[tilespmem:s2+$0x5F50] =	vst v0  }
0x72: {  	[tilespmem:s2+$0x4F60] =	vst v0  }
0x73: {  	[tilespmem:s2+$0x5F60] =	vst v0  }
0x74: {  	[tilespmem:s2+$0x4F70] =	vst v0;
	s2 =	sshra.s32 s3, $0x2;
	s3 =	sadd.s32 $0x200, s3  }
0x75: {  	[tilespmem:s2+$0x5F70] =	vst v0  }
0x76: {  	[tilespmem:s2+$0x4F00] =	vst v0  }
0x77: {  	[tilespmem:s2+$0x5F00] =	vst v0  }
0x78: {  	[tilespmem:s2+$0x4F10] =	vst v0  }
0x79: {  	[tilespmem:s2+$0x5F10] =	vst v0  }
0x7a: {  	[tilespmem:s2+$0x4F20] =	vst v0  }
0x7b: {  	[tilespmem:s2+$0x5F20] =	vst v0  }
0x7c: {  	[tilespmem:s2+$0x4F30] =	vst v0  }
0x7d: {  	[tilespmem:s2+$0x5F30] =	vst v0  }
0x7e: {  	[tilespmem:s2+$0x4F40] =	vst v0  }
0x7f: {  	[tilespmem:s2+$0x5F40] =	vst v0  }
0x80: {  	[tilespmem:s2+$0x4F50] =	vst v0  }
0x81: {  	[tilespmem:s2+$0x5F50] =	vst v0  }
0x82: {  	[tilespmem:s2+$0x4F60] =	vst v0  }
0x83: {  	[tilespmem:s2+$0x5F60] =	vst v0  }
0x84: {  	[tilespmem:s2+$0x4F70] =	vst v0;
	s4 =	rddreg [dreg:$0x1c]  }
0x85: {  	[spmem:s4] =	stream.linear.scatter [tilespmem:s26], [sflag:$0x5], $0x1000, $0x38;
	[tilespmem:$0x1F700] =	vst v63  }
0x86: {  	_ =	swait.ge [sflag:s28], $0x1000  }
0x87: {  	[sflag:s28] =	ssyncset.done $0x0  }
0x88: {  	s5 =	rddreg [dreg:$0x1d];
	[sflag:s28] =	ssyncadd.s32 $0xFFFFF000  }
0x89: {  	[spmem:s5] =	stream.linear.scatter [tilespmem:s25], [sflag:$0x5], $0x1000, $0x38;
	[tilespmem:$0x1F700] =	vst v63  }
0x8a: {  	_ =	swait.ge [sflag:s28], $0x1000  }
0x8b: {  	[sflag:s28] =	ssyncset.done $0x0  }
0x8c: {  	s7 =	rddreg [dreg:$0x1e];
	[sflag:s28] =	ssyncadd.s32 $0xFFFFF000  }
0x8d: {  	[spmem:s7] =	stream.linear.scatter [tilespmem:s26], [sflag:$0x5], $0x1000, $0x38;
	[tilespmem:$0x1F700] =	vst v63  }
0x8e: {  	_ =	swait.ge [sflag:s28], $0x1000  }
0x8f: {  	[sflag:s28] =	ssyncset.done $0x0  }
0x90: {  	s3 =	rddreg [dreg:$0x1f];
	[sflag:s28] =	ssyncadd.s32 $0xFFFFF000  }
0x91: {  	[spmem:s3] =	stream.linear.scatter [tilespmem:s25], [sflag:$0x5], $0x1000, $0x38;
	[tilespmem:$0x1F700] =	vst v63  }
0x92: {  	_ =	swait.ge [sflag:s28], $0x1000  }
0x93: {  	s4 =	sld [smem:$0x7F4]  }
0x94: {  	[sflag:s28] =	ssyncset.done $0x0  }
0x95: {  	[sflag:s28] =	ssyncadd.s32 $0xFFFFF000  }
0x96: {  	[spmem:s4] =	stream.linear.scatter [tilespmem:s26], [sflag:$0x5], $0x1000, $0x38;
	[tilespmem:$0x1F700] =	vst v63  }
0x97: {  	_ =	swait.ge [sflag:s28], $0x1000  }
0x98: {  	[sflag:s28] =	ssyncset.done $0x0  }
0x99: {  	[sflag:s28] =	ssyncadd.s32 $0xFFFFF000  }
0x9a: {  	[spmem:s6] =	stream.linear.scatter [tilespmem:s25], [sflag:$0x5], $0x1000, $0x38;
	[tilespmem:$0x1F700] =	vst v63  }
0x9b: {  	_ =	swait.ge [sflag:s28], $0x1000  }
0x9c: {  	s5 =	sld [smem:$0x7F5]  }
0x9d: {  	[sflag:s28] =	ssyncset.done $0x0  }
0x9e: {  	[sflag:s28] =	ssyncadd.s32 $0xFFFFF000  }
0x9f: {  	[spmem:s5] =	stream.linear.scatter [tilespmem:s26], [sflag:$0x5], $0x1000, $0x38;
	[tilespmem:$0x1F700] =	vst v63  }
0xa0: {  	_ =	swait.ge [sflag:s28], $0x1000  }
0xa1: {  	s7 =	smov.u32 s6;
	s6 =	sld [smem:$0x7F6]  }
0xa2: {  	[sflag:s28] =	ssyncset.done $0x0  }
0xa3: {  	[sflag:s28] =	ssyncadd.s32 $0xFFFFF000  }
0xa4: {  	[spmem:s6] =	stream.linear.scatter [tilespmem:s25], [sflag:$0x5], $0x1000, $0x38;
	[tilespmem:$0x1F700] =	vst v63  }
0xa5: {  	_ =	swait.ge [sflag:s28], $0x1000  }
0xa6: {  	s3 =	sld [smem:$0x7F7]  }
0xa7: {  	[sflag:s28] =	ssyncset.done $0x0  }
0xa8: {  	[sflag:s28] =	ssyncadd.s32 $0xFFFFF000  }
0xa9: {  	[spmem:s3] =	stream.linear.scatter [tilespmem:s26], [sflag:$0x5], $0x1000, $0x38;
	[tilespmem:$0x1F700] =	vst v63  }
0xaa: {  	_ =	swait.ge [sflag:s28], $0x1000  }
0xab: {  	s4 =	sld [smem:$0x7F8]  }
0xac: {  	[sflag:s28] =	ssyncset.done $0x0  }
0xad: {  	[sflag:s28] =	ssyncadd.s32 $0xFFFFF000  }
0xae: {  	[spmem:s4] =	stream.linear.scatter [tilespmem:s25], [sflag:$0x5], $0x1000, $0x38;
	[tilespmem:$0x1F700] =	vst v63  }
0xaf: {  	_ =	swait.ge [sflag:s28], $0x1000  }
0xb0: {  	s5 =	sld [smem:$0x7F9]  }
0xb1: {  	[sflag:s28] =	ssyncset.done $0x0  }
0xb2: {  	[sflag:s28] =	ssyncadd.s32 $0xFFFFF000  }
0xb3: {  	[spmem:s5] =	stream.linear.scatter [tilespmem:s26], [sflag:$0x5], $0x1000, $0x38;
	[tilespmem:$0x1F700] =	vst v63  }
0xb4: {  	_ =	swait.ge [sflag:s28], $0x1000  }
0xb5: {  	[sflag:s28] =	ssyncset.done $0x0  }
0xb6: {  	[sflag:s28] =	ssyncadd.s32 $0xFFFFF000  }
0xb7: {  	[spmem:s8] =	stream.linear.scatter [tilespmem:s25], [sflag:$0x5], $0x1000, $0x38;
	[tilespmem:$0x1F700] =	vst v63  }
0xb8: {  	_ =	swait.ge [sflag:s28], $0x1000  }
0xb9: {  	[sflag:s28] =	ssyncset.done $0x0  }
0xba: {  	[sflag:s28] =	ssyncadd.s32 $0xFFFFF000  }
0xbb: {  	[spmem:s9] =	stream.linear.scatter [tilespmem:s26], [sflag:$0x5], $0x1000, $0x38;
	[tilespmem:$0x1F700] =	vst v63  }
0xbc: {  	_ =	swait.ge [sflag:s28], $0x1000  }
0xbd: {  	[sflag:s28] =	ssyncset.done $0x0  }
0xbe: {  	[sflag:s28] =	ssyncadd.s32 $0xFFFFF000  }
0xbf: {  	[spmem:s10] =	stream.linear.scatter [tilespmem:s25], [sflag:$0x5], $0x1000, $0x38;
	[tilespmem:$0x1F700] =	vst v63  }
0xc0: {  	_ =	swait.ge [sflag:s28], $0x1000  }
0xc1: {  	[sflag:s28] =	ssyncset.done $0x0  }
0xc2: {  	[sflag:s28] =	ssyncadd.s32 $0xFFFFF000  }
0xc3: {  	[spmem:s11] =	stream.linear.scatter [tilespmem:s26], [sflag:$0x5], $0x1000, $0x38;
	[tilespmem:$0x1F700] =	vst v63  }
0xc4: {  	_ =	swait.ge [sflag:s28], $0x1000  }
0xc5: {  	[sflag:s28] =	ssyncset.done $0x0  }
0xc6: {  	[sflag:s28] =	ssyncadd.s32 $0xFFFFF000  }
0xc7: {  	[spmem:s12] =	stream.linear.scatter [tilespmem:s25], [sflag:$0x5], $0x1000, $0x38;
	[tilespmem:$0x1F700] =	vst v63  }
0xc8: {  	_ =	swait.ge [sflag:s28], $0x1000  }
0xc9: {  	[sflag:s28] =	ssyncset.done $0x0  }
0xca: {  	[sflag:s28] =	ssyncadd.s32 $0xFFFFF000  }
0xcb: {  	[spmem:s13] =	stream.linear.scatter [tilespmem:s26], [sflag:$0x5], $0x1000, $0x38;
	[tilespmem:$0x1F700] =	vst v63  }
0xcc: {  	_ =	swait.ge [sflag:s28], $0x1000  }
0xcd: {  	[sflag:s28] =	ssyncset.done $0x0  }
0xce: {  	[sflag:s28] =	ssyncadd.s32 $0xFFFFF000  }
0xcf: {  	[spmem:s14] =	stream.linear.scatter [tilespmem:s25], [sflag:$0x5], $0x1000, $0x38;
	[tilespmem:$0x1F700] =	vst v63  }
0xd0: {  	_ =	swait.ge [sflag:s28], $0x1000  }
0xd1: {  	[sflag:s28] =	ssyncset.done $0x0  }
0xd2: {  	[sflag:s28] =	ssyncadd.s32 $0xFFFFF000  }
0xd3: {  	[spmem:s15] =	stream.linear.scatter [tilespmem:s26], [sflag:$0x5], $0x1000, $0x38;
	[tilespmem:$0x1F700] =	vst v63  }
0xd4: {  	_ =	swait.ge [sflag:s28], $0x1000  }
0xd5: {  	[sflag:s28] =	ssyncset.done $0x0  }
0xd6: {  	[sflag:s28] =	ssyncadd.s32 $0xFFFFF000  }
0xd7: {  	[spmem:s16] =	stream.linear.scatter [tilespmem:s25], [sflag:$0x5], $0x1000, $0x38;
	[tilespmem:$0x1F700] =	vst v63  }
0xd8: {  	_ =	swait.ge [sflag:s28], $0x1000  }
0xd9: {  	[sflag:s28] =	ssyncset.done $0x0  }
0xda: {  	[sflag:s28] =	ssyncadd.s32 $0xFFFFF000  }
0xdb: {  	s2 =	simm.s32 $0x0;
	[bflag:$0x0] =	sbarrier.arrive $0xFFFF  }
0xdc: {  	[tilespmem:s26], [sflag:$0x1] =	stream.indirect.gather [hbm4b:s20+s17], $0x80, s2, s17, $0xb8;
	[tilespmem:$0x1F700] =	vst v63  }
0xdd: {  	_ = 	snop  }
0xde: {  	[tilespmem:s25], [sflag:$0x2] =	stream.indirect.gather [hbm4b:s20+s17], $0x80, s17, s17, $0xb8;
	[tilespmem:$0x1F700] =	vst v63  }
0xdf: {  	s3 =	simm.s32 $0x40  }
0xe0: {  	[tilespmem:s18], [sflag:$0x3] =	stream.indirect.gather [hbm4b:s20+s17], $0x80, s3, s17, $0xb8;
	[tilespmem:$0x1F700] =	vst v63  }
0xe1: {  	s6 =	simm.s32 $0x60;
	s3 =	simm.s32 $0x0  }
0xe2: {  	[tilespmem:s19], [sflag:$0x4] =	stream.indirect.gather [hbm4b:s20+s17], $0x80, s6, s17, $0xb8;
	[tilespmem:$0x1F700] =	vst v63  }
.LBB2_6:
0xe3: {  	s4 =	sshra.s32 s2, $0x2  }
0xe4: {  	v2 =	vld [tilespmem:s4+$0x2780];
	_ =	sdelay $0x7  }
0xe5: {  	[tilespmem:v2+s24+$0x0] =	vst.idx.add.f32.msk $0xffff, v1  }
0xe6: {  	v2 =	vld [tilespmem:s4+$0x2790];
	_ =	sdelay $0x7  }
0xe7: {  	[tilespmem:v2+s24+$0x0] =	vst.idx.add.f32.msk $0xffff, v1  }
0xe8: {  	_ =	swait.ge [sflag:s29], $0x1000  }
0xe9: {  	[sflag:s29] =	ssyncset.done $0x0  }
0xea: {  	s5 =	sadd.s32 $0x2780, s4;
	[sflag:s29] =	ssyncadd.s32 $0xFFFFF000  }
0xeb: {  	[spmem:s23] =	stream.indirect.scatter.add.f32 [tilespmem:s26], [sflag:$0x5], $0x80, s5, s17, $0xb8;
	[tilespmem:$0x1F700] =	vst v63  }
0xec: {  	_ =	swait.ge [sflag:s28], $0x1000  }
0xed: {  	[sflag:s28] =	ssyncset.done $0x0  }
0xee: {  	s6 =	sadd.s32 $0x80, s4;
	[sflag:s28] =	ssyncadd.s32 $0xFFFFF000  }
0xef: {  	[tilespmem:s26], [sflag:$0x1] =	stream.indirect.gather [hbm4b:s20+s17], $0x80, s6, s17, $0xb8;
	[tilespmem:$0x1F700] =	vst v63  }
0xf0: {  	v2 =	vld [tilespmem:s4+$0x27A0];
	_ =	sdelay $0x7  }
0xf1: {  	[tilespmem:v2+s24+$0x0] =	vst.idx.add.f32.msk $0xffff, v1  }
0xf2: {  	v2 =	vld [tilespmem:s4+$0x27B0];
	_ =	sdelay $0x7  }
0xf3: {  	[tilespmem:v2+s24+$0x0] =	vst.idx.add.f32.msk $0xffff, v1  }
0xf4: {  	_ =	swait.ge [sflag:s30], $0x1000  }
0xf5: {  	[sflag:s30] =	ssyncset.done $0x0  }
0xf6: {  	s6 =	sadd.s32 $0x27A0, s4;
	[sflag:s30] =	ssyncadd.s32 $0xFFFFF000  }
0xf7: {  	[spmem:s23] =	stream.indirect.scatter.add.f32 [tilespmem:s25], [sflag:$0x5], $0x80, s6, s17, $0xb8;
	[tilespmem:$0x1F700] =	vst v63  }
0xf8: {  	_ =	swait.ge [sflag:s28], $0x1000  }
0xf9: {  	[sflag:s28] =	ssyncset.done $0x0  }
0xfa: {  	s6 =	sadd.s32 $0xA0, s4;
	[sflag:s28] =	ssyncadd.s32 $0xFFFFF000  }
0xfb: {  	[tilespmem:s25], [sflag:$0x2] =	stream.indirect.gather [hbm4b:s20+s17], $0x80, s6, s17, $0xb8;
	[tilespmem:$0x1F700] =	vst v63  }
0xfc: {  	v2 =	vld [tilespmem:s4+$0x27C0];
	_ =	sdelay $0x7  }
0xfd: {  	[tilespmem:v2+s24+$0x0] =	vst.idx.add.f32.msk $0xffff, v1  }
0xfe: {  	v2 =	vld [tilespmem:s4+$0x27D0];
	_ =	sdelay $0x7  }
0xff: {  	[tilespmem:v2+s24+$0x0] =	vst.idx.add.f32.msk $0xffff, v1  }
0x100: {  	_ =	swait.ge [sflag:s31], $0x1000  }
0x101: {  	[sflag:s31] =	ssyncset.done $0x0  }
0x102: {  	s6 =	sadd.s32 $0x27C0, s4;
	[sflag:s31] =	ssyncadd.s32 $0xFFFFF000  }
0x103: {  	[spmem:s23] =	stream.indirect.scatter.add.f32 [tilespmem:s18], [sflag:$0x5], $0x80, s6, s17, $0xb8;
	[tilespmem:$0x1F700] =	vst v63  }
0x104: {  	_ =	swait.ge [sflag:s28], $0x1000  }
0x105: {  	[sflag:s28] =	ssyncset.done $0x0  }
0x106: {  	s6 =	sadd.s32 $0xC0, s4;
	[sflag:s28] =	ssyncadd.s32 $0xFFFFF000  }
0x107: {  	[tilespmem:s18], [sflag:$0x3] =	stream.indirect.gather [hbm4b:s20+s17], $0x80, s6, s17, $0xb8;
	[tilespmem:$0x1F700] =	vst v63  }
0x108: {  	v2 =	vld [tilespmem:s4+$0x27E0];
	_ =	sdelay $0x7  }
0x109: {  	[tilespmem:v2+s24+$0x0] =	vst.idx.add.f32.msk $0xffff, v1  }
0x10a: {  	v2 =	vld [tilespmem:s4+$0x27F0];
	_ =	sdelay $0x7  }
0x10b: {  	[tilespmem:v2+s24+$0x0] =	vst.idx.add.f32.msk $0xffff, v1  }
0x10c: {  	_ =	swait.ge [sflag:s21], $0x1000  }
0x10d: {  	s2 =	sadd.s32 $0x200, s2;
	[sflag:s21] =	ssyncset.done $0x0  }
0x10e: {  	p1 =	sne.s32 s22, s2;
	s6 =	sadd.s32 $0x27E0, s4;
	[sflag:s21] =	ssyncadd.s32 $0xFFFFF000  }
0x10f: {  	[spmem:s23] =	stream.indirect.scatter.add.f32 [tilespmem:s19], [sflag:$0x5], $0x80, s6, s17, $0xb8;
	[tilespmem:$0x1F700] =	vst v63  }
.Ltmp2:
0x110: {  	_ = 	snop;
	(pc) =	sbr.rel @p1 .LBB2_6-.Ltmp2, $4  }
0x111: {  	_ =	swait.ge [sflag:s28], $0x1000  }
0x112: {  	[sflag:s28] =	ssyncset.done $0x0  }
0x113: {  	s3 =	sadd.s32 $0x1, s3;
	s4 =	sadd.s32 $0xE0, s4;
	[sflag:s28] =	ssyncadd.s32 $0xFFFFF000  }
0x114: {  	[tilespmem:s19], [sflag:$0x4] =	stream.indirect.gather [hbm4b:s20+s17], $0x80, s4, s17, $0xb8;
	[tilespmem:$0x1F700] =	vst v63  }
0x115: {  	s4 =	sshra.s32 s2, $0x2  }
0x116: {  	v2 =	vld [tilespmem:s4+$0x2780];
	_ =	sdelay $0x7  }
0x117: {  	[tilespmem:v2+s24+$0x0] =	vst.idx.add.f32.msk $0xffff, v1  }
0x118: {  	v2 =	vld [tilespmem:s4+$0x2790];
	_ =	sdelay $0x7  }
0x119: {  	[tilespmem:v2+s24+$0x0] =	vst.idx.add.f32.msk $0xffff, v1  }
0x11a: {  	_ =	swait.ge [sflag:s29], $0x1000  }
0x11b: {  	[sflag:s29] =	ssyncset.done $0x0  }
0x11c: {  	s5 =	sadd.s32 $0x2780, s4;
	[sflag:s29] =	ssyncadd.s32 $0xFFFFF000  }
0x11d: {  	[spmem:s23] =	stream.indirect.scatter.add.f32 [tilespmem:s26], [sflag:$0x5], $0x80, s5, s17, $0xb8;
	[tilespmem:$0x1F700] =	vst v63  }
0x11e: {  	_ =	swait.ge [sflag:s28], $0x1000  }
0x11f: {  	s6 =	sld [smem:$0x7FA];
	_ =	sdelay $0x2  }
0x120: {  	[sflag:s28] =	ssyncset.done $0x0;
	p1 =	sge.u32 s3, s6  }
0x121: {  	[sflag:s28] =	ssyncadd.s32 $0xFFFFF000;
	s2 =	sshra.s32 @!p1 s2, $0x2  }
0x122: {  	s5 =	simm.s32 @!p1 $0x20;
	s6 =	simm.s32 @!p1 $0x4F00;
	s3 =	sadd.s32 @!p1 $0x80, s2  }
0x123: {  	[tilespmem:s6], [sflag:$0x1] =	stream.indirect.gather @!p1 [hbm4b:s20+s5], $0x80, s3, s5, $0xb8;
	[tilespmem:$0x1F700] =	vst v63  }
0x124: {  	v2 =	vld [tilespmem:s4+$0x27A0];
	_ =	sdelay $0x7  }
0x125: {  	[tilespmem:v2+s24+$0x0] =	vst.idx.add.f32.msk $0xffff, v1  }
0x126: {  	v2 =	vld [tilespmem:s4+$0x27B0];
	_ =	sdelay $0x7  }
0x127: {  	[tilespmem:v2+s24+$0x0] =	vst.idx.add.f32.msk $0xffff, v1  }
0x128: {  	_ =	swait.ge [sflag:s30], $0x1000  }
0x129: {  	[sflag:s30] =	ssyncset.done $0x0  }
0x12a: {  	s6 =	sadd.s32 $0x27A0, s4;
	[sflag:s30] =	ssyncadd.s32 $0xFFFFF000  }
0x12b: {  	[spmem:s23] =	stream.indirect.scatter.add.f32 [tilespmem:s25], [sflag:$0x5], $0x80, s6, s17, $0xb8;
	[tilespmem:$0x1F700] =	vst v63  }
0x12c: {  	_ =	swait.ge [sflag:s28], $0x1000  }
0x12d: {  	[sflag:s28] =	ssyncset.done $0x0  }
0x12e: {  	s3 =	sadd.s32 @!p1 $0xA0, s2;
	s6 =	simm.s32 @!p1 $0x5F00;
	[sflag:s28] =	ssyncadd.s32 $0xFFFFF000  }
0x12f: {  	[tilespmem:s6], [sflag:$0x2] =	stream.indirect.gather @!p1 [hbm4b:s20+s5], $0x80, s3, s5, $0xb8;
	[tilespmem:$0x1F700] =	vst v63  }
0x130: {  	v2 =	vld [tilespmem:s4+$0x27C0];
	_ =	sdelay $0x7  }
0x131: {  	[tilespmem:v2+s24+$0x0] =	vst.idx.add.f32.msk $0xffff, v1  }
0x132: {  	v2 =	vld [tilespmem:s4+$0x27D0];
	_ =	sdelay $0x7  }
0x133: {  	[tilespmem:v2+s24+$0x0] =	vst.idx.add.f32.msk $0xffff, v1  }
0x134: {  	_ =	swait.ge [sflag:s31], $0x1000  }
0x135: {  	[sflag:s31] =	ssyncset.done $0x0  }
0x136: {  	s6 =	sadd.s32 $0x27C0, s4;
	[sflag:s31] =	ssyncadd.s32 $0xFFFFF000  }
0x137: {  	[spmem:s23] =	stream.indirect.scatter.add.f32 [tilespmem:s18], [sflag:$0x5], $0x80, s6, s17, $0xb8;
	[tilespmem:$0x1F700] =	vst v63  }
0x138: {  	_ =	swait.ge [sflag:s28], $0x1000  }
0x139: {  	[sflag:s28] =	ssyncset.done $0x0  }
0x13a: {  	s3 =	sadd.s32 @!p1 $0xC0, s2;
	s6 =	simm.s32 @!p1 $0x6F00;
	[sflag:s28] =	ssyncadd.s32 $0xFFFFF000  }
0x13b: {  	[tilespmem:s6], [sflag:$0x3] =	stream.indirect.gather @!p1 [hbm4b:s20+s5], $0x80, s3, s5, $0xb8;
	[tilespmem:$0x1F700] =	vst v63  }
0x13c: {  	v2 =	vld [tilespmem:s4+$0x27E0];
	_ =	sdelay $0x7  }
0x13d: {  	[tilespmem:v2+s24+$0x0] =	vst.idx.add.f32.msk $0xffff, v1  }
0x13e: {  	v2 =	vld [tilespmem:s4+$0x27F0];
	_ =	sdelay $0x7  }
0x13f: {  	[tilespmem:v2+s24+$0x0] =	vst.idx.add.f32.msk $0xffff, v1  }
0x140: {  	_ =	swait.ge [sflag:s21], $0x1000  }
0x141: {  	[sflag:s21] =	ssyncset.done $0x0  }
0x142: {  	s6 =	sadd.s32 $0x27E0, s4;
	[sflag:s21] =	ssyncadd.s32 $0xFFFFF000  }
0x143: {  	[spmem:s23] =	stream.indirect.scatter.add.f32 [tilespmem:s19], [sflag:$0x5], $0x80, s6, s17, $0xb8;
	[tilespmem:$0x1F700] =	vst v63  }
0x144: {  	_ =	swait.ge [sflag:s28], $0x1000  }
0x145: {  	[sflag:s28] =	ssyncset.done $0x0  }
0x146: {  	s2 =	sadd.s32 @!p1 $0xE0, s2;
	s3 =	simm.s32 @!p1 $0x7F00;
	[sflag:s28] =	ssyncadd.s32 $0xFFFFF000  }
0x147: {  	[tilespmem:s3], [sflag:$0x4] =	stream.indirect.gather @!p1 [hbm4b:s20+s5], $0x80, s2, s5, $0xb8;
	[tilespmem:$0x1F700] =	vst v63  }
0x148: {  	s3 =	sld [smem:$0x7FB];
	_ =	sdelay $0x2  }
0x149: {  	[hbm4b:s3+s1] =	stream.linear.scatter [tilespmem:s24], [sflag:$0x5], $0x2800, $0x38;
	[tilespmem:$0x1F700] =	vst v63  }
0x14a: {  	_ =	swait.ge [sflag:s28], $0x2800  }
0x14b: {  	[sflag:s28] =	ssyncset.done $0x0  }
0x14c: {  	[sflag:s28] =	ssyncadd.s32 $0xFFFFD800  }
0x14d: {  	[bflag:$0x0] =	sbarrier.arrive $0xFFFF  }
0x14e: {  	s4 =	rddreg [dreg:$0x1c]  }
0x14f: {  	[tilespmem:s26], [sflag:$0x5] =	stream.linear.gather [spmem:s4], $0x1000, $0x38;
	[tilespmem:$0x1F700] =	vst v63  }
0x150: {  	_ =	swait.ge [sflag:s28], $0x1000  }
0x151: {  	[sflag:s28] =	ssyncset.done $0x0  }
0x152: {  	s5 =	rddreg [dreg:$0x1d];
	[sflag:s28] =	ssyncadd.s32 $0xFFFFF000  }
0x153: {  	[tilespmem:s25], [sflag:$0x5] =	stream.linear.gather [spmem:s5], $0x1000, $0x38;
	[tilespmem:$0x1F700] =	vst v63  }
0x154: {  	_ =	swait.ge [sflag:s28], $0x1000  }
0x155: {  	[sflag:s28] =	ssyncset.done $0x0  }
0x156: {  	s6 =	rddreg [dreg:$0x5];
	[sflag:s28] =	ssyncadd.s32 $0xFFFFF000  }
0x157: {  	[hbm4b:s6+s1] =	stream.linear.scatter [tilespmem:s26], [sflag:$0x5], $0x1000, $0x38;
	[tilespmem:$0x1F700] =	vst v63  }
0x158: {  	_ =	swait.ge [sflag:s28], $0x1000  }
0x159: {  	[sflag:s28] =	ssyncset.done $0x0  }
0x15a: {  	s3 =	rddreg [dreg:$0x6];
	[sflag:s28] =	ssyncadd.s32 $0xFFFFF000  }
0x15b: {  	[hbm4b:s3+s1] =	stream.linear.scatter [tilespmem:s25], [sflag:$0x5], $0x1000, $0x38;
	[tilespmem:$0x1F700] =	vst v63  }
0x15c: {  	_ =	swait.ge [sflag:s28], $0x1000  }
0x15d: {  	[sflag:s28] =	ssyncset.done $0x0  }
0x15e: {  	s4 =	rddreg [dreg:$0x1e];
	[sflag:s28] =	ssyncadd.s32 $0xFFFFF000  }
0x15f: {  	[tilespmem:s26], [sflag:$0x5] =	stream.linear.gather [spmem:s4], $0x1000, $0x38;
	[tilespmem:$0x1F700] =	vst v63  }
0x160: {  	_ =	swait.ge [sflag:s28], $0x1000  }
0x161: {  	[sflag:s28] =	ssyncset.done $0x0  }
0x162: {  	s5 =	rddreg [dreg:$0x1f];
	[sflag:s28] =	ssyncadd.s32 $0xFFFFF000  }
0x163: {  	[tilespmem:s25], [sflag:$0x5] =	stream.linear.gather [spmem:s5], $0x1000, $0x38;
	[tilespmem:$0x1F700] =	vst v63  }
0x164: {  	_ =	swait.ge [sflag:s28], $0x1000  }
0x165: {  	[sflag:s28] =	ssyncset.done $0x0  }
0x166: {  	s6 =	rddreg [dreg:$0x7];
	[sflag:s28] =	ssyncadd.s32 $0xFFFFF000  }
0x167: {  	[hbm4b:s6+s1] =	stream.linear.scatter [tilespmem:s26], [sflag:$0x5], $0x1000, $0x38;
	[tilespmem:$0x1F700] =	vst v63  }
0x168: {  	_ =	swait.ge [sflag:s28], $0x1000  }
0x169: {  	[sflag:s28] =	ssyncset.done $0x0  }
0x16a: {  	s3 =	rddreg [dreg:$0x8];
	[sflag:s28] =	ssyncadd.s32 $0xFFFFF000  }
0x16b: {  	[hbm4b:s3+s1] =	stream.linear.scatter [tilespmem:s25], [sflag:$0x5], $0x1000, $0x38;
	[tilespmem:$0x1F700] =	vst v63  }
0x16c: {  	_ =	swait.ge [sflag:s28], $0x1000  }
0x16d: {  	s4 =	sld [smem:$0x7F4]  }
0x16e: {  	[sflag:s28] =	ssyncset.done $0x0  }
0x16f: {  	[sflag:s28] =	ssyncadd.s32 $0xFFFFF000  }
0x170: {  	[tilespmem:s26], [sflag:$0x5] =	stream.linear.gather [spmem:s4], $0x1000, $0x38;
	[tilespmem:$0x1F700] =	vst v63  }
0x171: {  	_ =	swait.ge [sflag:s28], $0x1000  }
0x172: {  	[sflag:s28] =	ssyncset.done $0x0  }
0x173: {  	[sflag:s28] =	ssyncadd.s32 $0xFFFFF000  }
0x174: {  	[tilespmem:s25], [sflag:$0x5] =	stream.linear.gather [spmem:s7], $0x1000, $0x38;
	[tilespmem:$0x1F700] =	vst v63  }
0x175: {  	_ =	swait.ge [sflag:s28], $0x1000  }
0x176: {  	[sflag:s28] =	ssyncset.done $0x0  }
0x177: {  	s5 =	rddreg [dreg:$0x9];
	[sflag:s28] =	ssyncadd.s32 $0xFFFFF000  }
0x178: {  	[hbm4b:s5+s1] =	stream.linear.scatter [tilespmem:s26], [sflag:$0x5], $0x1000, $0x38;
	[tilespmem:$0x1F700] =	vst v63  }
0x179: {  	_ =	swait.ge [sflag:s28], $0x1000  }
0x17a: {  	[sflag:s28] =	ssyncset.done $0x0  }
0x17b: {  	s6 =	smov.u32 s7;
	s7 =	rddreg [dreg:$0xa];
	[sflag:s28] =	ssyncadd.s32 $0xFFFFF000  }
0x17c: {  	[hbm4b:s7+s1] =	stream.linear.scatter [tilespmem:s25], [sflag:$0x5], $0x1000, $0x38;
	[tilespmem:$0x1F700] =	vst v63  }
0x17d: {  	_ =	swait.ge [sflag:s28], $0x1000  }
0x17e: {  	s3 =	sld [smem:$0x7F5]  }
0x17f: {  	[sflag:s28] =	ssyncset.done $0x0  }
0x180: {  	[sflag:s28] =	ssyncadd.s32 $0xFFFFF000  }
0x181: {  	[tilespmem:s26], [sflag:$0x5] =	stream.linear.gather [spmem:s3], $0x1000, $0x38;
	[tilespmem:$0x1F700] =	vst v63  }
0x182: {  	_ =	swait.ge [sflag:s28], $0x1000  }
0x183: {  	s4 =	sld [smem:$0x7F6]  }
0x184: {  	[sflag:s28] =	ssyncset.done $0x0  }
0x185: {  	[sflag:s28] =	ssyncadd.s32 $0xFFFFF000  }
0x186: {  	[tilespmem:s25], [sflag:$0x5] =	stream.linear.gather [spmem:s4], $0x1000, $0x38;
	[tilespmem:$0x1F700] =	vst v63  }
0x187: {  	_ =	swait.ge [sflag:s28], $0x1000  }
0x188: {  	[sflag:s28] =	ssyncset.done $0x0  }
0x189: {  	s5 =	rddreg [dreg:$0xb];
	[sflag:s28] =	ssyncadd.s32 $0xFFFFF000  }
0x18a: {  	[hbm4b:s5+s1] =	stream.linear.scatter [tilespmem:s26], [sflag:$0x5], $0x1000, $0x38;
	[tilespmem:$0x1F700] =	vst v63  }
0x18b: {  	_ =	swait.ge [sflag:s28], $0x1000  }
0x18c: {  	[sflag:s28] =	ssyncset.done $0x0  }
0x18d: {  	s7 =	rddreg [dreg:$0xc];
	[sflag:s28] =	ssyncadd.s32 $0xFFFFF000  }
0x18e: {  	[hbm4b:s7+s1] =	stream.linear.scatter [tilespmem:s25], [sflag:$0x5], $0x1000, $0x38;
	[tilespmem:$0x1F700] =	vst v63  }
0x18f: {  	_ =	swait.ge [sflag:s28], $0x1000  }
0x190: {  	s3 =	sld [smem:$0x7F7]  }
0x191: {  	[sflag:s28] =	ssyncset.done $0x0  }
0x192: {  	[sflag:s28] =	ssyncadd.s32 $0xFFFFF000  }
0x193: {  	[tilespmem:s26], [sflag:$0x5] =	stream.linear.gather [spmem:s3], $0x1000, $0x38;
	[tilespmem:$0x1F700] =	vst v63  }
0x194: {  	_ =	swait.ge [sflag:s28], $0x1000  }
0x195: {  	s4 =	sld [smem:$0x7F8]  }
0x196: {  	[sflag:s28] =	ssyncset.done $0x0  }
0x197: {  	[sflag:s28] =	ssyncadd.s32 $0xFFFFF000  }
0x198: {  	[tilespmem:s25], [sflag:$0x5] =	stream.linear.gather [spmem:s4], $0x1000, $0x38;
	[tilespmem:$0x1F700] =	vst v63  }
0x199: {  	_ =	swait.ge [sflag:s28], $0x1000  }
0x19a: {  	[sflag:s28] =	ssyncset.done $0x0  }
0x19b: {  	s5 =	rddreg [dreg:$0xd];
	[sflag:s28] =	ssyncadd.s32 $0xFFFFF000  }
0x19c: {  	[hbm4b:s5+s1] =	stream.linear.scatter [tilespmem:s26], [sflag:$0x5], $0x1000, $0x38;
	[tilespmem:$0x1F700] =	vst v63  }
0x19d: {  	_ =	swait.ge [sflag:s28], $0x1000  }
0x19e: {  	[sflag:s28] =	ssyncset.done $0x0  }
0x19f: {  	s7 =	rddreg [dreg:$0xe];
	[sflag:s28] =	ssyncadd.s32 $0xFFFFF000  }
0x1a0: {  	[hbm4b:s7+s1] =	stream.linear.scatter [tilespmem:s25], [sflag:$0x5], $0x1000, $0x38;
	[tilespmem:$0x1F700] =	vst v63  }
0x1a1: {  	_ =	swait.ge [sflag:s28], $0x1000  }
0x1a2: {  	s3 =	sld [smem:$0x7F9]  }
0x1a3: {  	[sflag:s28] =	ssyncset.done $0x0  }
0x1a4: {  	[sflag:s28] =	ssyncadd.s32 $0xFFFFF000  }
0x1a5: {  	[tilespmem:s26], [sflag:$0x5] =	stream.linear.gather [spmem:s3], $0x1000, $0x38;
	[tilespmem:$0x1F700] =	vst v63  }
0x1a6: {  	_ =	swait.ge [sflag:s28], $0x1000  }
0x1a7: {  	[sflag:s28] =	ssyncset.done $0x0  }
0x1a8: {  	[sflag:s28] =	ssyncadd.s32 $0xFFFFF000  }
0x1a9: {  	[tilespmem:s25], [sflag:$0x5] =	stream.linear.gather [spmem:s8], $0x1000, $0x38;
	[tilespmem:$0x1F700] =	vst v63  }
0x1aa: {  	_ =	swait.ge [sflag:s28], $0x1000  }
0x1ab: {  	[sflag:s28] =	ssyncset.done $0x0  }
0x1ac: {  	s4 =	rddreg [dreg:$0xf];
	[sflag:s28] =	ssyncadd.s32 $0xFFFFF000  }
0x1ad: {  	[hbm4b:s4+s1] =	stream.linear.scatter [tilespmem:s26], [sflag:$0x5], $0x1000, $0x38;
	[tilespmem:$0x1F700] =	vst v63  }
0x1ae: {  	_ =	swait.ge [sflag:s28], $0x1000  }
0x1af: {  	[sflag:s28] =	ssyncset.done $0x0  }
0x1b0: {  	s5 =	rddreg [dreg:$0x10];
	[sflag:s28] =	ssyncadd.s32 $0xFFFFF000  }
0x1b1: {  	[hbm4b:s5+s1] =	stream.linear.scatter [tilespmem:s25], [sflag:$0x5], $0x1000, $0x38;
	[tilespmem:$0x1F700] =	vst v63  }
0x1b2: {  	_ =	swait.ge [sflag:s28], $0x1000  }
0x1b3: {  	[sflag:s28] =	ssyncset.done $0x0  }
0x1b4: {  	[sflag:s28] =	ssyncadd.s32 $0xFFFFF000  }
0x1b5: {  	[tilespmem:s26], [sflag:$0x5] =	stream.linear.gather [spmem:s9], $0x1000, $0x38;
	[tilespmem:$0x1F700] =	vst v63  }
0x1b6: {  	_ =	swait.ge [sflag:s28], $0x1000  }
0x1b7: {  	[sflag:s28] =	ssyncset.done $0x0  }
0x1b8: {  	[sflag:s28] =	ssyncadd.s32 $0xFFFFF000  }
0x1b9: {  	[tilespmem:s25], [sflag:$0x5] =	stream.linear.gather [spmem:s10], $0x1000, $0x38;
	[tilespmem:$0x1F700] =	vst v63  }
0x1ba: {  	_ =	swait.ge [sflag:s28], $0x1000  }
0x1bb: {  	[sflag:s28] =	ssyncset.done $0x0  }
0x1bc: {  	s7 =	rddreg [dreg:$0x11];
	[sflag:s28] =	ssyncadd.s32 $0xFFFFF000  }
0x1bd: {  	[hbm4b:s7+s1] =	stream.linear.scatter [tilespmem:s26], [sflag:$0x5], $0x1000, $0x38;
	[tilespmem:$0x1F700] =	vst v63  }
0x1be: {  	_ =	swait.ge [sflag:s28], $0x1000  }
0x1bf: {  	[sflag:s28] =	ssyncset.done $0x0  }
0x1c0: {  	s3 =	rddreg [dreg:$0x12];
	[sflag:s28] =	ssyncadd.s32 $0xFFFFF000  }
0x1c1: {  	[hbm4b:s3+s1] =	stream.linear.scatter [tilespmem:s25], [sflag:$0x5], $0x1000, $0x38;
	[tilespmem:$0x1F700] =	vst v63  }
0x1c2: {  	_ =	swait.ge [sflag:s28], $0x1000  }
0x1c3: {  	[sflag:s28] =	ssyncset.done $0x0  }
0x1c4: {  	[sflag:s28] =	ssyncadd.s32 $0xFFFFF000  }
0x1c5: {  	[tilespmem:s26], [sflag:$0x5] =	stream.linear.gather [spmem:s11], $0x1000, $0x38;
	[tilespmem:$0x1F700] =	vst v63  }
0x1c6: {  	_ =	swait.ge [sflag:s28], $0x1000  }
0x1c7: {  	[sflag:s28] =	ssyncset.done $0x0  }
0x1c8: {  	[sflag:s28] =	ssyncadd.s32 $0xFFFFF000  }
0x1c9: {  	[tilespmem:s25], [sflag:$0x5] =	stream.linear.gather [spmem:s12], $0x1000, $0x38;
	[tilespmem:$0x1F700] =	vst v63  }
0x1ca: {  	_ =	swait.ge [sflag:s28], $0x1000  }
0x1cb: {  	[sflag:s28] =	ssyncset.done $0x0  }
0x1cc: {  	s4 =	rddreg [dreg:$0x13];
	[sflag:s28] =	ssyncadd.s32 $0xFFFFF000  }
0x1cd: {  	[hbm4b:s4+s1] =	stream.linear.scatter [tilespmem:s26], [sflag:$0x5], $0x1000, $0x38;
	[tilespmem:$0x1F700] =	vst v63  }
0x1ce: {  	_ =	swait.ge [sflag:s28], $0x1000  }
0x1cf: {  	[sflag:s28] =	ssyncset.done $0x0  }
0x1d0: {  	s5 =	rddreg [dreg:$0x14];
	[sflag:s28] =	ssyncadd.s32 $0xFFFFF000  }
0x1d1: {  	[hbm4b:s5+s1] =	stream.linear.scatter [tilespmem:s25], [sflag:$0x5], $0x1000, $0x38;
	[tilespmem:$0x1F700] =	vst v63  }
0x1d2: {  	_ =	swait.ge [sflag:s28], $0x1000  }
0x1d3: {  	[sflag:s28] =	ssyncset.done $0x0  }
0x1d4: {  	[sflag:s28] =	ssyncadd.s32 $0xFFFFF000  }
0x1d5: {  	[tilespmem:s26], [sflag:$0x5] =	stream.linear.gather [spmem:s13], $0x1000, $0x38;
	[tilespmem:$0x1F700] =	vst v63  }
0x1d6: {  	_ =	swait.ge [sflag:s28], $0x1000  }
0x1d7: {  	[sflag:s28] =	ssyncset.done $0x0  }
0x1d8: {  	[sflag:s28] =	ssyncadd.s32 $0xFFFFF000  }
0x1d9: {  	[tilespmem:s25], [sflag:$0x5] =	stream.linear.gather [spmem:s14], $0x1000, $0x38;
	[tilespmem:$0x1F700] =	vst v63  }
0x1da: {  	_ =	swait.ge [sflag:s28], $0x1000  }
0x1db: {  	[sflag:s28] =	ssyncset.done $0x0  }
0x1dc: {  	s7 =	rddreg [dreg:$0x15];
	[sflag:s28] =	ssyncadd.s32 $0xFFFFF000  }
0x1dd: {  	[hbm4b:s7+s1] =	stream.linear.scatter [tilespmem:s26], [sflag:$0x5], $0x1000, $0x38;
	[tilespmem:$0x1F700] =	vst v63  }
0x1de: {  	_ =	swait.ge [sflag:s28], $0x1000  }
0x1df: {  	[sflag:s28] =	ssyncset.done $0x0  }
0x1e0: {  	s3 =	rddreg [dreg:$0x16];
	[sflag:s28] =	ssyncadd.s32 $0xFFFFF000  }
0x1e1: {  	[hbm4b:s3+s1] =	stream.linear.scatter [tilespmem:s25], [sflag:$0x5], $0x1000, $0x38;
	[tilespmem:$0x1F700] =	vst v63  }
0x1e2: {  	_ =	swait.ge [sflag:s28], $0x1000  }
0x1e3: {  	[sflag:s28] =	ssyncset.done $0x0  }
0x1e4: {  	[sflag:s28] =	ssyncadd.s32 $0xFFFFF000  }
0x1e5: {  	[tilespmem:s26], [sflag:$0x5] =	stream.linear.gather [spmem:s15], $0x1000, $0x38;
	[tilespmem:$0x1F700] =	vst v63  }
0x1e6: {  	_ =	swait.ge [sflag:s28], $0x1000  }
0x1e7: {  	[sflag:s28] =	ssyncset.done $0x0  }
0x1e8: {  	[sflag:s28] =	ssyncadd.s32 $0xFFFFF000  }
0x1e9: {  	[tilespmem:s25], [sflag:$0x5] =	stream.linear.gather [spmem:s16], $0x1000, $0x38;
	[tilespmem:$0x1F700] =	vst v63  }
0x1ea: {  	_ =	swait.ge [sflag:s28], $0x1000  }
0x1eb: {  	[sflag:s28] =	ssyncset.done $0x0  }
0x1ec: {  	s4 =	rddreg [dreg:$0x17];
	[sflag:s28] =	ssyncadd.s32 $0xFFFFF000  }
0x1ed: {  	[hbm4b:s4+s1] =	stream.linear.scatter [tilespmem:s26], [sflag:$0x5], $0x1000, $0x38;
	[tilespmem:$0x1F700] =	vst v63  }
0x1ee: {  	_ =	swait.ge [sflag:s28], $0x1000  }
0x1ef: {  	[sflag:s28] =	ssyncset.done $0x0  }
0x1f0: {  	s5 =	rddreg [dreg:$0x18];
	[sflag:s28] =	ssyncadd.s32 $0xFFFFF000  }
0x1f1: {  	[hbm4b:s5+s1] =	stream.linear.scatter [tilespmem:s25], [sflag:$0x5], $0x1000, $0x38;
	[tilespmem:$0x1F700] =	vst v63  }
0x1f2: {  	_ =	swait.ge [sflag:s28], $0x1000  }
0x1f3: {  	s7 =	sld [smem:$0x7FC];
	_ =	sdelay $0x1  }
0x1f4: {  	s0 =	sadd.s32 $0x1, s0  }
0x1f5: {  	p1 =	sne.s32 s0, s7  }
.Ltmp3:
0x1f6: {  	_ = 	snop;
	(pc) =	sbr.rel @p1 .LBB2_1-.Ltmp3, $3  }
0x1f7: {  	_ =	sdelay $0x1  }
0x1f8: {  	[sflag:s28] =	ssyncset.done $0x0  }
0x1f9: {  	[sflag:s28] =	ssyncadd.s32 $0xFFFFF000  }
0x1fa: {  	_ =	sfence.sel $0x180000  }
0x1fb: {  	[bflag:$0x0] =	sbarrier.arrive $0xFFFF  }
0x1fc: {  	_ =	strace $0x90000047  }
0x1fd: {  	s0 =	stileid.u32;
	[bflag:$0x2] =	sbarrier.arrive $0xFFFF  }
0x1fe: {  	p0 =	sne.s32 s0, $0x0;
	s0 =	rddreg [dreg:$0x4]  }
0x1ff: {  	s0 =	sadd.s32 @!p0 $0x100000, s0  }
0x200: {  	[sflag:s0] =	ssyncadd.tile.s32 @!p0 $0x1;
	_ =	shalt  }
.Lfunc_end2:
_tile_overlayer_lowered:
.L_overlay_start_2:
0x201: {  	(tag) =	ssettag $0x2  }
0x202: {  	s0 =	rddreg [dreg:$0x0];
	s2 =	stileid.u32  }
0x203: {  	s1 =	rddreg [dreg:$0x1];
	p0 =	sne.s32 s2, $0x0  }
0x204: {  	s3 =	rddreg [dreg:$0x2];
	[bflag:$0x3] =	sbarrier.arrive $0xFFFF;
	s2 =	simm.s32 @!p0 $0x1C05  }
0x205: {  	[timem:s3], [sflag:s2] =	dma.local @!p0 [hbm:s0], s1  }
0x206: {  	s0 =	simm.s32 @!p0 $0x5  }
0x207: {  	_ =	swait.ge @!p0 [sflag:s0], s1  }
0x208: {  	s1 =	ssub.s32 @!p0 $0x0, s1;
	[sflag:s0] =	ssyncset.done @!p0 $0x0  }
0x209: {  	[sflag:s0] =	ssyncadd.s32 @!p0 s1  }
0x20a: {  	[bflag:$0x3] =	sbarrier.arrive $0xFFFF  }
0x20b: {  	_ =	shalt  }

</sc_bundles>
